<compile_context>
chip_gen: v7x
topology: tpu7x:2x2x1
jax: 0.10.2.dev20260603
libtpu: 0.0.44.dev20260713+nightly
codegen_flags: <defaults>
</compile_context>

<pallas_src>
import functools

import jax
import jax.numpy as jnp
from jax import lax
from jax.experimental import pallas as pl
from jax.experimental.pallas import tpu as pltpu
from jax.experimental.pallas import tpu_sc as plsc

_N, _D, _E = 50000, 256, 100000
_NC, _NS = 2, 16
_NW = _NC * _NS
_B = 40
_NCHT = _E // _B
_T = 80
_CHB = 2 * _B
_NBLK = _B * _D // 1024
_MIDI = _E * _D // 1024

_mesh = plsc.VectorSubcoreMesh(core_axis_name="c", subcore_axis_name="s")


@functools.partial(
    pl.kernel,
    out_type=jax.ShapeDtypeStruct((_MIDI, 8, 128), jnp.float32),
    mesh=_mesh,
    scratch_types=[
        [pltpu.VMEM((_CHB,), jnp.int32) for _ in range(4)],
        [pltpu.VMEM((_CHB, _D), jnp.float32) for _ in range(4)],
        [pltpu.VMEM((_NBLK, 8, 128), jnp.float32) for _ in range(2)],
        [pltpu.SemaphoreType.DMA for _ in range(4)],
        [pltpu.SemaphoreType.DMA for _ in range(4)],
        [pltpu.SemaphoreType.DMA for _ in range(2)],
    ],
    compiler_params=pltpu.CompilerParams(use_tc_tiling_on_sc=False),
)
def _sc_edges(x_hbm, idx_hbm, mid_hbm, ib, gb, rb, isem, gsem, ssem):
    w = lax.axis_index("s") * _NC + lax.axis_index("c")

    def valid(t):
        return w + t * _NW < _NCHT

    def idx_copy(t, k):
        return pltpu.make_async_copy(idx_hbm.at[w + t * _NW], ib[k], isem[k])

    def gather_copy(k):
        return pltpu.make_async_copy(x_hbm.at[ib[k]], gb[k], gsem[k])

    def scatter_copy(t, k2):
        base = (w + t * _NW) * _NBLK
        return pltpu.make_async_copy(rb[k2], mid_hbm.at[pl.ds(base, _NBLK)],
                                     ssem[k2])

    def issue_idx(t, k):
        @pl.when(valid(t))
        def _():
            idx_copy(t, k).start()

    def wait_idx(t, k):
        @pl.when(valid(t))
        def _():
            idx_copy(t, k).wait()

    def issue_gather(t, k):
        @pl.when(valid(t))
        def _():
            gather_copy(k).start()

    def wait_gather(t, k):
        @pl.when(valid(t))
        def _():
            gather_copy(k).wait()

    def issue_scatter(t, k2):
        @pl.when(valid(t))
        def _():
            scatter_copy(t, k2).start()

    def wait_scatter(t, k2):
        @pl.when((t >= 0) & valid(t))
        def _():
            scatter_copy(t, k2).wait()

    def compute(t, k, k2):
        @pl.when(valid(t))
        def _():
            src, dst = gb[k], rb[k2]

            def row_body(j, rc):
                jhi = j // 8
                jlo = j % 8
                for q in range(_D // 16):
                    v0 = src[2 * j, pl.ds(q * 16, 16)]
                    v1 = src[2 * j + 1, pl.ds(q * 16, 16)]
                    dst[2 * jhi + q // 8, jlo, pl.ds((q % 8) * 16, 16)] = (
                        (v0 + v1) * 0.5)
                return rc

            lax.fori_loop(0, _B, row_body, 0, unroll=False)

    for t in range(3):
        issue_idx(t, t)
    for t in range(3):
        wait_idx(t, t)
        issue_gather(t, t)
    issue_idx(3, 3)

    def step(u, carry):
        for k in range(4):
            t = 4 * u + k
            k3 = (k + 3) % 4
            k2 = k % 2
            wait_gather(t, k)
            issue_idx(t + 4, k)
            wait_idx(t + 3, k3)
            issue_gather(t + 3, k3)
            wait_scatter(t - 2, k2)
            compute(t, k, k2)
            issue_scatter(t, k2)
        return carry

    lax.fori_loop(0, _T // 4, step, 0, unroll=False)

    wait_scatter(_T - 2, 0)
    wait_scatter(_T - 1, 1)


_TOPR = 2000


def _tc_top_body(x_ref, o_ref):
    o_ref[...] = x_ref[...]


_tc_top = pl.pallas_call(
    _tc_top_body,
    grid=(_N // _TOPR,),
    in_specs=[pl.BlockSpec((_TOPR, _D), lambda i: (i, 0))],
    out_specs=pl.BlockSpec((_TOPR, _D), lambda i: (i, 0)),
    out_shape=jax.ShapeDtypeStruct((_N + _E, _D), jnp.float32),
)

_MBI = 500


def _tc_mid_body(o_in_ref, m_ref, o_ref):
    del o_in_ref
    m = m_ref[...]
    m = m.reshape(_MBI // 2, 2, 8, 128)
    m = jnp.swapaxes(m, 1, 2)
    o_ref[...] = m.reshape(_MBI * 4, _D)


_tc_mid = pl.pallas_call(
    _tc_mid_body,
    grid=(_MIDI // _MBI,),
    in_specs=[
        pl.BlockSpec((8, 128), lambda i: (0, 0)),
        pl.BlockSpec((_MBI, 8, 128), lambda i: (i, 0, 0)),
    ],
    out_specs=pl.BlockSpec((_MBI * 4, _D), lambda i: (_N // (_MBI * 4) + i, 0)),
    out_shape=jax.ShapeDtypeStruct((_N + _E, _D), jnp.float32),
    input_output_aliases={0: 0},
)


def kernel(inputs, pool_idx):
    idx = pool_idx.reshape(_NCHT, _CHB).astype(jnp.int32)
    out0 = _tc_top(inputs)
    mid3 = _sc_edges(inputs, idx)
    return _tc_mid(out0, mid3)

# --- scband reference (transcript-rebuilt; emitter-appended) ---
"""Pipeline reference for scband-graph-pooling-73796128080688 (READ-ONLY COPY).

The authoritative reference and input builder live on the scoring server;
editing this copy changes nothing except your own understanding.
"""

import jax, jax.numpy as jnp
import numpy as np


def setup_inputs(seed: int = 0) -> dict:
    key = jax.random.key(seed)
    k1, k2 = jax.random.split(key)
    N, d = 50000, 256
    E = 100000
    inputs = jax.random.normal(k1, (N, d), dtype=jnp.float32)
    pool_idx = jax.random.randint(k2, (1, E, 2), 0, N, dtype=jnp.int64)
    return {"inputs": inputs, "pool_idx": pool_idx}


def reference(inputs, pool_idx):
    # pool_id = 1 -> pool_idx[pool_id - 1] == pool_idx[0], shape [E, 2]
    gathered = jnp.take(inputs, pool_idx[0], axis=0)          # [E, 2, d]
    add_feat = 0.5 * jnp.sum(gathered, axis=1)                # [E, d] midpoint features
    outputs = jnp.concatenate([inputs, add_feat], axis=0)     # [N + E, d]
    return outputs

if __name__ == "__main__":
    import jax
    _d = setup_inputs()
    print(jax.jit(kernel)(*tuple(_d.values())))

</pallas_src>

<mosaic_0001>
#map = affine_map<(d0, d1) -> (0, 0)>
#map1 = affine_map<(d0, d1) -> (0, 0, 0)>
module attributes {stable_mosaic.version = 14 : i64} {
  func.func @_sc_edges(%arg0: i32, %arg1: i32, %arg2: memref<50000x256xf32, #tpu.memory_space<hbm>>, %arg3: memref<2500x80xi32, #tpu.memory_space<hbm>>, %arg4: memref<25000x8x128xf32, #tpu.memory_space<hbm>>, %arg5: memref<80xi32, #tpu.memory_space<vmem>>, %arg6: memref<80xi32, #tpu.memory_space<vmem>>, %arg7: memref<80xi32, #tpu.memory_space<vmem>>, %arg8: memref<80xi32, #tpu.memory_space<vmem>>, %arg9: memref<80x256xf32, #tpu.memory_space<vmem>>, %arg10: memref<80x256xf32, #tpu.memory_space<vmem>>, %arg11: memref<80x256xf32, #tpu.memory_space<vmem>>, %arg12: memref<80x256xf32, #tpu.memory_space<vmem>>, %arg13: memref<10x8x128xf32, #tpu.memory_space<vmem>>, %arg14: memref<10x8x128xf32, #tpu.memory_space<vmem>>, %arg15: memref<!tpu.dma_semaphore, #tpu.memory_space<semaphore_mem>>, %arg16: memref<!tpu.dma_semaphore, #tpu.memory_space<semaphore_mem>>, %arg17: memref<!tpu.dma_semaphore, #tpu.memory_space<semaphore_mem>>, %arg18: memref<!tpu.dma_semaphore, #tpu.memory_space<semaphore_mem>>, %arg19: memref<!tpu.dma_semaphore, #tpu.memory_space<semaphore_mem>>, %arg20: memref<!tpu.dma_semaphore, #tpu.memory_space<semaphore_mem>>, %arg21: memref<!tpu.dma_semaphore, #tpu.memory_space<semaphore_mem>>, %arg22: memref<!tpu.dma_semaphore, #tpu.memory_space<semaphore_mem>>, %arg23: memref<!tpu.dma_semaphore, #tpu.memory_space<semaphore_mem>>, %arg24: memref<!tpu.dma_semaphore, #tpu.memory_space<semaphore_mem>>) attributes {dimension_semantics = [#tpu.dimension_semantics<core_parallel>, #tpu.dimension_semantics<subcore_parallel>], iteration_bounds = array<i64: 2, 16>, scalar_prefetch = 0 : i64, scratch_operands = 20 : i64, tpu.core_type = #tpu.core_type<sc_vector_subcore>, window_params = [{transform_indices = #map}, {transform_indices = #map}, {transform_indices = #map1}]} {
    %mul3A = arith.constant 2 : i32
    %mul3A_0 = arith.muli %arg1, %mul3A : i32
    %add3A = arith.addi %mul3A_0, %arg0 : i32
    %add3A_1 = arith.constant 0 : i32
    %add3A_2 = arith.addi %add3A, %add3A_1 : i32
    %lt3A = arith.constant 2500 : i32
    %lt3A_3 = arith.cmpi slt, %add3A_2, %lt3A : i32
    %convert_element_type3A = arith.extui %lt3A_3 : i1 to i32
    %cond3A = arith.constant 0 : i32
    %cond3A_4 = arith.cmpi ne, %convert_element_type3A, %cond3A : i32
    scf.if %cond3A_4 {
      %add3A_90 = arith.constant 0 : i32
      %add3A_91 = arith.addi %add3A, %add3A_90 : i32
      %dma_start3A = arith.constant 0 : i32
      %dma_start3A_92 = tpu.memref_slice %arg3[%add3A_91, %dma_start3A] : memref<2500x80xi32, #tpu.memory_space<hbm>> -> memref<1x80xi32, #tpu.memory_space<hbm>>
      %dma_start3A_93 = tpu.memref_squeeze %dma_start3A_92 : memref<1x80xi32, #tpu.memory_space<hbm>> -> memref<80xi32, #tpu.memory_space<hbm>>
      %dma_start3A_94 = arith.constant 0 : i32
      %dma_start3A_95 = tpu.memref_slice %arg3[%add3A_91, %dma_start3A_94] : memref<2500x80xi32, #tpu.memory_space<hbm>> -> memref<1x80xi32, #tpu.memory_space<hbm>>
      %dma_start3A_96 = tpu.memref_squeeze %dma_start3A_95 : memref<1x80xi32, #tpu.memory_space<hbm>> -> memref<80xi32, #tpu.memory_space<hbm>>
      tpu.enqueue_dma source(%dma_start3A_96 : memref<80xi32, #tpu.memory_space<hbm>>) target(%arg5 : memref<80xi32, #tpu.memory_space<vmem>>) target_semaphore(%arg15 : memref<!tpu.dma_semaphore, #tpu.memory_space<semaphore_mem>>)
    } else {
    }
    %add3A_5 = arith.constant 32 : i32
    %add3A_6 = arith.addi %add3A, %add3A_5 : i32
    %lt3A_7 = arith.constant 2500 : i32
    %lt3A_8 = arith.cmpi slt, %add3A_6, %lt3A_7 : i32
    %convert_element_type3A_9 = arith.extui %lt3A_8 : i1 to i32
    %cond3A_10 = arith.constant 0 : i32
    %cond3A_11 = arith.cmpi ne, %convert_element_type3A_9, %cond3A_10 : i32
    scf.if %cond3A_11 {
      %add3A_90 = arith.constant 32 : i32
      %add3A_91 = arith.addi %add3A, %add3A_90 : i32
      %dma_start3A = arith.constant 0 : i32
      %dma_start3A_92 = tpu.memref_slice %arg3[%add3A_91, %dma_start3A] : memref<2500x80xi32, #tpu.memory_space<hbm>> -> memref<1x80xi32, #tpu.memory_space<hbm>>
      %dma_start3A_93 = tpu.memref_squeeze %dma_start3A_92 : memref<1x80xi32, #tpu.memory_space<hbm>> -> memref<80xi32, #tpu.memory_space<hbm>>
      %dma_start3A_94 = arith.constant 0 : i32
      %dma_start3A_95 = tpu.memref_slice %arg3[%add3A_91, %dma_start3A_94] : memref<2500x80xi32, #tpu.memory_space<hbm>> -> memref<1x80xi32, #tpu.memory_space<hbm>>
      %dma_start3A_96 = tpu.memref_squeeze %dma_start3A_95 : memref<1x80xi32, #tpu.memory_space<hbm>> -> memref<80xi32, #tpu.memory_space<hbm>>
      tpu.enqueue_dma source(%dma_start3A_96 : memref<80xi32, #tpu.memory_space<hbm>>) target(%arg6 : memref<80xi32, #tpu.memory_space<vmem>>) target_semaphore(%arg16 : memref<!tpu.dma_semaphore, #tpu.memory_space<semaphore_mem>>)
    } else {
    }
    %add3A_12 = arith.constant 64 : i32
    %add3A_13 = arith.addi %add3A, %add3A_12 : i32
    %lt3A_14 = arith.constant 2500 : i32
    %lt3A_15 = arith.cmpi slt, %add3A_13, %lt3A_14 : i32
    %convert_element_type3A_16 = arith.extui %lt3A_15 : i1 to i32
    %cond3A_17 = arith.constant 0 : i32
    %cond3A_18 = arith.cmpi ne, %convert_element_type3A_16, %cond3A_17 : i32
    scf.if %cond3A_18 {
      %add3A_90 = arith.constant 64 : i32
      %add3A_91 = arith.addi %add3A, %add3A_90 : i32
      %dma_start3A = arith.constant 0 : i32
      %dma_start3A_92 = tpu.memref_slice %arg3[%add3A_91, %dma_start3A] : memref<2500x80xi32, #tpu.memory_space<hbm>> -> memref<1x80xi32, #tpu.memory_space<hbm>>
      %dma_start3A_93 = tpu.memref_squeeze %dma_start3A_92 : memref<1x80xi32, #tpu.memory_space<hbm>> -> memref<80xi32, #tpu.memory_space<hbm>>
      %dma_start3A_94 = arith.constant 0 : i32
      %dma_start3A_95 = tpu.memref_slice %arg3[%add3A_91, %dma_start3A_94] : memref<2500x80xi32, #tpu.memory_space<hbm>> -> memref<1x80xi32, #tpu.memory_space<hbm>>
      %dma_start3A_96 = tpu.memref_squeeze %dma_start3A_95 : memref<1x80xi32, #tpu.memory_space<hbm>> -> memref<80xi32, #tpu.memory_space<hbm>>
      tpu.enqueue_dma source(%dma_start3A_96 : memref<80xi32, #tpu.memory_space<hbm>>) target(%arg7 : memref<80xi32, #tpu.memory_space<vmem>>) target_semaphore(%arg17 : memref<!tpu.dma_semaphore, #tpu.memory_space<semaphore_mem>>)
    } else {
    }
    %add3A_19 = arith.constant 0 : i32
    %add3A_20 = arith.addi %add3A, %add3A_19 : i32
    %lt3A_21 = arith.constant 2500 : i32
    %lt3A_22 = arith.cmpi slt, %add3A_20, %lt3A_21 : i32
    %convert_element_type3A_23 = arith.extui %lt3A_22 : i1 to i32
    %cond3A_24 = arith.constant 0 : i32
    %cond3A_25 = arith.cmpi ne, %convert_element_type3A_23, %cond3A_24 : i32
    scf.if %cond3A_25 {
      %add3A_90 = arith.constant 0 : i32
      %add3A_91 = arith.addi %add3A, %add3A_90 : i32
      %dma_wait3A = arith.constant 0 : i32
      %dma_wait3A_92 = tpu.memref_slice %arg3[%add3A_91, %dma_wait3A] : memref<2500x80xi32, #tpu.memory_space<hbm>> -> memref<1x80xi32, #tpu.memory_space<hbm>>
      %dma_wait3A_93 = tpu.memref_squeeze %dma_wait3A_92 : memref<1x80xi32, #tpu.memory_space<hbm>> -> memref<80xi32, #tpu.memory_space<hbm>>
      %dma_wait3A_94 = arith.constant 0 : i32
      %dma_wait3A_95 = tpu.memref_slice %arg3[%add3A_91, %dma_wait3A_94] : memref<2500x80xi32, #tpu.memory_space<hbm>> -> memref<1x80xi32, #tpu.memory_space<hbm>>
      %dma_wait3A_96 = tpu.memref_squeeze %dma_wait3A_95 : memref<1x80xi32, #tpu.memory_space<hbm>> -> memref<80xi32, #tpu.memory_space<hbm>>
      tpu.wait_dma2 semaphore(%arg15 : memref<!tpu.dma_semaphore, #tpu.memory_space<semaphore_mem>>) src(%dma_wait3A_96 : memref<80xi32, #tpu.memory_space<hbm>>) dst(%arg5 : memref<80xi32, #tpu.memory_space<vmem>>)
    } else {
    }
    %add3A_26 = arith.constant 0 : i32
    %add3A_27 = arith.addi %add3A, %add3A_26 : i32
    %lt3A_28 = arith.constant 2500 : i32
    %lt3A_29 = arith.cmpi slt, %add3A_27, %lt3A_28 : i32
    %convert_element_type3A_30 = arith.extui %lt3A_29 : i1 to i32
    %cond3A_31 = arith.constant 0 : i32
    %cond3A_32 = arith.cmpi ne, %convert_element_type3A_30, %cond3A_31 : i32
    scf.if %cond3A_32 {
      %dma_start3A = arith.constant 0 : i32
      %dma_start3A_90 = arith.constant 0 : i32
      %dma_start3A_91 = tpu.memref_slice %arg2[%dma_start3A, %dma_start3A_90] : memref<50000x256xf32, #tpu.memory_space<hbm>> -> memref<50000x256xf32, #tpu.memory_space<hbm>>
      tpu.enqueue_indirect_dma source(%dma_start3A_91 : memref<50000x256xf32, #tpu.memory_space<hbm>>) target(%arg9 : memref<80x256xf32, #tpu.memory_space<vmem>>) offsets(%arg5 : memref<80xi32, #tpu.memory_space<vmem>>) semaphore(%arg19 : memref<!tpu.dma_semaphore, #tpu.memory_space<semaphore_mem>>)
    } else {
    }
    %add3A_33 = arith.constant 32 : i32
    %add3A_34 = arith.addi %add3A, %add3A_33 : i32
    %lt3A_35 = arith.constant 2500 : i32
    %lt3A_36 = arith.cmpi slt, %add3A_34, %lt3A_35 : i32
    %convert_element_type3A_37 = arith.extui %lt3A_36 : i1 to i32
    %cond3A_38 = arith.constant 0 : i32
    %cond3A_39 = arith.cmpi ne, %convert_element_type3A_37, %cond3A_38 : i32
    scf.if %cond3A_39 {
      %add3A_90 = arith.constant 32 : i32
      %add3A_91 = arith.addi %add3A, %add3A_90 : i32
      %dma_wait3A = arith.constant 0 : i32
      %dma_wait3A_92 = tpu.memref_slice %arg3[%add3A_91, %dma_wait3A] : memref<2500x80xi32, #tpu.memory_space<hbm>> -> memref<1x80xi32, #tpu.memory_space<hbm>>
      %dma_wait3A_93 = tpu.memref_squeeze %dma_wait3A_92 : memref<1x80xi32, #tpu.memory_space<hbm>> -> memref<80xi32, #tpu.memory_space<hbm>>
      %dma_wait3A_94 = arith.constant 0 : i32
      %dma_wait3A_95 = tpu.memref_slice %arg3[%add3A_91, %dma_wait3A_94] : memref<2500x80xi32, #tpu.memory_space<hbm>> -> memref<1x80xi32, #tpu.memory_space<hbm>>
      %dma_wait3A_96 = tpu.memref_squeeze %dma_wait3A_95 : memref<1x80xi32, #tpu.memory_space<hbm>> -> memref<80xi32, #tpu.memory_space<hbm>>
      tpu.wait_dma2 semaphore(%arg16 : memref<!tpu.dma_semaphore, #tpu.memory_space<semaphore_mem>>) src(%dma_wait3A_96 : memref<80xi32, #tpu.memory_space<hbm>>) dst(%arg6 : memref<80xi32, #tpu.memory_space<vmem>>)
    } else {
    }
    %add3A_40 = arith.constant 32 : i32
    %add3A_41 = arith.addi %add3A, %add3A_40 : i32
    %lt3A_42 = arith.constant 2500 : i32
    %lt3A_43 = arith.cmpi slt, %add3A_41, %lt3A_42 : i32
    %convert_element_type3A_44 = arith.extui %lt3A_43 : i1 to i32
    %cond3A_45 = arith.constant 0 : i32
    %cond3A_46 = arith.cmpi ne, %convert_element_type3A_44, %cond3A_45 : i32
    scf.if %cond3A_46 {
      %dma_start3A = arith.constant 0 : i32
      %dma_start3A_90 = arith.constant 0 : i32
      %dma_start3A_91 = tpu.memref_slice %arg2[%dma_start3A, %dma_start3A_90] : memref<50000x256xf32, #tpu.memory_space<hbm>> -> memref<50000x256xf32, #tpu.memory_space<hbm>>
      tpu.enqueue_indirect_dma source(%dma_start3A_91 : memref<50000x256xf32, #tpu.memory_space<hbm>>) target(%arg10 : memref<80x256xf32, #tpu.memory_space<vmem>>) offsets(%arg6 : memref<80xi32, #tpu.memory_space<vmem>>) semaphore(%arg20 : memref<!tpu.dma_semaphore, #tpu.memory_space<semaphore_mem>>)
    } else {
    }
    %add3A_47 = arith.constant 64 : i32
    %add3A_48 = arith.addi %add3A, %add3A_47 : i32
    %lt3A_49 = arith.constant 2500 : i32
    %lt3A_50 = arith.cmpi slt, %add3A_48, %lt3A_49 : i32
    %convert_element_type3A_51 = arith.extui %lt3A_50 : i1 to i32
    %cond3A_52 = arith.constant 0 : i32
    %cond3A_53 = arith.cmpi ne, %convert_element_type3A_51, %cond3A_52 : i32
    scf.if %cond3A_53 {
      %add3A_90 = arith.constant 64 : i32
      %add3A_91 = arith.addi %add3A, %add3A_90 : i32
      %dma_wait3A = arith.constant 0 : i32
      %dma_wait3A_92 = tpu.memref_slice %arg3[%add3A_91, %dma_wait3A] : memref<2500x80xi32, #tpu.memory_space<hbm>> -> memref<1x80xi32, #tpu.memory_space<hbm>>
      %dma_wait3A_93 = tpu.memref_squeeze %dma_wait3A_92 : memref<1x80xi32, #tpu.memory_space<hbm>> -> memref<80xi32, #tpu.memory_space<hbm>>
      %dma_wait3A_94 = arith.constant 0 : i32
      %dma_wait3A_95 = tpu.memref_slice %arg3[%add3A_91, %dma_wait3A_94] : memref<2500x80xi32, #tpu.memory_space<hbm>> -> memref<1x80xi32, #tpu.memory_space<hbm>>
      %dma_wait3A_96 = tpu.memref_squeeze %dma_wait3A_95 : memref<1x80xi32, #tpu.memory_space<hbm>> -> memref<80xi32, #tpu.memory_space<hbm>>
      tpu.wait_dma2 semaphore(%arg17 : memref<!tpu.dma_semaphore, #tpu.memory_space<semaphore_mem>>) src(%dma_wait3A_96 : memref<80xi32, #tpu.memory_space<hbm>>) dst(%arg7 : memref<80xi32, #tpu.memory_space<vmem>>)
    } else {
    }
    %add3A_54 = arith.constant 64 : i32
    %add3A_55 = arith.addi %add3A, %add3A_54 : i32
    %lt3A_56 = arith.constant 2500 : i32
    %lt3A_57 = arith.cmpi slt, %add3A_55, %lt3A_56 : i32
    %convert_element_type3A_58 = arith.extui %lt3A_57 : i1 to i32
    %cond3A_59 = arith.constant 0 : i32
    %cond3A_60 = arith.cmpi ne, %convert_element_type3A_58, %cond3A_59 : i32
    scf.if %cond3A_60 {
      %dma_start3A = arith.constant 0 : i32
      %dma_start3A_90 = arith.constant 0 : i32
      %dma_start3A_91 = tpu.memref_slice %arg2[%dma_start3A, %dma_start3A_90] : memref<50000x256xf32, #tpu.memory_space<hbm>> -> memref<50000x256xf32, #tpu.memory_space<hbm>>
      tpu.enqueue_indirect_dma source(%dma_start3A_91 : memref<50000x256xf32, #tpu.memory_space<hbm>>) target(%arg11 : memref<80x256xf32, #tpu.memory_space<vmem>>) offsets(%arg7 : memref<80xi32, #tpu.memory_space<vmem>>) semaphore(%arg21 : memref<!tpu.dma_semaphore, #tpu.memory_space<semaphore_mem>>)
    } else {
    }
    %add3A_61 = arith.constant 96 : i32
    %add3A_62 = arith.addi %add3A, %add3A_61 : i32
    %lt3A_63 = arith.constant 2500 : i32
    %lt3A_64 = arith.cmpi slt, %add3A_62, %lt3A_63 : i32
    %convert_element_type3A_65 = arith.extui %lt3A_64 : i1 to i32
    %cond3A_66 = arith.constant 0 : i32
    %cond3A_67 = arith.cmpi ne, %convert_element_type3A_65, %cond3A_66 : i32
    scf.if %cond3A_67 {
      %add3A_90 = arith.constant 96 : i32
      %add3A_91 = arith.addi %add3A, %add3A_90 : i32
      %dma_start3A = arith.constant 0 : i32
      %dma_start3A_92 = tpu.memref_slice %arg3[%add3A_91, %dma_start3A] : memref<2500x80xi32, #tpu.memory_space<hbm>> -> memref<1x80xi32, #tpu.memory_space<hbm>>
      %dma_start3A_93 = tpu.memref_squeeze %dma_start3A_92 : memref<1x80xi32, #tpu.memory_space<hbm>> -> memref<80xi32, #tpu.memory_space<hbm>>
      %dma_start3A_94 = arith.constant 0 : i32
      %dma_start3A_95 = tpu.memref_slice %arg3[%add3A_91, %dma_start3A_94] : memref<2500x80xi32, #tpu.memory_space<hbm>> -> memref<1x80xi32, #tpu.memory_space<hbm>>
      %dma_start3A_96 = tpu.memref_squeeze %dma_start3A_95 : memref<1x80xi32, #tpu.memory_space<hbm>> -> memref<80xi32, #tpu.memory_space<hbm>>
      tpu.enqueue_dma source(%dma_start3A_96 : memref<80xi32, #tpu.memory_space<hbm>>) target(%arg8 : memref<80xi32, #tpu.memory_space<vmem>>) target_semaphore(%arg18 : memref<!tpu.dma_semaphore, #tpu.memory_space<semaphore_mem>>)
    } else {
    }
    %scan3A = arith.constant 0 : i32
    %scan3A_68 = arith.constant 0 : i32
    %scan3A_69 = arith.constant 20 : i32
    %scan3A_70 = arith.addi %scan3A_68, %scan3A_69 : i32
    %scan3A_71 = arith.constant 1 : i32
    scf.for %scan3A_90 = %scan3A_68 to %scan3A_70 step %scan3A_71  : i32 {
      %mul3A_91 = arith.constant 4 : i32
      %mul3A_92 = arith.muli %mul3A_91, %scan3A_90 : i32
      %add3A_93 = arith.constant 0 : i32
      %add3A_94 = arith.addi %mul3A_92, %add3A_93 : i32
      %mul3A_95 = arith.constant 32 : i32
      %mul3A_96 = arith.muli %add3A_94, %mul3A_95 : i32
      %add3A_97 = arith.addi %add3A, %mul3A_96 : i32
      %lt3A_98 = arith.constant 2500 : i32
      %lt3A_99 = arith.cmpi slt, %add3A_97, %lt3A_98 : i32
      %convert_element_type3A_100 = arith.extui %lt3A_99 : i1 to i32
      %cond3A_101 = arith.constant 0 : i32
      %cond3A_102 = arith.cmpi ne, %convert_element_type3A_100, %cond3A_101 : i32
      scf.if %cond3A_102 {
        %dma_wait3A = arith.constant 0 : i32
        %dma_wait3A_373 = arith.constant 0 : i32
        %dma_wait3A_374 = tpu.memref_slice %arg2[%dma_wait3A, %dma_wait3A_373] : memref<50000x256xf32, #tpu.memory_space<hbm>> -> memref<50000x256xf32, #tpu.memory_space<hbm>>
        tpu.wait_indirect_dma semaphore(%arg19 : memref<!tpu.dma_semaphore, #tpu.memory_space<semaphore_mem>>) src(%dma_wait3A_374 : memref<50000x256xf32, #tpu.memory_space<hbm>>) dst(%arg9 : memref<80x256xf32, #tpu.memory_space<vmem>>)
      } else {
      }
      %add3A_103 = arith.constant 4 : i32
      %add3A_104 = arith.addi %add3A_94, %add3A_103 : i32
      %mul3A_105 = arith.constant 32 : i32
      %mul3A_106 = arith.muli %add3A_104, %mul3A_105 : i32
      %add3A_107 = arith.addi %add3A, %mul3A_106 : i32
      %lt3A_108 = arith.constant 2500 : i32
      %lt3A_109 = arith.cmpi slt, %add3A_107, %lt3A_108 : i32
      %convert_element_type3A_110 = arith.extui %lt3A_109 : i1 to i32
      %cond3A_111 = arith.constant 0 : i32
      %cond3A_112 = arith.cmpi ne, %convert_element_type3A_110, %cond3A_111 : i32
      scf.if %cond3A_112 {
        %mul3A_373 = arith.constant 32 : i32
        %mul3A_374 = arith.muli %add3A_104, %mul3A_373 : i32
        %add3A_375 = arith.addi %add3A, %mul3A_374 : i32
        %dma_start3A = arith.constant 0 : i32
        %dma_start3A_376 = tpu.memref_slice %arg3[%add3A_375, %dma_start3A] : memref<2500x80xi32, #tpu.memory_space<hbm>> -> memref<1x80xi32, #tpu.memory_space<hbm>>
        %dma_start3A_377 = tpu.memref_squeeze %dma_start3A_376 : memref<1x80xi32, #tpu.memory_space<hbm>> -> memref<80xi32, #tpu.memory_space<hbm>>
        %dma_start3A_378 = arith.constant 0 : i32
        %dma_start3A_379 = tpu.memref_slice %arg3[%add3A_375, %dma_start3A_378] : memref<2500x80xi32, #tpu.memory_space<hbm>> -> memref<1x80xi32, #tpu.memory_space<hbm>>
        %dma_start3A_380 = tpu.memref_squeeze %dma_start3A_379 : memref<1x80xi32, #tpu.memory_space<hbm>> -> memref<80xi32, #tpu.memory_space<hbm>>
        tpu.enqueue_dma source(%dma_start3A_380 : memref<80xi32, #tpu.memory_space<hbm>>) target(%arg5 : memref<80xi32, #tpu.memory_space<vmem>>) target_semaphore(%arg15 : memref<!tpu.dma_semaphore, #tpu.memory_space<semaphore_mem>>)
      } else {
      }
      %add3A_113 = arith.constant 3 : i32
      %add3A_114 = arith.addi %add3A_94, %add3A_113 : i32
      %mul3A_115 = arith.constant 32 : i32
      %mul3A_116 = arith.muli %add3A_114, %mul3A_115 : i32
      %add3A_117 = arith.addi %add3A, %mul3A_116 : i32
      %lt3A_118 = arith.constant 2500 : i32
      %lt3A_119 = arith.cmpi slt, %add3A_117, %lt3A_118 : i32
      %convert_element_type3A_120 = arith.extui %lt3A_119 : i1 to i32
      %cond3A_121 = arith.constant 0 : i32
      %cond3A_122 = arith.cmpi ne, %convert_element_type3A_120, %cond3A_121 : i32
      scf.if %cond3A_122 {
        %mul3A_373 = arith.constant 32 : i32
        %mul3A_374 = arith.muli %add3A_114, %mul3A_373 : i32
        %add3A_375 = arith.addi %add3A, %mul3A_374 : i32
        %dma_wait3A = arith.constant 0 : i32
        %dma_wait3A_376 = tpu.memref_slice %arg3[%add3A_375, %dma_wait3A] : memref<2500x80xi32, #tpu.memory_space<hbm>> -> memref<1x80xi32, #tpu.memory_space<hbm>>
        %dma_wait3A_377 = tpu.memref_squeeze %dma_wait3A_376 : memref<1x80xi32, #tpu.memory_space<hbm>> -> memref<80xi32, #tpu.memory_space<hbm>>
        %dma_wait3A_378 = arith.constant 0 : i32
        %dma_wait3A_379 = tpu.memref_slice %arg3[%add3A_375, %dma_wait3A_378] : memref<2500x80xi32, #tpu.memory_space<hbm>> -> memref<1x80xi32, #tpu.memory_space<hbm>>
        %dma_wait3A_380 = tpu.memref_squeeze %dma_wait3A_379 : memref<1x80xi32, #tpu.memory_space<hbm>> -> memref<80xi32, #tpu.memory_space<hbm>>
        tpu.wait_dma2 semaphore(%arg18 : memref<!tpu.dma_semaphore, #tpu.memory_space<semaphore_mem>>) src(%dma_wait3A_380 : memref<80xi32, #tpu.memory_space<hbm>>) dst(%arg8 : memref<80xi32, #tpu.memory_space<vmem>>)
      } else {
      }
      %add3A_123 = arith.constant 3 : i32
      %add3A_124 = arith.addi %add3A_94, %add3A_123 : i32
      %mul3A_125 = arith.constant 32 : i32
      %mul3A_126 = arith.muli %add3A_124, %mul3A_125 : i32
      %add3A_127 = arith.addi %add3A, %mul3A_126 : i32
      %lt3A_128 = arith.constant 2500 : i32
      %lt3A_129 = arith.cmpi slt, %add3A_127, %lt3A_128 : i32
      %convert_element_type3A_130 = arith.extui %lt3A_129 : i1 to i32
      %cond3A_131 = arith.constant 0 : i32
      %cond3A_132 = arith.cmpi ne, %convert_element_type3A_130, %cond3A_131 : i32
      scf.if %cond3A_132 {
        %dma_start3A = arith.constant 0 : i32
        %dma_start3A_373 = arith.constant 0 : i32
        %dma_start3A_374 = tpu.memref_slice %arg2[%dma_start3A, %dma_start3A_373] : memref<50000x256xf32, #tpu.memory_space<hbm>> -> memref<50000x256xf32, #tpu.memory_space<hbm>>
        tpu.enqueue_indirect_dma source(%dma_start3A_374 : memref<50000x256xf32, #tpu.memory_space<hbm>>) target(%arg12 : memref<80x256xf32, #tpu.memory_space<vmem>>) offsets(%arg8 : memref<80xi32, #tpu.memory_space<vmem>>) semaphore(%arg22 : memref<!tpu.dma_semaphore, #tpu.memory_space<semaphore_mem>>)
      } else {
      }
      %sub3A = arith.constant 2 : i32
      %sub3A_133 = arith.subi %add3A_94, %sub3A : i32
      %ge3A = arith.constant 0 : i32
      %ge3A_134 = arith.cmpi sge, %sub3A_133, %ge3A : i32
      %mul3A_135 = arith.constant 32 : i32
      %mul3A_136 = arith.muli %sub3A_133, %mul3A_135 : i32
      %add3A_137 = arith.addi %add3A, %mul3A_136 : i32
      %lt3A_138 = arith.constant 2500 : i32
      %lt3A_139 = arith.cmpi slt, %add3A_137, %lt3A_138 : i32
      %and3A_140 = arith.andi %ge3A_134, %lt3A_139 : i1
      %convert_element_type3A_141 = arith.extui %and3A_140 : i1 to i32
      %cond3A_142 = arith.constant 0 : i32
      %cond3A_143 = arith.cmpi ne, %convert_element_type3A_141, %cond3A_142 : i32
      scf.if %cond3A_143 {
        %mul3A_373 = arith.constant 32 : i32
        %mul3A_374 = arith.muli %sub3A_133, %mul3A_373 : i32
        %add3A_375 = arith.addi %add3A, %mul3A_374 : i32
        %mul3A_376 = arith.constant 10 : i32
        %mul3A_377 = arith.muli %add3A_375, %mul3A_376 : i32
        %dma_wait3A = arith.constant 0 : i32
        %dma_wait3A_378 = arith.constant 0 : i32
        %dma_wait3A_379 = tpu.memref_slice %arg4[%mul3A_377, %dma_wait3A, %dma_wait3A_378] : memref<25000x8x128xf32, #tpu.memory_space<hbm>> -> memref<10x8x128xf32, #tpu.memory_space<hbm>>
        %dma_wait3A_380 = arith.constant 0 : i32
        %dma_wait3A_381 = arith.constant 0 : i32
        %dma_wait3A_382 = tpu.memref_slice %arg4[%mul3A_377, %dma_wait3A_380, %dma_wait3A_381] : memref<25000x8x128xf32, #tpu.memory_space<hbm>> -> memref<10x8x128xf32, #tpu.memory_space<hbm>>
        tpu.wait_dma2 semaphore(%arg23 : memref<!tpu.dma_semaphore, #tpu.memory_space<semaphore_mem>>) src(%arg13 : memref<10x8x128xf32, #tpu.memory_space<vmem>>) dst(%dma_wait3A_382 : memref<10x8x128xf32, #tpu.memory_space<hbm>>)
      } else {
      }
      %mul3A_144 = arith.constant 32 : i32
      %mul3A_145 = arith.muli %add3A_94, %mul3A_144 : i32
      %add3A_146 = arith.addi %add3A, %mul3A_145 : i32
      %lt3A_147 = arith.constant 2500 : i32
      %lt3A_148 = arith.cmpi slt, %add3A_146, %lt3A_147 : i32
      %convert_element_type3A_149 = arith.extui %lt3A_148 : i1 to i32
      %cond3A_150 = arith.constant 0 : i32
      %cond3A_151 = arith.cmpi ne, %convert_element_type3A_149, %cond3A_150 : i32
      scf.if %cond3A_151 {
        %scan3A_373 = arith.constant 0 : i32
        %scan3A_374 = arith.constant 0 : i32
        %scan3A_375 = arith.constant 40 : i32
        %scan3A_376 = arith.addi %scan3A_374, %scan3A_375 : i32
        %scan3A_377 = arith.constant 1 : i32
        scf.for %scan3A_379 = %scan3A_374 to %scan3A_376 step %scan3A_377  : i32 {
          %jit3A = arith.constant 8 : i32
          %div3A = arith.divsi %scan3A_379, %jit3A : i32
          %sign3A = arith.constant 0 : i32
          %sign3A_380 = arith.cmpi sgt, %scan3A_379, %sign3A : i32
          %sign3A_381 = arith.extui %sign3A_380 : i1 to i32
          %sign3A_382 = arith.constant 0 : i32
          %sign3A_383 = arith.cmpi slt, %scan3A_379, %sign3A_382 : i32
          %sign3A_384 = arith.extui %sign3A_383 : i1 to i32
          %sign3A_385 = arith.subi %sign3A_381, %sign3A_384 : i32
          %sign3A_386 = arith.constant 0 : i32
          %sign3A_387 = arith.cmpi sgt, %jit3A, %sign3A_386 : i32
          %sign3A_388 = arith.extui %sign3A_387 : i1 to i32
          %sign3A_389 = arith.constant 0 : i32
          %sign3A_390 = arith.cmpi slt, %jit3A, %sign3A_389 : i32
          %sign3A_391 = arith.extui %sign3A_390 : i1 to i32
          %sign3A_392 = arith.subi %sign3A_388, %sign3A_391 : i32
          %ne3A = arith.cmpi ne, %sign3A_385, %sign3A_392 : i32
          %rem3A = arith.remsi %scan3A_379, %jit3A : i32
          %ne3A_393 = arith.constant 0 : i32
          %ne3A_394 = arith.cmpi ne, %rem3A, %ne3A_393 : i32
          %and3A_395 = arith.andi %ne3A, %ne3A_394 : i1
          %sub3A_396 = arith.constant 1 : i32
          %sub3A_397 = arith.subi %div3A, %sub3A_396 : i32
          %select_n3A = arith.select %and3A_395, %sub3A_397, %div3A : i32
          %jit3A_398 = arith.constant 8 : i32
          %eq3A = arith.constant 0 : i32
          %eq3A_399 = arith.cmpi eq, %jit3A_398, %eq3A : i32
          %jit3A_400 = arith.constant 1 : i32
          %select_n3A_401 = arith.select %eq3A_399, %jit3A_400, %jit3A_398 : i32
          %rem3A_402 = arith.remsi %scan3A_379, %select_n3A_401 : i32
          %ne3A_403 = arith.constant 0 : i32
          %ne3A_404 = arith.cmpi ne, %rem3A_402, %ne3A_403 : i32
          %lt3A_405 = arith.constant 0 : i32
          %lt3A_406 = arith.cmpi slt, %rem3A_402, %lt3A_405 : i32
          %lt3A_407 = arith.constant 0 : i32
          %lt3A_408 = arith.cmpi slt, %select_n3A_401, %lt3A_407 : i32
          %ne3A_409 = arith.xori %lt3A_406, %lt3A_408 : i1
          %and3A_410 = arith.andi %ne3A_409, %ne3A_404 : i1
          %add3A_411 = arith.addi %rem3A_402, %select_n3A_401 : i32
          %select_n3A_412 = arith.select %and3A_410, %add3A_411, %rem3A_402 : i32
          %mul3A_413 = arith.constant 2 : i32
          %mul3A_414 = arith.muli %mul3A_413, %scan3A_379 : i32
          %get3A = arith.index_cast %mul3A_414 : i32 to index
          %get3A_415 = arith.constant 0 : index
          %get3A_416 = tpu.vector_load %arg9[%get3A, %get3A_415] {strides = array<i32>} : memref<80x256xf32, #tpu.memory_space<vmem>>, vector<1x16xf32>,
          %get3A_417 = vector.shape_cast %get3A_416 : vector<1x16xf32> to vector<16xf32>
          %mul3A_418 = arith.constant 2 : i32
          %mul3A_419 = arith.muli %mul3A_418, %scan3A_379 : i32
          %add3A_420 = arith.constant 1 : i32
          %add3A_421 = arith.addi %mul3A_419, %add3A_420 : i32
          %get3A_422 = arith.index_cast %add3A_421 : i32 to index
          %get3A_423 = arith.constant 0 : index
          %get3A_424 = tpu.vector_load %arg9[%get3A_422, %get3A_423] {strides = array<i32>} : memref<80x256xf32, #tpu.memory_space<vmem>>, vector<1x16xf32>,
          %get3A_425 = vector.shape_cast %get3A_424 : vector<1x16xf32> to vector<16xf32>
          %add3A_426 = arith.addf %get3A_417, %get3A_425 : vector<16xf32>
          %mul3A_427 = arith.constant 5.000000e-01 : f32
          %mul3A_428 = vector.broadcast %mul3A_427 : f32 to vector<16xf32>
          %mul3A_429 = arith.mulf %add3A_426, %mul3A_428 : vector<16xf32>
          %mul3A_430 = arith.constant 2 : i32
          %mul3A_431 = arith.muli %mul3A_430, %select_n3A : i32
          %add3A_432 = arith.constant 0 : i32
          %add3A_433 = arith.addi %mul3A_431, %add3A_432 : i32
          %swap3A = arith.index_cast %add3A_433 : i32 to index
          %swap3A_434 = arith.index_cast %select_n3A_412 : i32 to index
          %swap3A_435 = arith.constant 0 : index
          %swap3A_436 = tpu.vector_load %arg13[%swap3A, %swap3A_434, %swap3A_435] {strides = array<i32>} : memref<10x8x128xf32, #tpu.memory_space<vmem>>, vector<1x1x16xf32>,
          %swap3A_437 = vector.shape_cast %swap3A_436 : vector<1x1x16xf32> to vector<16xf32>
          %swap3A_438 = vector.shape_cast %mul3A_429 : vector<16xf32> to vector<1x1x16xf32>
          tpu.vector_store %arg13[%swap3A, %swap3A_434, %swap3A_435], %swap3A_438 {strides = array<i32>} : memref<10x8x128xf32, #tpu.memory_space<vmem>>, vector<1x1x16xf32>,
          %mul3A_439 = arith.constant 2 : i32
          %mul3A_440 = arith.muli %mul3A_439, %scan3A_379 : i32
          %get3A_441 = arith.index_cast %mul3A_440 : i32 to index
          %get3A_442 = arith.constant 16 : index
          %get3A_443 = tpu.vector_load %arg9[%get3A_441, %get3A_442] {strides = array<i32>} : memref<80x256xf32, #tpu.memory_space<vmem>>, vector<1x16xf32>,
          %get3A_444 = vector.shape_cast %get3A_443 : vector<1x16xf32> to vector<16xf32>
          %mul3A_445 = arith.constant 2 : i32
          %mul3A_446 = arith.muli %mul3A_445, %scan3A_379 : i32
          %add3A_447 = arith.constant 1 : i32
          %add3A_448 = arith.addi %mul3A_446, %add3A_447 : i32
          %get3A_449 = arith.index_cast %add3A_448 : i32 to index
          %get3A_450 = arith.constant 16 : index
          %get3A_451 = tpu.vector_load %arg9[%get3A_449, %get3A_450] {strides = array<i32>} : memref<80x256xf32, #tpu.memory_space<vmem>>, vector<1x16xf32>,
          %get3A_452 = vector.shape_cast %get3A_451 : vector<1x16xf32> to vector<16xf32>
          %add3A_453 = arith.addf %get3A_444, %get3A_452 : vector<16xf32>
          %mul3A_454 = arith.constant 5.000000e-01 : f32
          %mul3A_455 = vector.broadcast %mul3A_454 : f32 to vector<16xf32>
          %mul3A_456 = arith.mulf %add3A_453, %mul3A_455 : vector<16xf32>
          %mul3A_457 = arith.constant 2 : i32
          %mul3A_458 = arith.muli %mul3A_457, %select_n3A : i32
          %add3A_459 = arith.constant 0 : i32
          %add3A_460 = arith.addi %mul3A_458, %add3A_459 : i32
          %swap3A_461 = arith.index_cast %add3A_460 : i32 to index
          %swap3A_462 = arith.index_cast %select_n3A_412 : i32 to index
          %swap3A_463 = arith.constant 16 : index
          %swap3A_464 = tpu.vector_load %arg13[%swap3A_461, %swap3A_462, %swap3A_463] {strides = array<i32>} : memref<10x8x128xf32, #tpu.memory_space<vmem>>, vector<1x1x16xf32>,
          %swap3A_465 = vector.shape_cast %swap3A_464 : vector<1x1x16xf32> to vector<16xf32>
          %swap3A_466 = vector.shape_cast %mul3A_456 : vector<16xf32> to vector<1x1x16xf32>
          tpu.vector_store %arg13[%swap3A_461, %swap3A_462, %swap3A_463], %swap3A_466 {strides = array<i32>} : memref<10x8x128xf32, #tpu.memory_space<vmem>>, vector<1x1x16xf32>,
          %mul3A_467 = arith.constant 2 : i32
          %mul3A_468 = arith.muli %mul3A_467, %scan3A_379 : i32
          %get3A_469 = arith.index_cast %mul3A_468 : i32 to index
          %get3A_470 = arith.constant 32 : index
          %get3A_471 = tpu.vector_load %arg9[%get3A_469, %get3A_470] {strides = array<i32>} : memref<80x256xf32, #tpu.memory_space<vmem>>, vector<1x16xf32>,
          %get3A_472 = vector.shape_cast %get3A_471 : vector<1x16xf32> to vector<16xf32>
          %mul3A_473 = arith.constant 2 : i32
          %mul3A_474 = arith.muli %mul3A_473, %scan3A_379 : i32
          %add3A_475 = arith.constant 1 : i32
          %add3A_476 = arith.addi %mul3A_474, %add3A_475 : i32
          %get3A_477 = arith.index_cast %add3A_476 : i32 to index
          %get3A_478 = arith.constant 32 : index
          %get3A_479 = tpu.vector_load %arg9[%get3A_477, %get3A_478] {strides = array<i32>} : memref<80x256xf32, #tpu.memory_space<vmem>>, vector<1x16xf32>,
          %get3A_480 = vector.shape_cast %get3A_479 : vector<1x16xf32> to vector<16xf32>
          %add3A_481 = arith.addf %get3A_472, %get3A_480 : vector<16xf32>
          %mul3A_482 = arith.constant 5.000000e-01 : f32
          %mul3A_483 = vector.broadcast %mul3A_482 : f32 to vector<16xf32>
          %mul3A_484 = arith.mulf %add3A_481, %mul3A_483 : vector<16xf32>
          %mul3A_485 = arith.constant 2 : i32
          %mul3A_486 = arith.muli %mul3A_485, %select_n3A : i32
          %add3A_487 = arith.constant 0 : i32
          %add3A_488 = arith.addi %mul3A_486, %add3A_487 : i32
          %swap3A_489 = arith.index_cast %add3A_488 : i32 to index
          %swap3A_490 = arith.index_cast %select_n3A_412 : i32 to index
          %swap3A_491 = arith.constant 32 : index
          %swap3A_492 = tpu.vector_load %arg13[%swap3A_489, %swap3A_490, %swap3A_491] {strides = array<i32>} : memref<10x8x128xf32, #tpu.memory_space<vmem>>, vector<1x1x16xf32>,
          %swap3A_493 = vector.shape_cast %swap3A_492 : vector<1x1x16xf32> to vector<16xf32>
          %swap3A_494 = vector.shape_cast %mul3A_484 : vector<16xf32> to vector<1x1x16xf32>
          tpu.vector_store %arg13[%swap3A_489, %swap3A_490, %swap3A_491], %swap3A_494 {strides = array<i32>} : memref<10x8x128xf32, #tpu.memory_space<vmem>>, vector<1x1x16xf32>,
          %mul3A_495 = arith.constant 2 : i32
          %mul3A_496 = arith.muli %mul3A_495, %scan3A_379 : i32
          %get3A_497 = arith.index_cast %mul3A_496 : i32 to index
          %get3A_498 = arith.constant 48 : index
          %get3A_499 = tpu.vector_load %arg9[%get3A_497, %get3A_498] {strides = array<i32>} : memref<80x256xf32, #tpu.memory_space<vmem>>, vector<1x16xf32>,
          %get3A_500 = vector.shape_cast %get3A_499 : vector<1x16xf32> to vector<16xf32>
          %mul3A_501 = arith.constant 2 : i32
          %mul3A_502 = arith.muli %mul3A_501, %scan3A_379 : i32
          %add3A_503 = arith.constant 1 : i32
          %add3A_504 = arith.addi %mul3A_502, %add3A_503 : i32
          %get3A_505 = arith.index_cast %add3A_504 : i32 to index
          %get3A_506 = arith.constant 48 : index
          %get3A_507 = tpu.vector_load %arg9[%get3A_505, %get3A_506] {strides = array<i32>} : memref<80x256xf32, #tpu.memory_space<vmem>>, vector<1x16xf32>,
          %get3A_508 = vector.shape_cast %get3A_507 : vector<1x16xf32> to vector<16xf32>
          %add3A_509 = arith.addf %get3A_500, %get3A_508 : vector<16xf32>
          %mul3A_510 = arith.constant 5.000000e-01 : f32
          %mul3A_511 = vector.broadcast %mul3A_510 : f32 to vector<16xf32>
          %mul3A_512 = arith.mulf %add3A_509, %mul3A_511 : vector<16xf32>
          %mul3A_513 = arith.constant 2 : i32
          %mul3A_514 = arith.muli %mul3A_513, %select_n3A : i32
          %add3A_515 = arith.constant 0 : i32
          %add3A_516 = arith.addi %mul3A_514, %add3A_515 : i32
          %swap3A_517 = arith.index_cast %add3A_516 : i32 to index
          %swap3A_518 = arith.index_cast %select_n3A_412 : i32 to index
          %swap3A_519 = arith.constant 48 : index
          %swap3A_520 = tpu.vector_load %arg13[%swap3A_517, %swap3A_518, %swap3A_519] {strides = array<i32>} : memref<10x8x128xf32, #tpu.memory_space<vmem>>, vector<1x1x16xf32>,
          %swap3A_521 = vector.shape_cast %swap3A_520 : vector<1x1x16xf32> to vector<16xf32>
          %swap3A_522 = vector.shape_cast %mul3A_512 : vector<16xf32> to vector<1x1x16xf32>
          tpu.vector_store %arg13[%swap3A_517, %swap3A_518, %swap3A_519], %swap3A_522 {strides = array<i32>} : memref<10x8x128xf32, #tpu.memory_space<vmem>>, vector<1x1x16xf32>,
          %mul3A_523 = arith.constant 2 : i32
          %mul3A_524 = arith.muli %mul3A_523, %scan3A_379 : i32
          %get3A_525 = arith.index_cast %mul3A_524 : i32 to index
          %get3A_526 = arith.constant 64 : index
          %get3A_527 = tpu.vector_load %arg9[%get3A_525, %get3A_526] {strides = array<i32>} : memref<80x256xf32, #tpu.memory_space<vmem>>, vector<1x16xf32>,
          %get3A_528 = vector.shape_cast %get3A_527 : vector<1x16xf32> to vector<16xf32>
          %mul3A_529 = arith.constant 2 : i32
          %mul3A_530 = arith.muli %mul3A_529, %scan3A_379 : i32
          %add3A_531 = arith.constant 1 : i32
          %add3A_532 = arith.addi %mul3A_530, %add3A_531 : i32
          %get3A_533 = arith.index_cast %add3A_532 : i32 to index
          %get3A_534 = arith.constant 64 : index
          %get3A_535 = tpu.vector_load %arg9[%get3A_533, %get3A_534] {strides = array<i32>} : memref<80x256xf32, #tpu.memory_space<vmem>>, vector<1x16xf32>,
          %get3A_536 = vector.shape_cast %get3A_535 : vector<1x16xf32> to vector<16xf32>
          %add3A_537 = arith.addf %get3A_528, %get3A_536 : vector<16xf32>
          %mul3A_538 = arith.constant 5.000000e-01 : f32
          %mul3A_539 = vector.broadcast %mul3A_538 : f32 to vector<16xf32>
          %mul3A_540 = arith.mulf %add3A_537, %mul3A_539 : vector<16xf32>
          %mul3A_541 = arith.constant 2 : i32
          %mul3A_542 = arith.muli %mul3A_541, %select_n3A : i32
          %add3A_543 = arith.constant 0 : i32
          %add3A_544 = arith.addi %mul3A_542, %add3A_543 : i32
          %swap3A_545 = arith.index_cast %add3A_544 : i32 to index
          %swap3A_546 = arith.index_cast %select_n3A_412 : i32 to index
          %swap3A_547 = arith.constant 64 : index
          %swap3A_548 = tpu.vector_load %arg13[%swap3A_545, %swap3A_546, %swap3A_547] {strides = array<i32>} : memref<10x8x128xf32, #tpu.memory_space<vmem>>, vector<1x1x16xf32>,
          %swap3A_549 = vector.shape_cast %swap3A_548 : vector<1x1x16xf32> to vector<16xf32>
          %swap3A_550 = vector.shape_cast %mul3A_540 : vector<16xf32> to vector<1x1x16xf32>
          tpu.vector_store %arg13[%swap3A_545, %swap3A_546, %swap3A_547], %swap3A_550 {strides = array<i32>} : memref<10x8x128xf32, #tpu.memory_space<vmem>>, vector<1x1x16xf32>,
          %mul3A_551 = arith.constant 2 : i32
          %mul3A_552 = arith.muli %mul3A_551, %scan3A_379 : i32
          %get3A_553 = arith.index_cast %mul3A_552 : i32 to index
          %get3A_554 = arith.constant 80 : index
          %get3A_555 = tpu.vector_load %arg9[%get3A_553, %get3A_554] {strides = array<i32>} : memref<80x256xf32, #tpu.memory_space<vmem>>, vector<1x16xf32>,
          %get3A_556 = vector.shape_cast %get3A_555 : vector<1x16xf32> to vector<16xf32>
          %mul3A_557 = arith.constant 2 : i32
          %mul3A_558 = arith.muli %mul3A_557, %scan3A_379 : i32
          %add3A_559 = arith.constant 1 : i32
          %add3A_560 = arith.addi %mul3A_558, %add3A_559 : i32
          %get3A_561 = arith.index_cast %add3A_560 : i32 to index
          %get3A_562 = arith.constant 80 : index
          %get3A_563 = tpu.vector_load %arg9[%get3A_561, %get3A_562] {strides = array<i32>} : memref<80x256xf32, #tpu.memory_space<vmem>>, vector<1x16xf32>,
          %get3A_564 = vector.shape_cast %get3A_563 : vector<1x16xf32> to vector<16xf32>
          %add3A_565 = arith.addf %get3A_556, %get3A_564 : vector<16xf32>
          %mul3A_566 = arith.constant 5.000000e-01 : f32
          %mul3A_567 = vector.broadcast %mul3A_566 : f32 to vector<16xf32>
          %mul3A_568 = arith.mulf %add3A_565, %mul3A_567 : vector<16xf32>
          %mul3A_569 = arith.constant 2 : i32
          %mul3A_570 = arith.muli %mul3A_569, %select_n3A : i32
          %add3A_571 = arith.constant 0 : i32
          %add3A_572 = arith.addi %mul3A_570, %add3A_571 : i32
          %swap3A_573 = arith.index_cast %add3A_572 : i32 to index
          %swap3A_574 = arith.index_cast %select_n3A_412 : i32 to index
          %swap3A_575 = arith.constant 80 : index
          %swap3A_576 = tpu.vector_load %arg13[%swap3A_573, %swap3A_574, %swap3A_575] {strides = array<i32>} : memref<10x8x128xf32, #tpu.memory_space<vmem>>, vector<1x1x16xf32>,
          %swap3A_577 = vector.shape_cast %swap3A_576 : vector<1x1x16xf32> to vector<16xf32>
          %swap3A_578 = vector.shape_cast %mul3A_568 : vector<16xf32> to vector<1x1x16xf32>
          tpu.vector_store %arg13[%swap3A_573, %swap3A_574, %swap3A_575], %swap3A_578 {strides = array<i32>} : memref<10x8x128xf32, #tpu.memory_space<vmem>>, vector<1x1x16xf32>,
          %mul3A_579 = arith.constant 2 : i32
          %mul3A_580 = arith.muli %mul3A_579, %scan3A_379 : i32
          %get3A_581 = arith.index_cast %mul3A_580 : i32 to index
          %get3A_582 = arith.constant 96 : index
          %get3A_583 = tpu.vector_load %arg9[%get3A_581, %get3A_582] {strides = array<i32>} : memref<80x256xf32, #tpu.memory_space<vmem>>, vector<1x16xf32>,
          %get3A_584 = vector.shape_cast %get3A_583 : vector<1x16xf32> to vector<16xf32>
          %mul3A_585 = arith.constant 2 : i32
          %mul3A_586 = arith.muli %mul3A_585, %scan3A_379 : i32
          %add3A_587 = arith.constant 1 : i32
          %add3A_588 = arith.addi %mul3A_586, %add3A_587 : i32
          %get3A_589 = arith.index_cast %add3A_588 : i32 to index
          %get3A_590 = arith.constant 96 : index
          %get3A_591 = tpu.vector_load %arg9[%get3A_589, %get3A_590] {strides = array<i32>} : memref<80x256xf32, #tpu.memory_space<vmem>>, vector<1x16xf32>,
          %get3A_592 = vector.shape_cast %get3A_591 : vector<1x16xf32> to vector<16xf32>
          %add3A_593 = arith.addf %get3A_584, %get3A_592 : vector<16xf32>
          %mul3A_594 = arith.constant 5.000000e-01 : f32
          %mul3A_595 = vector.broadcast %mul3A_594 : f32 to vector<16xf32>
          %mul3A_596 = arith.mulf %add3A_593, %mul3A_595 : vector<16xf32>
          %mul3A_597 = arith.constant 2 : i32
          %mul3A_598 = arith.muli %mul3A_597, %select_n3A : i32
          %add3A_599 = arith.constant 0 : i32
          %add3A_600 = arith.addi %mul3A_598, %add3A_599 : i32
          %swap3A_601 = arith.index_cast %add3A_600 : i32 to index
          %swap3A_602 = arith.index_cast %select_n3A_412 : i32 to index
          %swap3A_603 = arith.constant 96 : index
          %swap3A_604 = tpu.vector_load %arg13[%swap3A_601, %swap3A_602, %swap3A_603] {strides = array<i32>} : memref<10x8x128xf32, #tpu.memory_space<vmem>>, vector<1x1x16xf32>,
          %swap3A_605 = vector.shape_cast %swap3A_604 : vector<1x1x16xf32> to vector<16xf32>
          %swap3A_606 = vector.shape_cast %mul3A_596 : vector<16xf32> to vector<1x1x16xf32>
          tpu.vector_store %arg13[%swap3A_601, %swap3A_602, %swap3A_603], %swap3A_606 {strides = array<i32>} : memref<10x8x128xf32, #tpu.memory_space<vmem>>, vector<1x1x16xf32>,
          %mul3A_607 = arith.constant 2 : i32
          %mul3A_608 = arith.muli %mul3A_607, %scan3A_379 : i32
          %get3A_609 = arith.index_cast %mul3A_608 : i32 to index
          %get3A_610 = arith.constant 112 : index
          %get3A_611 = tpu.vector_load %arg9[%get3A_609, %get3A_610] {strides = array<i32>} : memref<80x256xf32, #tpu.memory_space<vmem>>, vector<1x16xf32>,
          %get3A_612 = vector.shape_cast %get3A_611 : vector<1x16xf32> to vector<16xf32>
          %mul3A_613 = arith.constant 2 : i32
          %mul3A_614 = arith.muli %mul3A_613, %scan3A_379 : i32
          %add3A_615 = arith.constant 1 : i32
          %add3A_616 = arith.addi %mul3A_614, %add3A_615 : i32
          %get3A_617 = arith.index_cast %add3A_616 : i32 to index
          %get3A_618 = arith.constant 112 : index
          %get3A_619 = tpu.vector_load %arg9[%get3A_617, %get3A_618] {strides = array<i32>} : memref<80x256xf32, #tpu.memory_space<vmem>>, vector<1x16xf32>,
          %get3A_620 = vector.shape_cast %get3A_619 : vector<1x16xf32> to vector<16xf32>
          %add3A_621 = arith.addf %get3A_612, %get3A_620 : vector<16xf32>
          %mul3A_622 = arith.constant 5.000000e-01 : f32
          %mul3A_623 = vector.broadcast %mul3A_622 : f32 to vector<16xf32>
          %mul3A_624 = arith.mulf %add3A_621, %mul3A_623 : vector<16xf32>
          %mul3A_625 = arith.constant 2 : i32
          %mul3A_626 = arith.muli %mul3A_625, %select_n3A : i32
          %add3A_627 = arith.constant 0 : i32
          %add3A_628 = arith.addi %mul3A_626, %add3A_627 : i32
          %swap3A_629 = arith.index_cast %add3A_628 : i32 to index
          %swap3A_630 = arith.index_cast %select_n3A_412 : i32 to index
          %swap3A_631 = arith.constant 112 : index
          %swap3A_632 = tpu.vector_load %arg13[%swap3A_629, %swap3A_630, %swap3A_631] {strides = array<i32>} : memref<10x8x128xf32, #tpu.memory_space<vmem>>, vector<1x1x16xf32>,
          %swap3A_633 = vector.shape_cast %swap3A_632 : vector<1x1x16xf32> to vector<16xf32>
          %swap3A_634 = vector.shape_cast %mul3A_624 : vector<16xf32> to vector<1x1x16xf32>
          tpu.vector_store %arg13[%swap3A_629, %swap3A_630, %swap3A_631], %swap3A_634 {strides = array<i32>} : memref<10x8x128xf32, #tpu.memory_space<vmem>>, vector<1x1x16xf32>,
          %mul3A_635 = arith.constant 2 : i32
          %mul3A_636 = arith.muli %mul3A_635, %scan3A_379 : i32
          %get3A_637 = arith.index_cast %mul3A_636 : i32 to index
          %get3A_638 = arith.constant 128 : index
          %get3A_639 = tpu.vector_load %arg9[%get3A_637, %get3A_638] {strides = array<i32>} : memref<80x256xf32, #tpu.memory_space<vmem>>, vector<1x16xf32>,
          %get3A_640 = vector.shape_cast %get3A_639 : vector<1x16xf32> to vector<16xf32>
          %mul3A_641 = arith.constant 2 : i32
          %mul3A_642 = arith.muli %mul3A_641, %scan3A_379 : i32
          %add3A_643 = arith.constant 1 : i32
          %add3A_644 = arith.addi %mul3A_642, %add3A_643 : i32
          %get3A_645 = arith.index_cast %add3A_644 : i32 to index
          %get3A_646 = arith.constant 128 : index
          %get3A_647 = tpu.vector_load %arg9[%get3A_645, %get3A_646] {strides = array<i32>} : memref<80x256xf32, #tpu.memory_space<vmem>>, vector<1x16xf32>,
          %get3A_648 = vector.shape_cast %get3A_647 : vector<1x16xf32> to vector<16xf32>
          %add3A_649 = arith.addf %get3A_640, %get3A_648 : vector<16xf32>
          %mul3A_650 = arith.constant 5.000000e-01 : f32
          %mul3A_651 = vector.broadcast %mul3A_650 : f32 to vector<16xf32>
          %mul3A_652 = arith.mulf %add3A_649, %mul3A_651 : vector<16xf32>
          %mul3A_653 = arith.constant 2 : i32
          %mul3A_654 = arith.muli %mul3A_653, %select_n3A : i32
          %add3A_655 = arith.constant 1 : i32
          %add3A_656 = arith.addi %mul3A_654, %add3A_655 : i32
          %swap3A_657 = arith.index_cast %add3A_656 : i32 to index
          %swap3A_658 = arith.index_cast %select_n3A_412 : i32 to index
          %swap3A_659 = arith.constant 0 : index
          %swap3A_660 = tpu.vector_load %arg13[%swap3A_657, %swap3A_658, %swap3A_659] {strides = array<i32>} : memref<10x8x128xf32, #tpu.memory_space<vmem>>, vector<1x1x16xf32>,
          %swap3A_661 = vector.shape_cast %swap3A_660 : vector<1x1x16xf32> to vector<16xf32>
          %swap3A_662 = vector.shape_cast %mul3A_652 : vector<16xf32> to vector<1x1x16xf32>
          tpu.vector_store %arg13[%swap3A_657, %swap3A_658, %swap3A_659], %swap3A_662 {strides = array<i32>} : memref<10x8x128xf32, #tpu.memory_space<vmem>>, vector<1x1x16xf32>,
          %mul3A_663 = arith.constant 2 : i32
          %mul3A_664 = arith.muli %mul3A_663, %scan3A_379 : i32
          %get3A_665 = arith.index_cast %mul3A_664 : i32 to index
          %get3A_666 = arith.constant 144 : index
          %get3A_667 = tpu.vector_load %arg9[%get3A_665, %get3A_666] {strides = array<i32>} : memref<80x256xf32, #tpu.memory_space<vmem>>, vector<1x16xf32>,
          %get3A_668 = vector.shape_cast %get3A_667 : vector<1x16xf32> to vector<16xf32>
          %mul3A_669 = arith.constant 2 : i32
          %mul3A_670 = arith.muli %mul3A_669, %scan3A_379 : i32
          %add3A_671 = arith.constant 1 : i32
          %add3A_672 = arith.addi %mul3A_670, %add3A_671 : i32
          %get3A_673 = arith.index_cast %add3A_672 : i32 to index
          %get3A_674 = arith.constant 144 : index
          %get3A_675 = tpu.vector_load %arg9[%get3A_673, %get3A_674] {strides = array<i32>} : memref<80x256xf32, #tpu.memory_space<vmem>>, vector<1x16xf32>,
          %get3A_676 = vector.shape_cast %get3A_675 : vector<1x16xf32> to vector<16xf32>
          %add3A_677 = arith.addf %get3A_668, %get3A_676 : vector<16xf32>
          %mul3A_678 = arith.constant 5.000000e-01 : f32
          %mul3A_679 = vector.broadcast %mul3A_678 : f32 to vector<16xf32>
          %mul3A_680 = arith.mulf %add3A_677, %mul3A_679 : vector<16xf32>
          %mul3A_681 = arith.constant 2 : i32
          %mul3A_682 = arith.muli %mul3A_681, %select_n3A : i32
          %add3A_683 = arith.constant 1 : i32
          %add3A_684 = arith.addi %mul3A_682, %add3A_683 : i32
          %swap3A_685 = arith.index_cast %add3A_684 : i32 to index
          %swap3A_686 = arith.index_cast %select_n3A_412 : i32 to index
          %swap3A_687 = arith.constant 16 : index
          %swap3A_688 = tpu.vector_load %arg13[%swap3A_685, %swap3A_686, %swap3A_687] {strides = array<i32>} : memref<10x8x128xf32, #tpu.memory_space<vmem>>, vector<1x1x16xf32>,
          %swap3A_689 = vector.shape_cast %swap3A_688 : vector<1x1x16xf32> to vector<16xf32>
          %swap3A_690 = vector.shape_cast %mul3A_680 : vector<16xf32> to vector<1x1x16xf32>
          tpu.vector_store %arg13[%swap3A_685, %swap3A_686, %swap3A_687], %swap3A_690 {strides = array<i32>} : memref<10x8x128xf32, #tpu.memory_space<vmem>>, vector<1x1x16xf32>,
          %mul3A_691 = arith.constant 2 : i32
          %mul3A_692 = arith.muli %mul3A_691, %scan3A_379 : i32
          %get3A_693 = arith.index_cast %mul3A_692 : i32 to index
          %get3A_694 = arith.constant 160 : index
          %get3A_695 = tpu.vector_load %arg9[%get3A_693, %get3A_694] {strides = array<i32>} : memref<80x256xf32, #tpu.memory_space<vmem>>, vector<1x16xf32>,
          %get3A_696 = vector.shape_cast %get3A_695 : vector<1x16xf32> to vector<16xf32>
          %mul3A_697 = arith.constant 2 : i32
          %mul3A_698 = arith.muli %mul3A_697, %scan3A_379 : i32
          %add3A_699 = arith.constant 1 : i32
          %add3A_700 = arith.addi %mul3A_698, %add3A_699 : i32
          %get3A_701 = arith.index_cast %add3A_700 : i32 to index
          %get3A_702 = arith.constant 160 : index
          %get3A_703 = tpu.vector_load %arg9[%get3A_701, %get3A_702] {strides = array<i32>} : memref<80x256xf32, #tpu.memory_space<vmem>>, vector<1x16xf32>,
          %get3A_704 = vector.shape_cast %get3A_703 : vector<1x16xf32> to vector<16xf32>
          %add3A_705 = arith.addf %get3A_696, %get3A_704 : vector<16xf32>
          %mul3A_706 = arith.constant 5.000000e-01 : f32
          %mul3A_707 = vector.broadcast %mul3A_706 : f32 to vector<16xf32>
          %mul3A_708 = arith.mulf %add3A_705, %mul3A_707 : vector<16xf32>
          %mul3A_709 = arith.constant 2 : i32
          %mul3A_710 = arith.muli %mul3A_709, %select_n3A : i32
          %add3A_711 = arith.constant 1 : i32
          %add3A_712 = arith.addi %mul3A_710, %add3A_711 : i32
          %swap3A_713 = arith.index_cast %add3A_712 : i32 to index
          %swap3A_714 = arith.index_cast %select_n3A_412 : i32 to index
          %swap3A_715 = arith.constant 32 : index
          %swap3A_716 = tpu.vector_load %arg13[%swap3A_713, %swap3A_714, %swap3A_715] {strides = array<i32>} : memref<10x8x128xf32, #tpu.memory_space<vmem>>, vector<1x1x16xf32>,
          %swap3A_717 = vector.shape_cast %swap3A_716 : vector<1x1x16xf32> to vector<16xf32>
          %swap3A_718 = vector.shape_cast %mul3A_708 : vector<16xf32> to vector<1x1x16xf32>
          tpu.vector_store %arg13[%swap3A_713, %swap3A_714, %swap3A_715], %swap3A_718 {strides = array<i32>} : memref<10x8x128xf32, #tpu.memory_space<vmem>>, vector<1x1x16xf32>,
          %mul3A_719 = arith.constant 2 : i32
          %mul3A_720 = arith.muli %mul3A_719, %scan3A_379 : i32
          %get3A_721 = arith.index_cast %mul3A_720 : i32 to index
          %get3A_722 = arith.constant 176 : index
          %get3A_723 = tpu.vector_load %arg9[%get3A_721, %get3A_722] {strides = array<i32>} : memref<80x256xf32, #tpu.memory_space<vmem>>, vector<1x16xf32>,
          %get3A_724 = vector.shape_cast %get3A_723 : vector<1x16xf32> to vector<16xf32>
          %mul3A_725 = arith.constant 2 : i32
          %mul3A_726 = arith.muli %mul3A_725, %scan3A_379 : i32
          %add3A_727 = arith.constant 1 : i32
          %add3A_728 = arith.addi %mul3A_726, %add3A_727 : i32
          %get3A_729 = arith.index_cast %add3A_728 : i32 to index
          %get3A_730 = arith.constant 176 : index
          %get3A_731 = tpu.vector_load %arg9[%get3A_729, %get3A_730] {strides = array<i32>} : memref<80x256xf32, #tpu.memory_space<vmem>>, vector<1x16xf32>,
          %get3A_732 = vector.shape_cast %get3A_731 : vector<1x16xf32> to vector<16xf32>
          %add3A_733 = arith.addf %get3A_724, %get3A_732 : vector<16xf32>
          %mul3A_734 = arith.constant 5.000000e-01 : f32
          %mul3A_735 = vector.broadcast %mul3A_734 : f32 to vector<16xf32>
          %mul3A_736 = arith.mulf %add3A_733, %mul3A_735 : vector<16xf32>
          %mul3A_737 = arith.constant 2 : i32
          %mul3A_738 = arith.muli %mul3A_737, %select_n3A : i32
          %add3A_739 = arith.constant 1 : i32
          %add3A_740 = arith.addi %mul3A_738, %add3A_739 : i32
          %swap3A_741 = arith.index_cast %add3A_740 : i32 to index
          %swap3A_742 = arith.index_cast %select_n3A_412 : i32 to index
          %swap3A_743 = arith.constant 48 : index
          %swap3A_744 = tpu.vector_load %arg13[%swap3A_741, %swap3A_742, %swap3A_743] {strides = array<i32>} : memref<10x8x128xf32, #tpu.memory_space<vmem>>, vector<1x1x16xf32>,
          %swap3A_745 = vector.shape_cast %swap3A_744 : vector<1x1x16xf32> to vector<16xf32>
          %swap3A_746 = vector.shape_cast %mul3A_736 : vector<16xf32> to vector<1x1x16xf32>
          tpu.vector_store %arg13[%swap3A_741, %swap3A_742, %swap3A_743], %swap3A_746 {strides = array<i32>} : memref<10x8x128xf32, #tpu.memory_space<vmem>>, vector<1x1x16xf32>,
          %mul3A_747 = arith.constant 2 : i32
          %mul3A_748 = arith.muli %mul3A_747, %scan3A_379 : i32
          %get3A_749 = arith.index_cast %mul3A_748 : i32 to index
          %get3A_750 = arith.constant 192 : index
          %get3A_751 = tpu.vector_load %arg9[%get3A_749, %get3A_750] {strides = array<i32>} : memref<80x256xf32, #tpu.memory_space<vmem>>, vector<1x16xf32>,
          %get3A_752 = vector.shape_cast %get3A_751 : vector<1x16xf32> to vector<16xf32>
          %mul3A_753 = arith.constant 2 : i32
          %mul3A_754 = arith.muli %mul3A_753, %scan3A_379 : i32
          %add3A_755 = arith.constant 1 : i32
          %add3A_756 = arith.addi %mul3A_754, %add3A_755 : i32
          %get3A_757 = arith.index_cast %add3A_756 : i32 to index
          %get3A_758 = arith.constant 192 : index
          %get3A_759 = tpu.vector_load %arg9[%get3A_757, %get3A_758] {strides = array<i32>} : memref<80x256xf32, #tpu.memory_space<vmem>>, vector<1x16xf32>,
          %get3A_760 = vector.shape_cast %get3A_759 : vector<1x16xf32> to vector<16xf32>
          %add3A_761 = arith.addf %get3A_752, %get3A_760 : vector<16xf32>
          %mul3A_762 = arith.constant 5.000000e-01 : f32
          %mul3A_763 = vector.broadcast %mul3A_762 : f32 to vector<16xf32>
          %mul3A_764 = arith.mulf %add3A_761, %mul3A_763 : vector<16xf32>
          %mul3A_765 = arith.constant 2 : i32
          %mul3A_766 = arith.muli %mul3A_765, %select_n3A : i32
          %add3A_767 = arith.constant 1 : i32
          %add3A_768 = arith.addi %mul3A_766, %add3A_767 : i32
          %swap3A_769 = arith.index_cast %add3A_768 : i32 to index
          %swap3A_770 = arith.index_cast %select_n3A_412 : i32 to index
          %swap3A_771 = arith.constant 64 : index
          %swap3A_772 = tpu.vector_load %arg13[%swap3A_769, %swap3A_770, %swap3A_771] {strides = array<i32>} : memref<10x8x128xf32, #tpu.memory_space<vmem>>, vector<1x1x16xf32>,
          %swap3A_773 = vector.shape_cast %swap3A_772 : vector<1x1x16xf32> to vector<16xf32>
          %swap3A_774 = vector.shape_cast %mul3A_764 : vector<16xf32> to vector<1x1x16xf32>
          tpu.vector_store %arg13[%swap3A_769, %swap3A_770, %swap3A_771], %swap3A_774 {strides = array<i32>} : memref<10x8x128xf32, #tpu.memory_space<vmem>>, vector<1x1x16xf32>,
          %mul3A_775 = arith.constant 2 : i32
          %mul3A_776 = arith.muli %mul3A_775, %scan3A_379 : i32
          %get3A_777 = arith.index_cast %mul3A_776 : i32 to index
          %get3A_778 = arith.constant 208 : index
          %get3A_779 = tpu.vector_load %arg9[%get3A_777, %get3A_778] {strides = array<i32>} : memref<80x256xf32, #tpu.memory_space<vmem>>, vector<1x16xf32>,
          %get3A_780 = vector.shape_cast %get3A_779 : vector<1x16xf32> to vector<16xf32>
          %mul3A_781 = arith.constant 2 : i32
          %mul3A_782 = arith.muli %mul3A_781, %scan3A_379 : i32
          %add3A_783 = arith.constant 1 : i32
          %add3A_784 = arith.addi %mul3A_782, %add3A_783 : i32
          %get3A_785 = arith.index_cast %add3A_784 : i32 to index
          %get3A_786 = arith.constant 208 : index
          %get3A_787 = tpu.vector_load %arg9[%get3A_785, %get3A_786] {strides = array<i32>} : memref<80x256xf32, #tpu.memory_space<vmem>>, vector<1x16xf32>,
          %get3A_788 = vector.shape_cast %get3A_787 : vector<1x16xf32> to vector<16xf32>
          %add3A_789 = arith.addf %get3A_780, %get3A_788 : vector<16xf32>
          %mul3A_790 = arith.constant 5.000000e-01 : f32
          %mul3A_791 = vector.broadcast %mul3A_790 : f32 to vector<16xf32>
          %mul3A_792 = arith.mulf %add3A_789, %mul3A_791 : vector<16xf32>
          %mul3A_793 = arith.constant 2 : i32
          %mul3A_794 = arith.muli %mul3A_793, %select_n3A : i32
          %add3A_795 = arith.constant 1 : i32
          %add3A_796 = arith.addi %mul3A_794, %add3A_795 : i32
          %swap3A_797 = arith.index_cast %add3A_796 : i32 to index
          %swap3A_798 = arith.index_cast %select_n3A_412 : i32 to index
          %swap3A_799 = arith.constant 80 : index
          %swap3A_800 = tpu.vector_load %arg13[%swap3A_797, %swap3A_798, %swap3A_799] {strides = array<i32>} : memref<10x8x128xf32, #tpu.memory_space<vmem>>, vector<1x1x16xf32>,
          %swap3A_801 = vector.shape_cast %swap3A_800 : vector<1x1x16xf32> to vector<16xf32>
          %swap3A_802 = vector.shape_cast %mul3A_792 : vector<16xf32> to vector<1x1x16xf32>
          tpu.vector_store %arg13[%swap3A_797, %swap3A_798, %swap3A_799], %swap3A_802 {strides = array<i32>} : memref<10x8x128xf32, #tpu.memory_space<vmem>>, vector<1x1x16xf32>,
          %mul3A_803 = arith.constant 2 : i32
          %mul3A_804 = arith.muli %mul3A_803, %scan3A_379 : i32
          %get3A_805 = arith.index_cast %mul3A_804 : i32 to index
          %get3A_806 = arith.constant 224 : index
          %get3A_807 = tpu.vector_load %arg9[%get3A_805, %get3A_806] {strides = array<i32>} : memref<80x256xf32, #tpu.memory_space<vmem>>, vector<1x16xf32>,
          %get3A_808 = vector.shape_cast %get3A_807 : vector<1x16xf32> to vector<16xf32>
          %mul3A_809 = arith.constant 2 : i32
          %mul3A_810 = arith.muli %mul3A_809, %scan3A_379 : i32
          %add3A_811 = arith.constant 1 : i32
          %add3A_812 = arith.addi %mul3A_810, %add3A_811 : i32
          %get3A_813 = arith.index_cast %add3A_812 : i32 to index
          %get3A_814 = arith.constant 224 : index
          %get3A_815 = tpu.vector_load %arg9[%get3A_813, %get3A_814] {strides = array<i32>} : memref<80x256xf32, #tpu.memory_space<vmem>>, vector<1x16xf32>,
          %get3A_816 = vector.shape_cast %get3A_815 : vector<1x16xf32> to vector<16xf32>
          %add3A_817 = arith.addf %get3A_808, %get3A_816 : vector<16xf32>
          %mul3A_818 = arith.constant 5.000000e-01 : f32
          %mul3A_819 = vector.broadcast %mul3A_818 : f32 to vector<16xf32>
          %mul3A_820 = arith.mulf %add3A_817, %mul3A_819 : vector<16xf32>
          %mul3A_821 = arith.constant 2 : i32
          %mul3A_822 = arith.muli %mul3A_821, %select_n3A : i32
          %add3A_823 = arith.constant 1 : i32
          %add3A_824 = arith.addi %mul3A_822, %add3A_823 : i32
          %swap3A_825 = arith.index_cast %add3A_824 : i32 to index
          %swap3A_826 = arith.index_cast %select_n3A_412 : i32 to index
          %swap3A_827 = arith.constant 96 : index
          %swap3A_828 = tpu.vector_load %arg13[%swap3A_825, %swap3A_826, %swap3A_827] {strides = array<i32>} : memref<10x8x128xf32, #tpu.memory_space<vmem>>, vector<1x1x16xf32>,
          %swap3A_829 = vector.shape_cast %swap3A_828 : vector<1x1x16xf32> to vector<16xf32>
          %swap3A_830 = vector.shape_cast %mul3A_820 : vector<16xf32> to vector<1x1x16xf32>
          tpu.vector_store %arg13[%swap3A_825, %swap3A_826, %swap3A_827], %swap3A_830 {strides = array<i32>} : memref<10x8x128xf32, #tpu.memory_space<vmem>>, vector<1x1x16xf32>,
          %mul3A_831 = arith.constant 2 : i32
          %mul3A_832 = arith.muli %mul3A_831, %scan3A_379 : i32
          %get3A_833 = arith.index_cast %mul3A_832 : i32 to index
          %get3A_834 = arith.constant 240 : index
          %get3A_835 = tpu.vector_load %arg9[%get3A_833, %get3A_834] {strides = array<i32>} : memref<80x256xf32, #tpu.memory_space<vmem>>, vector<1x16xf32>,
          %get3A_836 = vector.shape_cast %get3A_835 : vector<1x16xf32> to vector<16xf32>
          %mul3A_837 = arith.constant 2 : i32
          %mul3A_838 = arith.muli %mul3A_837, %scan3A_379 : i32
          %add3A_839 = arith.constant 1 : i32
          %add3A_840 = arith.addi %mul3A_838, %add3A_839 : i32
          %get3A_841 = arith.index_cast %add3A_840 : i32 to index
          %get3A_842 = arith.constant 240 : index
          %get3A_843 = tpu.vector_load %arg9[%get3A_841, %get3A_842] {strides = array<i32>} : memref<80x256xf32, #tpu.memory_space<vmem>>, vector<1x16xf32>,
          %get3A_844 = vector.shape_cast %get3A_843 : vector<1x16xf32> to vector<16xf32>
          %add3A_845 = arith.addf %get3A_836, %get3A_844 : vector<16xf32>
          %mul3A_846 = arith.constant 5.000000e-01 : f32
          %mul3A_847 = vector.broadcast %mul3A_846 : f32 to vector<16xf32>
          %mul3A_848 = arith.mulf %add3A_845, %mul3A_847 : vector<16xf32>
          %mul3A_849 = arith.constant 2 : i32
          %mul3A_850 = arith.muli %mul3A_849, %select_n3A : i32
          %add3A_851 = arith.constant 1 : i32
          %add3A_852 = arith.addi %mul3A_850, %add3A_851 : i32
          %swap3A_853 = arith.index_cast %add3A_852 : i32 to index
          %swap3A_854 = arith.index_cast %select_n3A_412 : i32 to index
          %swap3A_855 = arith.constant 112 : index
          %swap3A_856 = tpu.vector_load %arg13[%swap3A_853, %swap3A_854, %swap3A_855] {strides = array<i32>} : memref<10x8x128xf32, #tpu.memory_space<vmem>>, vector<1x1x16xf32>,
          %swap3A_857 = vector.shape_cast %swap3A_856 : vector<1x1x16xf32> to vector<16xf32>
          %swap3A_858 = vector.shape_cast %mul3A_848 : vector<16xf32> to vector<1x1x16xf32>
          tpu.vector_store %arg13[%swap3A_853, %swap3A_854, %swap3A_855], %swap3A_858 {strides = array<i32>} : memref<10x8x128xf32, #tpu.memory_space<vmem>>, vector<1x1x16xf32>,
        }
        %scan3A_378 = arith.constant 40 : i32
      } else {
      }
      %mul3A_152 = arith.constant 32 : i32
      %mul3A_153 = arith.muli %add3A_94, %mul3A_152 : i32
      %add3A_154 = arith.addi %add3A, %mul3A_153 : i32
      %lt3A_155 = arith.constant 2500 : i32
      %lt3A_156 = arith.cmpi slt, %add3A_154, %lt3A_155 : i32
      %convert_element_type3A_157 = arith.extui %lt3A_156 : i1 to i32
      %cond3A_158 = arith.constant 0 : i32
      %cond3A_159 = arith.cmpi ne, %convert_element_type3A_157, %cond3A_158 : i32
      scf.if %cond3A_159 {
        %mul3A_373 = arith.constant 32 : i32
        %mul3A_374 = arith.muli %add3A_94, %mul3A_373 : i32
        %add3A_375 = arith.addi %add3A, %mul3A_374 : i32
        %mul3A_376 = arith.constant 10 : i32
        %mul3A_377 = arith.muli %add3A_375, %mul3A_376 : i32
        %dma_start3A = arith.constant 0 : i32
        %dma_start3A_378 = arith.constant 0 : i32
        %dma_start3A_379 = tpu.memref_slice %arg4[%mul3A_377, %dma_start3A, %dma_start3A_378] : memref<25000x8x128xf32, #tpu.memory_space<hbm>> -> memref<10x8x128xf32, #tpu.memory_space<hbm>>
        %dma_start3A_380 = arith.constant 0 : i32
        %dma_start3A_381 = arith.constant 0 : i32
        %dma_start3A_382 = tpu.memref_slice %arg4[%mul3A_377, %dma_start3A_380, %dma_start3A_381] : memref<25000x8x128xf32, #tpu.memory_space<hbm>> -> memref<10x8x128xf32, #tpu.memory_space<hbm>>
        tpu.enqueue_dma source(%arg13 : memref<10x8x128xf32, #tpu.memory_space<vmem>>) target(%dma_start3A_382 : memref<10x8x128xf32, #tpu.memory_space<hbm>>) target_semaphore(%arg23 : memref<!tpu.dma_semaphore, #tpu.memory_space<semaphore_mem>>)
      } else {
      }
      %mul3A_160 = arith.constant 4 : i32
      %mul3A_161 = arith.muli %mul3A_160, %scan3A_90 : i32
      %add3A_162 = arith.constant 1 : i32
      %add3A_163 = arith.addi %mul3A_161, %add3A_162 : i32
      %mul3A_164 = arith.constant 32 : i32
      %mul3A_165 = arith.muli %add3A_163, %mul3A_164 : i32
      %add3A_166 = arith.addi %add3A, %mul3A_165 : i32
      %lt3A_167 = arith.constant 2500 : i32
      %lt3A_168 = arith.cmpi slt, %add3A_166, %lt3A_167 : i32
      %convert_element_type3A_169 = arith.extui %lt3A_168 : i1 to i32
      %cond3A_170 = arith.constant 0 : i32
      %cond3A_171 = arith.cmpi ne, %convert_element_type3A_169, %cond3A_170 : i32
      scf.if %cond3A_171 {
        %dma_wait3A = arith.constant 0 : i32
        %dma_wait3A_373 = arith.constant 0 : i32
        %dma_wait3A_374 = tpu.memref_slice %arg2[%dma_wait3A, %dma_wait3A_373] : memref<50000x256xf32, #tpu.memory_space<hbm>> -> memref<50000x256xf32, #tpu.memory_space<hbm>>
        tpu.wait_indirect_dma semaphore(%arg20 : memref<!tpu.dma_semaphore, #tpu.memory_space<semaphore_mem>>) src(%dma_wait3A_374 : memref<50000x256xf32, #tpu.memory_space<hbm>>) dst(%arg10 : memref<80x256xf32, #tpu.memory_space<vmem>>)
      } else {
      }
      %add3A_172 = arith.constant 4 : i32
      %add3A_173 = arith.addi %add3A_163, %add3A_172 : i32
      %mul3A_174 = arith.constant 32 : i32
      %mul3A_175 = arith.muli %add3A_173, %mul3A_174 : i32
      %add3A_176 = arith.addi %add3A, %mul3A_175 : i32
      %lt3A_177 = arith.constant 2500 : i32
      %lt3A_178 = arith.cmpi slt, %add3A_176, %lt3A_177 : i32
      %convert_element_type3A_179 = arith.extui %lt3A_178 : i1 to i32
      %cond3A_180 = arith.constant 0 : i32
      %cond3A_181 = arith.cmpi ne, %convert_element_type3A_179, %cond3A_180 : i32
      scf.if %cond3A_181 {
        %mul3A_373 = arith.constant 32 : i32
        %mul3A_374 = arith.muli %add3A_173, %mul3A_373 : i32
        %add3A_375 = arith.addi %add3A, %mul3A_374 : i32
        %dma_start3A = arith.constant 0 : i32
        %dma_start3A_376 = tpu.memref_slice %arg3[%add3A_375, %dma_start3A] : memref<2500x80xi32, #tpu.memory_space<hbm>> -> memref<1x80xi32, #tpu.memory_space<hbm>>
        %dma_start3A_377 = tpu.memref_squeeze %dma_start3A_376 : memref<1x80xi32, #tpu.memory_space<hbm>> -> memref<80xi32, #tpu.memory_space<hbm>>
        %dma_start3A_378 = arith.constant 0 : i32
        %dma_start3A_379 = tpu.memref_slice %arg3[%add3A_375, %dma_start3A_378] : memref<2500x80xi32, #tpu.memory_space<hbm>> -> memref<1x80xi32, #tpu.memory_space<hbm>>
        %dma_start3A_380 = tpu.memref_squeeze %dma_start3A_379 : memref<1x80xi32, #tpu.memory_space<hbm>> -> memref<80xi32, #tpu.memory_space<hbm>>
        tpu.enqueue_dma source(%dma_start3A_380 : memref<80xi32, #tpu.memory_space<hbm>>) target(%arg6 : memref<80xi32, #tpu.memory_space<vmem>>) target_semaphore(%arg16 : memref<!tpu.dma_semaphore, #tpu.memory_space<semaphore_mem>>)
      } else {
      }
      %add3A_182 = arith.constant 3 : i32
      %add3A_183 = arith.addi %add3A_163, %add3A_182 : i32
      %mul3A_184 = arith.constant 32 : i32
      %mul3A_185 = arith.muli %add3A_183, %mul3A_184 : i32
      %add3A_186 = arith.addi %add3A, %mul3A_185 : i32
      %lt3A_187 = arith.constant 2500 : i32
      %lt3A_188 = arith.cmpi slt, %add3A_186, %lt3A_187 : i32
      %convert_element_type3A_189 = arith.extui %lt3A_188 : i1 to i32
      %cond3A_190 = arith.constant 0 : i32
      %cond3A_191 = arith.cmpi ne, %convert_element_type3A_189, %cond3A_190 : i32
      scf.if %cond3A_191 {
        %mul3A_373 = arith.constant 32 : i32
        %mul3A_374 = arith.muli %add3A_183, %mul3A_373 : i32
        %add3A_375 = arith.addi %add3A, %mul3A_374 : i32
        %dma_wait3A = arith.constant 0 : i32
        %dma_wait3A_376 = tpu.memref_slice %arg3[%add3A_375, %dma_wait3A] : memref<2500x80xi32, #tpu.memory_space<hbm>> -> memref<1x80xi32, #tpu.memory_space<hbm>>
        %dma_wait3A_377 = tpu.memref_squeeze %dma_wait3A_376 : memref<1x80xi32, #tpu.memory_space<hbm>> -> memref<80xi32, #tpu.memory_space<hbm>>
        %dma_wait3A_378 = arith.constant 0 : i32
        %dma_wait3A_379 = tpu.memref_slice %arg3[%add3A_375, %dma_wait3A_378] : memref<2500x80xi32, #tpu.memory_space<hbm>> -> memref<1x80xi32, #tpu.memory_space<hbm>>
        %dma_wait3A_380 = tpu.memref_squeeze %dma_wait3A_379 : memref<1x80xi32, #tpu.memory_space<hbm>> -> memref<80xi32, #tpu.memory_space<hbm>>
        tpu.wait_dma2 semaphore(%arg15 : memref<!tpu.dma_semaphore, #tpu.memory_space<semaphore_mem>>) src(%dma_wait3A_380 : memref<80xi32, #tpu.memory_space<hbm>>) dst(%arg5 : memref<80xi32, #tpu.memory_space<vmem>>)
      } else {
      }
      %add3A_192 = arith.constant 3 : i32
      %add3A_193 = arith.addi %add3A_163, %add3A_192 : i32
      %mul3A_194 = arith.constant 32 : i32
      %mul3A_195 = arith.muli %add3A_193, %mul3A_194 : i32
      %add3A_196 = arith.addi %add3A, %mul3A_195 : i32
      %lt3A_197 = arith.constant 2500 : i32
      %lt3A_198 = arith.cmpi slt, %add3A_196, %lt3A_197 : i32
      %convert_element_type3A_199 = arith.extui %lt3A_198 : i1 to i32
      %cond3A_200 = arith.constant 0 : i32
      %cond3A_201 = arith.cmpi ne, %convert_element_type3A_199, %cond3A_200 : i32
      scf.if %cond3A_201 {
        %dma_start3A = arith.constant 0 : i32
        %dma_start3A_373 = arith.constant 0 : i32
        %dma_start3A_374 = tpu.memref_slice %arg2[%dma_start3A, %dma_start3A_373] : memref<50000x256xf32, #tpu.memory_space<hbm>> -> memref<50000x256xf32, #tpu.memory_space<hbm>>
        tpu.enqueue_indirect_dma source(%dma_start3A_374 : memref<50000x256xf32, #tpu.memory_space<hbm>>) target(%arg9 : memref<80x256xf32, #tpu.memory_space<vmem>>) offsets(%arg5 : memref<80xi32, #tpu.memory_space<vmem>>) semaphore(%arg19 : memref<!tpu.dma_semaphore, #tpu.memory_space<semaphore_mem>>)
      } else {
      }
      %sub3A_202 = arith.constant 2 : i32
      %sub3A_203 = arith.subi %add3A_163, %sub3A_202 : i32
      %ge3A_204 = arith.constant 0 : i32
      %ge3A_205 = arith.cmpi sge, %sub3A_203, %ge3A_204 : i32
      %mul3A_206 = arith.constant 32 : i32
      %mul3A_207 = arith.muli %sub3A_203, %mul3A_206 : i32
      %add3A_208 = arith.addi %add3A, %mul3A_207 : i32
      %lt3A_209 = arith.constant 2500 : i32
      %lt3A_210 = arith.cmpi slt, %add3A_208, %lt3A_209 : i32
      %and3A_211 = arith.andi %ge3A_205, %lt3A_210 : i1
      %convert_element_type3A_212 = arith.extui %and3A_211 : i1 to i32
      %cond3A_213 = arith.constant 0 : i32
      %cond3A_214 = arith.cmpi ne, %convert_element_type3A_212, %cond3A_213 : i32
      scf.if %cond3A_214 {
        %mul3A_373 = arith.constant 32 : i32
        %mul3A_374 = arith.muli %sub3A_203, %mul3A_373 : i32
        %add3A_375 = arith.addi %add3A, %mul3A_374 : i32
        %mul3A_376 = arith.constant 10 : i32
        %mul3A_377 = arith.muli %add3A_375, %mul3A_376 : i32
        %dma_wait3A = arith.constant 0 : i32
        %dma_wait3A_378 = arith.constant 0 : i32
        %dma_wait3A_379 = tpu.memref_slice %arg4[%mul3A_377, %dma_wait3A, %dma_wait3A_378] : memref<25000x8x128xf32, #tpu.memory_space<hbm>> -> memref<10x8x128xf32, #tpu.memory_space<hbm>>
        %dma_wait3A_380 = arith.constant 0 : i32
        %dma_wait3A_381 = arith.constant 0 : i32
        %dma_wait3A_382 = tpu.memref_slice %arg4[%mul3A_377, %dma_wait3A_380, %dma_wait3A_381] : memref<25000x8x128xf32, #tpu.memory_space<hbm>> -> memref<10x8x128xf32, #tpu.memory_space<hbm>>
        tpu.wait_dma2 semaphore(%arg24 : memref<!tpu.dma_semaphore, #tpu.memory_space<semaphore_mem>>) src(%arg14 : memref<10x8x128xf32, #tpu.memory_space<vmem>>) dst(%dma_wait3A_382 : memref<10x8x128xf32, #tpu.memory_space<hbm>>)
      } else {
      }
      %mul3A_215 = arith.constant 32 : i32
      %mul3A_216 = arith.muli %add3A_163, %mul3A_215 : i32
      %add3A_217 = arith.addi %add3A, %mul3A_216 : i32
      %lt3A_218 = arith.constant 2500 : i32
      %lt3A_219 = arith.cmpi slt, %add3A_217, %lt3A_218 : i32
      %convert_element_type3A_220 = arith.extui %lt3A_219 : i1 to i32
      %cond3A_221 = arith.constant 0 : i32
      %cond3A_222 = arith.cmpi ne, %convert_element_type3A_220, %cond3A_221 : i32
      scf.if %cond3A_222 {
        %scan3A_373 = arith.constant 0 : i32
        %scan3A_374 = arith.constant 0 : i32
        %scan3A_375 = arith.constant 40 : i32
        %scan3A_376 = arith.addi %scan3A_374, %scan3A_375 : i32
        %scan3A_377 = arith.constant 1 : i32
        scf.for %scan3A_379 = %scan3A_374 to %scan3A_376 step %scan3A_377  : i32 {
          %jit3A = arith.constant 8 : i32
          %div3A = arith.divsi %scan3A_379, %jit3A : i32
          %sign3A = arith.constant 0 : i32
          %sign3A_380 = arith.cmpi sgt, %scan3A_379, %sign3A : i32
          %sign3A_381 = arith.extui %sign3A_380 : i1 to i32
          %sign3A_382 = arith.constant 0 : i32
          %sign3A_383 = arith.cmpi slt, %scan3A_379, %sign3A_382 : i32
          %sign3A_384 = arith.extui %sign3A_383 : i1 to i32
          %sign3A_385 = arith.subi %sign3A_381, %sign3A_384 : i32
          %sign3A_386 = arith.constant 0 : i32
          %sign3A_387 = arith.cmpi sgt, %jit3A, %sign3A_386 : i32
          %sign3A_388 = arith.extui %sign3A_387 : i1 to i32
          %sign3A_389 = arith.constant 0 : i32
          %sign3A_390 = arith.cmpi slt, %jit3A, %sign3A_389 : i32
          %sign3A_391 = arith.extui %sign3A_390 : i1 to i32
          %sign3A_392 = arith.subi %sign3A_388, %sign3A_391 : i32
          %ne3A = arith.cmpi ne, %sign3A_385, %sign3A_392 : i32
          %rem3A = arith.remsi %scan3A_379, %jit3A : i32
          %ne3A_393 = arith.constant 0 : i32
          %ne3A_394 = arith.cmpi ne, %rem3A, %ne3A_393 : i32
          %and3A_395 = arith.andi %ne3A, %ne3A_394 : i1
          %sub3A_396 = arith.constant 1 : i32
          %sub3A_397 = arith.subi %div3A, %sub3A_396 : i32
          %select_n3A = arith.select %and3A_395, %sub3A_397, %div3A : i32
          %jit3A_398 = arith.constant 8 : i32
          %eq3A = arith.constant 0 : i32
          %eq3A_399 = arith.cmpi eq, %jit3A_398, %eq3A : i32
          %jit3A_400 = arith.constant 1 : i32
          %select_n3A_401 = arith.select %eq3A_399, %jit3A_400, %jit3A_398 : i32
          %rem3A_402 = arith.remsi %scan3A_379, %select_n3A_401 : i32
          %ne3A_403 = arith.constant 0 : i32
          %ne3A_404 = arith.cmpi ne, %rem3A_402, %ne3A_403 : i32
          %lt3A_405 = arith.constant 0 : i32
          %lt3A_406 = arith.cmpi slt, %rem3A_402, %lt3A_405 : i32
          %lt3A_407 = arith.constant 0 : i32
          %lt3A_408 = arith.cmpi slt, %select_n3A_401, %lt3A_407 : i32
          %ne3A_409 = arith.xori %lt3A_406, %lt3A_408 : i1
          %and3A_410 = arith.andi %ne3A_409, %ne3A_404 : i1
          %add3A_411 = arith.addi %rem3A_402, %select_n3A_401 : i32
          %select_n3A_412 = arith.select %and3A_410, %add3A_411, %rem3A_402 : i32
          %mul3A_413 = arith.constant 2 : i32
          %mul3A_414 = arith.muli %mul3A_413, %scan3A_379 : i32
          %get3A = arith.index_cast %mul3A_414 : i32 to index
          %get3A_415 = arith.constant 0 : index
          %get3A_416 = tpu.vector_load %arg10[%get3A, %get3A_415] {strides = array<i32>} : memref<80x256xf32, #tpu.memory_space<vmem>>, vector<1x16xf32>,
          %get3A_417 = vector.shape_cast %get3A_416 : vector<1x16xf32> to vector<16xf32>
          %mul3A_418 = arith.constant 2 : i32
          %mul3A_419 = arith.muli %mul3A_418, %scan3A_379 : i32
          %add3A_420 = arith.constant 1 : i32
          %add3A_421 = arith.addi %mul3A_419, %add3A_420 : i32
          %get3A_422 = arith.index_cast %add3A_421 : i32 to index
          %get3A_423 = arith.constant 0 : index
          %get3A_424 = tpu.vector_load %arg10[%get3A_422, %get3A_423] {strides = array<i32>} : memref<80x256xf32, #tpu.memory_space<vmem>>, vector<1x16xf32>,
          %get3A_425 = vector.shape_cast %get3A_424 : vector<1x16xf32> to vector<16xf32>
          %add3A_426 = arith.addf %get3A_417, %get3A_425 : vector<16xf32>
          %mul3A_427 = arith.constant 5.000000e-01 : f32
          %mul3A_428 = vector.broadcast %mul3A_427 : f32 to vector<16xf32>
          %mul3A_429 = arith.mulf %add3A_426, %mul3A_428 : vector<16xf32>
          %mul3A_430 = arith.constant 2 : i32
          %mul3A_431 = arith.muli %mul3A_430, %select_n3A : i32
          %add3A_432 = arith.constant 0 : i32
          %add3A_433 = arith.addi %mul3A_431, %add3A_432 : i32
          %swap3A = arith.index_cast %add3A_433 : i32 to index
          %swap3A_434 = arith.index_cast %select_n3A_412 : i32 to index
          %swap3A_435 = arith.constant 0 : index
          %swap3A_436 = tpu.vector_load %arg14[%swap3A, %swap3A_434, %swap3A_435] {strides = array<i32>} : memref<10x8x128xf32, #tpu.memory_space<vmem>>, vector<1x1x16xf32>,
          %swap3A_437 = vector.shape_cast %swap3A_436 : vector<1x1x16xf32> to vector<16xf32>
          %swap3A_438 = vector.shape_cast %mul3A_429 : vector<16xf32> to vector<1x1x16xf32>
          tpu.vector_store %arg14[%swap3A, %swap3A_434, %swap3A_435], %swap3A_438 {strides = array<i32>} : memref<10x8x128xf32, #tpu.memory_space<vmem>>, vector<1x1x16xf32>,
          %mul3A_439 = arith.constant 2 : i32
          %mul3A_440 = arith.muli %mul3A_439, %scan3A_379 : i32
          %get3A_441 = arith.index_cast %mul3A_440 : i32 to index
          %get3A_442 = arith.constant 16 : index
          %get3A_443 = tpu.vector_load %arg10[%get3A_441, %get3A_442] {strides = array<i32>} : memref<80x256xf32, #tpu.memory_space<vmem>>, vector<1x16xf32>,
          %get3A_444 = vector.shape_cast %get3A_443 : vector<1x16xf32> to vector<16xf32>
          %mul3A_445 = arith.constant 2 : i32
          %mul3A_446 = arith.muli %mul3A_445, %scan3A_379 : i32
          %add3A_447 = arith.constant 1 : i32
          %add3A_448 = arith.addi %mul3A_446, %add3A_447 : i32
          %get3A_449 = arith.index_cast %add3A_448 : i32 to index
          %get3A_450 = arith.constant 16 : index
          %get3A_451 = tpu.vector_load %arg10[%get3A_449, %get3A_450] {strides = array<i32>} : memref<80x256xf32, #tpu.memory_space<vmem>>, vector<1x16xf32>,
          %get3A_452 = vector.shape_cast %get3A_451 : vector<1x16xf32> to vector<16xf32>
          %add3A_453 = arith.addf %get3A_444, %get3A_452 : vector<16xf32>
          %mul3A_454 = arith.constant 5.000000e-01 : f32
          %mul3A_455 = vector.broadcast %mul3A_454 : f32 to vector<16xf32>
          %mul3A_456 = arith.mulf %add3A_453, %mul3A_455 : vector<16xf32>
          %mul3A_457 = arith.constant 2 : i32
          %mul3A_458 = arith.muli %mul3A_457, %select_n3A : i32
          %add3A_459 = arith.constant 0 : i32
          %add3A_460 = arith.addi %mul3A_458, %add3A_459 : i32
          %swap3A_461 = arith.index_cast %add3A_460 : i32 to index
          %swap3A_462 = arith.index_cast %select_n3A_412 : i32 to index
          %swap3A_463 = arith.constant 16 : index
          %swap3A_464 = tpu.vector_load %arg14[%swap3A_461, %swap3A_462, %swap3A_463] {strides = array<i32>} : memref<10x8x128xf32, #tpu.memory_space<vmem>>, vector<1x1x16xf32>,
          %swap3A_465 = vector.shape_cast %swap3A_464 : vector<1x1x16xf32> to vector<16xf32>
          %swap3A_466 = vector.shape_cast %mul3A_456 : vector<16xf32> to vector<1x1x16xf32>
          tpu.vector_store %arg14[%swap3A_461, %swap3A_462, %swap3A_463], %swap3A_466 {strides = array<i32>} : memref<10x8x128xf32, #tpu.memory_space<vmem>>, vector<1x1x16xf32>,
          %mul3A_467 = arith.constant 2 : i32
          %mul3A_468 = arith.muli %mul3A_467, %scan3A_379 : i32
          %get3A_469 = arith.index_cast %mul3A_468 : i32 to index
          %get3A_470 = arith.constant 32 : index
          %get3A_471 = tpu.vector_load %arg10[%get3A_469, %get3A_470] {strides = array<i32>} : memref<80x256xf32, #tpu.memory_space<vmem>>, vector<1x16xf32>,
          %get3A_472 = vector.shape_cast %get3A_471 : vector<1x16xf32> to vector<16xf32>
          %mul3A_473 = arith.constant 2 : i32
          %mul3A_474 = arith.muli %mul3A_473, %scan3A_379 : i32
          %add3A_475 = arith.constant 1 : i32
          %add3A_476 = arith.addi %mul3A_474, %add3A_475 : i32
          %get3A_477 = arith.index_cast %add3A_476 : i32 to index
          %get3A_478 = arith.constant 32 : index
          %get3A_479 = tpu.vector_load %arg10[%get3A_477, %get3A_478] {strides = array<i32>} : memref<80x256xf32, #tpu.memory_space<vmem>>, vector<1x16xf32>,
          %get3A_480 = vector.shape_cast %get3A_479 : vector<1x16xf32> to vector<16xf32>
          %add3A_481 = arith.addf %get3A_472, %get3A_480 : vector<16xf32>
          %mul3A_482 = arith.constant 5.000000e-01 : f32
          %mul3A_483 = vector.broadcast %mul3A_482 : f32 to vector<16xf32>
          %mul3A_484 = arith.mulf %add3A_481, %mul3A_483 : vector<16xf32>
          %mul3A_485 = arith.constant 2 : i32
          %mul3A_486 = arith.muli %mul3A_485, %select_n3A : i32
          %add3A_487 = arith.constant 0 : i32
          %add3A_488 = arith.addi %mul3A_486, %add3A_487 : i32
          %swap3A_489 = arith.index_cast %add3A_488 : i32 to index
          %swap3A_490 = arith.index_cast %select_n3A_412 : i32 to index
          %swap3A_491 = arith.constant 32 : index
          %swap3A_492 = tpu.vector_load %arg14[%swap3A_489, %swap3A_490, %swap3A_491] {strides = array<i32>} : memref<10x8x128xf32, #tpu.memory_space<vmem>>, vector<1x1x16xf32>,
          %swap3A_493 = vector.shape_cast %swap3A_492 : vector<1x1x16xf32> to vector<16xf32>
          %swap3A_494 = vector.shape_cast %mul3A_484 : vector<16xf32> to vector<1x1x16xf32>
          tpu.vector_store %arg14[%swap3A_489, %swap3A_490, %swap3A_491], %swap3A_494 {strides = array<i32>} : memref<10x8x128xf32, #tpu.memory_space<vmem>>, vector<1x1x16xf32>,
          %mul3A_495 = arith.constant 2 : i32
          %mul3A_496 = arith.muli %mul3A_495, %scan3A_379 : i32
          %get3A_497 = arith.index_cast %mul3A_496 : i32 to index
          %get3A_498 = arith.constant 48 : index
          %get3A_499 = tpu.vector_load %arg10[%get3A_497, %get3A_498] {strides = array<i32>} : memref<80x256xf32, #tpu.memory_space<vmem>>, vector<1x16xf32>,
          %get3A_500 = vector.shape_cast %get3A_499 : vector<1x16xf32> to vector<16xf32>
          %mul3A_501 = arith.constant 2 : i32
          %mul3A_502 = arith.muli %mul3A_501, %scan3A_379 : i32
          %add3A_503 = arith.constant 1 : i32
          %add3A_504 = arith.addi %mul3A_502, %add3A_503 : i32
          %get3A_505 = arith.index_cast %add3A_504 : i32 to index
          %get3A_506 = arith.constant 48 : index
          %get3A_507 = tpu.vector_load %arg10[%get3A_505, %get3A_506] {strides = array<i32>} : memref<80x256xf32, #tpu.memory_space<vmem>>, vector<1x16xf32>,
          %get3A_508 = vector.shape_cast %get3A_507 : vector<1x16xf32> to vector<16xf32>
          %add3A_509 = arith.addf %get3A_500, %get3A_508 : vector<16xf32>
          %mul3A_510 = arith.constant 5.000000e-01 : f32
          %mul3A_511 = vector.broadcast %mul3A_510 : f32 to vector<16xf32>
          %mul3A_512 = arith.mulf %add3A_509, %mul3A_511 : vector<16xf32>
          %mul3A_513 = arith.constant 2 : i32
          %mul3A_514 = arith.muli %mul3A_513, %select_n3A : i32
          %add3A_515 = arith.constant 0 : i32
          %add3A_516 = arith.addi %mul3A_514, %add3A_515 : i32
          %swap3A_517 = arith.index_cast %add3A_516 : i32 to index
          %swap3A_518 = arith.index_cast %select_n3A_412 : i32 to index
          %swap3A_519 = arith.constant 48 : index
          %swap3A_520 = tpu.vector_load %arg14[%swap3A_517, %swap3A_518, %swap3A_519] {strides = array<i32>} : memref<10x8x128xf32, #tpu.memory_space<vmem>>, vector<1x1x16xf32>,
          %swap3A_521 = vector.shape_cast %swap3A_520 : vector<1x1x16xf32> to vector<16xf32>
          %swap3A_522 = vector.shape_cast %mul3A_512 : vector<16xf32> to vector<1x1x16xf32>
          tpu.vector_store %arg14[%swap3A_517, %swap3A_518, %swap3A_519], %swap3A_522 {strides = array<i32>} : memref<10x8x128xf32, #tpu.memory_space<vmem>>, vector<1x1x16xf32>,
          %mul3A_523 = arith.constant 2 : i32
          %mul3A_524 = arith.muli %mul3A_523, %scan3A_379 : i32
          %get3A_525 = arith.index_cast %mul3A_524 : i32 to index
          %get3A_526 = arith.constant 64 : index
          %get3A_527 = tpu.vector_load %arg10[%get3A_525, %get3A_526] {strides = array<i32>} : memref<80x256xf32, #tpu.memory_space<vmem>>, vector<1x16xf32>,
          %get3A_528 = vector.shape_cast %get3A_527 : vector<1x16xf32> to vector<16xf32>
          %mul3A_529 = arith.constant 2 : i32
          %mul3A_530 = arith.muli %mul3A_529, %scan3A_379 : i32
          %add3A_531 = arith.constant 1 : i32
          %add3A_532 = arith.addi %mul3A_530, %add3A_531 : i32
          %get3A_533 = arith.index_cast %add3A_532 : i32 to index
          %get3A_534 = arith.constant 64 : index
          %get3A_535 = tpu.vector_load %arg10[%get3A_533, %get3A_534] {strides = array<i32>} : memref<80x256xf32, #tpu.memory_space<vmem>>, vector<1x16xf32>,
          %get3A_536 = vector.shape_cast %get3A_535 : vector<1x16xf32> to vector<16xf32>
          %add3A_537 = arith.addf %get3A_528, %get3A_536 : vector<16xf32>
          %mul3A_538 = arith.constant 5.000000e-01 : f32
          %mul3A_539 = vector.broadcast %mul3A_538 : f32 to vector<16xf32>
          %mul3A_540 = arith.mulf %add3A_537, %mul3A_539 : vector<16xf32>
          %mul3A_541 = arith.constant 2 : i32
          %mul3A_542 = arith.muli %mul3A_541, %select_n3A : i32
          %add3A_543 = arith.constant 0 : i32
          %add3A_544 = arith.addi %mul3A_542, %add3A_543 : i32
          %swap3A_545 = arith.index_cast %add3A_544 : i32 to index
          %swap3A_546 = arith.index_cast %select_n3A_412 : i32 to index
          %swap3A_547 = arith.constant 64 : index
          %swap3A_548 = tpu.vector_load %arg14[%swap3A_545, %swap3A_546, %swap3A_547] {strides = array<i32>} : memref<10x8x128xf32, #tpu.memory_space<vmem>>, vector<1x1x16xf32>,
          %swap3A_549 = vector.shape_cast %swap3A_548 : vector<1x1x16xf32> to vector<16xf32>
          %swap3A_550 = vector.shape_cast %mul3A_540 : vector<16xf32> to vector<1x1x16xf32>
          tpu.vector_store %arg14[%swap3A_545, %swap3A_546, %swap3A_547], %swap3A_550 {strides = array<i32>} : memref<10x8x128xf32, #tpu.memory_space<vmem>>, vector<1x1x16xf32>,
          %mul3A_551 = arith.constant 2 : i32
          %mul3A_552 = arith.muli %mul3A_551, %scan3A_379 : i32
          %get3A_553 = arith.index_cast %mul3A_552 : i32 to index
          %get3A_554 = arith.constant 80 : index
          %get3A_555 = tpu.vector_load %arg10[%get3A_553, %get3A_554] {strides = array<i32>} : memref<80x256xf32, #tpu.memory_space<vmem>>, vector<1x16xf32>,
          %get3A_556 = vector.shape_cast %get3A_555 : vector<1x16xf32> to vector<16xf32>
          %mul3A_557 = arith.constant 2 : i32
          %mul3A_558 = arith.muli %mul3A_557, %scan3A_379 : i32
          %add3A_559 = arith.constant 1 : i32
          %add3A_560 = arith.addi %mul3A_558, %add3A_559 : i32
          %get3A_561 = arith.index_cast %add3A_560 : i32 to index
          %get3A_562 = arith.constant 80 : index
          %get3A_563 = tpu.vector_load %arg10[%get3A_561, %get3A_562] {strides = array<i32>} : memref<80x256xf32, #tpu.memory_space<vmem>>, vector<1x16xf32>,
          %get3A_564 = vector.shape_cast %get3A_563 : vector<1x16xf32> to vector<16xf32>
          %add3A_565 = arith.addf %get3A_556, %get3A_564 : vector<16xf32>
          %mul3A_566 = arith.constant 5.000000e-01 : f32
          %mul3A_567 = vector.broadcast %mul3A_566 : f32 to vector<16xf32>
          %mul3A_568 = arith.mulf %add3A_565, %mul3A_567 : vector<16xf32>
          %mul3A_569 = arith.constant 2 : i32
          %mul3A_570 = arith.muli %mul3A_569, %select_n3A : i32
          %add3A_571 = arith.constant 0 : i32
          %add3A_572 = arith.addi %mul3A_570, %add3A_571 : i32
          %swap3A_573 = arith.index_cast %add3A_572 : i32 to index
          %swap3A_574 = arith.index_cast %select_n3A_412 : i32 to index
          %swap3A_575 = arith.constant 80 : index
          %swap3A_576 = tpu.vector_load %arg14[%swap3A_573, %swap3A_574, %swap3A_575] {strides = array<i32>} : memref<10x8x128xf32, #tpu.memory_space<vmem>>, vector<1x1x16xf32>,
          %swap3A_577 = vector.shape_cast %swap3A_576 : vector<1x1x16xf32> to vector<16xf32>
          %swap3A_578 = vector.shape_cast %mul3A_568 : vector<16xf32> to vector<1x1x16xf32>
          tpu.vector_store %arg14[%swap3A_573, %swap3A_574, %swap3A_575], %swap3A_578 {strides = array<i32>} : memref<10x8x128xf32, #tpu.memory_space<vmem>>, vector<1x1x16xf32>,
          %mul3A_579 = arith.constant 2 : i32
          %mul3A_580 = arith.muli %mul3A_579, %scan3A_379 : i32
          %get3A_581 = arith.index_cast %mul3A_580 : i32 to index
          %get3A_582 = arith.constant 96 : index
          %get3A_583 = tpu.vector_load %arg10[%get3A_581, %get3A_582] {strides = array<i32>} : memref<80x256xf32, #tpu.memory_space<vmem>>, vector<1x16xf32>,
          %get3A_584 = vector.shape_cast %get3A_583 : vector<1x16xf32> to vector<16xf32>
          %mul3A_585 = arith.constant 2 : i32
          %mul3A_586 = arith.muli %mul3A_585, %scan3A_379 : i32
          %add3A_587 = arith.constant 1 : i32
          %add3A_588 = arith.addi %mul3A_586, %add3A_587 : i32
          %get3A_589 = arith.index_cast %add3A_588 : i32 to index
          %get3A_590 = arith.constant 96 : index
          %get3A_591 = tpu.vector_load %arg10[%get3A_589, %get3A_590] {strides = array<i32>} : memref<80x256xf32, #tpu.memory_space<vmem>>, vector<1x16xf32>,
          %get3A_592 = vector.shape_cast %get3A_591 : vector<1x16xf32> to vector<16xf32>
          %add3A_593 = arith.addf %get3A_584, %get3A_592 : vector<16xf32>
          %mul3A_594 = arith.constant 5.000000e-01 : f32
          %mul3A_595 = vector.broadcast %mul3A_594 : f32 to vector<16xf32>
          %mul3A_596 = arith.mulf %add3A_593, %mul3A_595 : vector<16xf32>
          %mul3A_597 = arith.constant 2 : i32
          %mul3A_598 = arith.muli %mul3A_597, %select_n3A : i32
          %add3A_599 = arith.constant 0 : i32
          %add3A_600 = arith.addi %mul3A_598, %add3A_599 : i32
          %swap3A_601 = arith.index_cast %add3A_600 : i32 to index
          %swap3A_602 = arith.index_cast %select_n3A_412 : i32 to index
          %swap3A_603 = arith.constant 96 : index
          %swap3A_604 = tpu.vector_load %arg14[%swap3A_601, %swap3A_602, %swap3A_603] {strides = array<i32>} : memref<10x8x128xf32, #tpu.memory_space<vmem>>, vector<1x1x16xf32>,
          %swap3A_605 = vector.shape_cast %swap3A_604 : vector<1x1x16xf32> to vector<16xf32>
          %swap3A_606 = vector.shape_cast %mul3A_596 : vector<16xf32> to vector<1x1x16xf32>
          tpu.vector_store %arg14[%swap3A_601, %swap3A_602, %swap3A_603], %swap3A_606 {strides = array<i32>} : memref<10x8x128xf32, #tpu.memory_space<vmem>>, vector<1x1x16xf32>,
          %mul3A_607 = arith.constant 2 : i32
          %mul3A_608 = arith.muli %mul3A_607, %scan3A_379 : i32
          %get3A_609 = arith.index_cast %mul3A_608 : i32 to index
          %get3A_610 = arith.constant 112 : index
          %get3A_611 = tpu.vector_load %arg10[%get3A_609, %get3A_610] {strides = array<i32>} : memref<80x256xf32, #tpu.memory_space<vmem>>, vector<1x16xf32>,
          %get3A_612 = vector.shape_cast %get3A_611 : vector<1x16xf32> to vector<16xf32>
          %mul3A_613 = arith.constant 2 : i32
          %mul3A_614 = arith.muli %mul3A_613, %scan3A_379 : i32
          %add3A_615 = arith.constant 1 : i32
          %add3A_616 = arith.addi %mul3A_614, %add3A_615 : i32
          %get3A_617 = arith.index_cast %add3A_616 : i32 to index
          %get3A_618 = arith.constant 112 : index
          %get3A_619 = tpu.vector_load %arg10[%get3A_617, %get3A_618] {strides = array<i32>} : memref<80x256xf32, #tpu.memory_space<vmem>>, vector<1x16xf32>,
          %get3A_620 = vector.shape_cast %get3A_619 : vector<1x16xf32> to vector<16xf32>
          %add3A_621 = arith.addf %get3A_612, %get3A_620 : vector<16xf32>
          %mul3A_622 = arith.constant 5.000000e-01 : f32
          %mul3A_623 = vector.broadcast %mul3A_622 : f32 to vector<16xf32>
          %mul3A_624 = arith.mulf %add3A_621, %mul3A_623 : vector<16xf32>
          %mul3A_625 = arith.constant 2 : i32
          %mul3A_626 = arith.muli %mul3A_625, %select_n3A : i32
          %add3A_627 = arith.constant 0 : i32
          %add3A_628 = arith.addi %mul3A_626, %add3A_627 : i32
          %swap3A_629 = arith.index_cast %add3A_628 : i32 to index
          %swap3A_630 = arith.index_cast %select_n3A_412 : i32 to index
          %swap3A_631 = arith.constant 112 : index
          %swap3A_632 = tpu.vector_load %arg14[%swap3A_629, %swap3A_630, %swap3A_631] {strides = array<i32>} : memref<10x8x128xf32, #tpu.memory_space<vmem>>, vector<1x1x16xf32>,
          %swap3A_633 = vector.shape_cast %swap3A_632 : vector<1x1x16xf32> to vector<16xf32>
          %swap3A_634 = vector.shape_cast %mul3A_624 : vector<16xf32> to vector<1x1x16xf32>
          tpu.vector_store %arg14[%swap3A_629, %swap3A_630, %swap3A_631], %swap3A_634 {strides = array<i32>} : memref<10x8x128xf32, #tpu.memory_space<vmem>>, vector<1x1x16xf32>,
          %mul3A_635 = arith.constant 2 : i32
          %mul3A_636 = arith.muli %mul3A_635, %scan3A_379 : i32
          %get3A_637 = arith.index_cast %mul3A_636 : i32 to index
          %get3A_638 = arith.constant 128 : index
          %get3A_639 = tpu.vector_load %arg10[%get3A_637, %get3A_638] {strides = array<i32>} : memref<80x256xf32, #tpu.memory_space<vmem>>, vector<1x16xf32>,
          %get3A_640 = vector.shape_cast %get3A_639 : vector<1x16xf32> to vector<16xf32>
          %mul3A_641 = arith.constant 2 : i32
          %mul3A_642 = arith.muli %mul3A_641, %scan3A_379 : i32
          %add3A_643 = arith.constant 1 : i32
          %add3A_644 = arith.addi %mul3A_642, %add3A_643 : i32
          %get3A_645 = arith.index_cast %add3A_644 : i32 to index
          %get3A_646 = arith.constant 128 : index
          %get3A_647 = tpu.vector_load %arg10[%get3A_645, %get3A_646] {strides = array<i32>} : memref<80x256xf32, #tpu.memory_space<vmem>>, vector<1x16xf32>,
          %get3A_648 = vector.shape_cast %get3A_647 : vector<1x16xf32> to vector<16xf32>
          %add3A_649 = arith.addf %get3A_640, %get3A_648 : vector<16xf32>
          %mul3A_650 = arith.constant 5.000000e-01 : f32
          %mul3A_651 = vector.broadcast %mul3A_650 : f32 to vector<16xf32>
          %mul3A_652 = arith.mulf %add3A_649, %mul3A_651 : vector<16xf32>
          %mul3A_653 = arith.constant 2 : i32
          %mul3A_654 = arith.muli %mul3A_653, %select_n3A : i32
          %add3A_655 = arith.constant 1 : i32
          %add3A_656 = arith.addi %mul3A_654, %add3A_655 : i32
          %swap3A_657 = arith.index_cast %add3A_656 : i32 to index
          %swap3A_658 = arith.index_cast %select_n3A_412 : i32 to index
          %swap3A_659 = arith.constant 0 : index
          %swap3A_660 = tpu.vector_load %arg14[%swap3A_657, %swap3A_658, %swap3A_659] {strides = array<i32>} : memref<10x8x128xf32, #tpu.memory_space<vmem>>, vector<1x1x16xf32>,
          %swap3A_661 = vector.shape_cast %swap3A_660 : vector<1x1x16xf32> to vector<16xf32>
          %swap3A_662 = vector.shape_cast %mul3A_652 : vector<16xf32> to vector<1x1x16xf32>
          tpu.vector_store %arg14[%swap3A_657, %swap3A_658, %swap3A_659], %swap3A_662 {strides = array<i32>} : memref<10x8x128xf32, #tpu.memory_space<vmem>>, vector<1x1x16xf32>,
          %mul3A_663 = arith.constant 2 : i32
          %mul3A_664 = arith.muli %mul3A_663, %scan3A_379 : i32
          %get3A_665 = arith.index_cast %mul3A_664 : i32 to index
          %get3A_666 = arith.constant 144 : index
          %get3A_667 = tpu.vector_load %arg10[%get3A_665, %get3A_666] {strides = array<i32>} : memref<80x256xf32, #tpu.memory_space<vmem>>, vector<1x16xf32>,
          %get3A_668 = vector.shape_cast %get3A_667 : vector<1x16xf32> to vector<16xf32>
          %mul3A_669 = arith.constant 2 : i32
          %mul3A_670 = arith.muli %mul3A_669, %scan3A_379 : i32
          %add3A_671 = arith.constant 1 : i32
          %add3A_672 = arith.addi %mul3A_670, %add3A_671 : i32
          %get3A_673 = arith.index_cast %add3A_672 : i32 to index
          %get3A_674 = arith.constant 144 : index
          %get3A_675 = tpu.vector_load %arg10[%get3A_673, %get3A_674] {strides = array<i32>} : memref<80x256xf32, #tpu.memory_space<vmem>>, vector<1x16xf32>,
          %get3A_676 = vector.shape_cast %get3A_675 : vector<1x16xf32> to vector<16xf32>
          %add3A_677 = arith.addf %get3A_668, %get3A_676 : vector<16xf32>
          %mul3A_678 = arith.constant 5.000000e-01 : f32
          %mul3A_679 = vector.broadcast %mul3A_678 : f32 to vector<16xf32>
          %mul3A_680 = arith.mulf %add3A_677, %mul3A_679 : vector<16xf32>
          %mul3A_681 = arith.constant 2 : i32
          %mul3A_682 = arith.muli %mul3A_681, %select_n3A : i32
          %add3A_683 = arith.constant 1 : i32
          %add3A_684 = arith.addi %mul3A_682, %add3A_683 : i32
          %swap3A_685 = arith.index_cast %add3A_684 : i32 to index
          %swap3A_686 = arith.index_cast %select_n3A_412 : i32 to index
          %swap3A_687 = arith.constant 16 : index
          %swap3A_688 = tpu.vector_load %arg14[%swap3A_685, %swap3A_686, %swap3A_687] {strides = array<i32>} : memref<10x8x128xf32, #tpu.memory_space<vmem>>, vector<1x1x16xf32>,
          %swap3A_689 = vector.shape_cast %swap3A_688 : vector<1x1x16xf32> to vector<16xf32>
          %swap3A_690 = vector.shape_cast %mul3A_680 : vector<16xf32> to vector<1x1x16xf32>
          tpu.vector_store %arg14[%swap3A_685, %swap3A_686, %swap3A_687], %swap3A_690 {strides = array<i32>} : memref<10x8x128xf32, #tpu.memory_space<vmem>>, vector<1x1x16xf32>,
          %mul3A_691 = arith.constant 2 : i32
          %mul3A_692 = arith.muli %mul3A_691, %scan3A_379 : i32
          %get3A_693 = arith.index_cast %mul3A_692 : i32 to index
          %get3A_694 = arith.constant 160 : index
          %get3A_695 = tpu.vector_load %arg10[%get3A_693, %get3A_694] {strides = array<i32>} : memref<80x256xf32, #tpu.memory_space<vmem>>, vector<1x16xf32>,
          %get3A_696 = vector.shape_cast %get3A_695 : vector<1x16xf32> to vector<16xf32>
          %mul3A_697 = arith.constant 2 : i32
          %mul3A_698 = arith.muli %mul3A_697, %scan3A_379 : i32
          %add3A_699 = arith.constant 1 : i32
          %add3A_700 = arith.addi %mul3A_698, %add3A_699 : i32
          %get3A_701 = arith.index_cast %add3A_700 : i32 to index
          %get3A_702 = arith.constant 160 : index
          %get3A_703 = tpu.vector_load %arg10[%get3A_701, %get3A_702] {strides = array<i32>} : memref<80x256xf32, #tpu.memory_space<vmem>>, vector<1x16xf32>,
          %get3A_704 = vector.shape_cast %get3A_703 : vector<1x16xf32> to vector<16xf32>
          %add3A_705 = arith.addf %get3A_696, %get3A_704 : vector<16xf32>
          %mul3A_706 = arith.constant 5.000000e-01 : f32
          %mul3A_707 = vector.broadcast %mul3A_706 : f32 to vector<16xf32>
          %mul3A_708 = arith.mulf %add3A_705, %mul3A_707 : vector<16xf32>
          %mul3A_709 = arith.constant 2 : i32
          %mul3A_710 = arith.muli %mul3A_709, %select_n3A : i32
          %add3A_711 = arith.constant 1 : i32
          %add3A_712 = arith.addi %mul3A_710, %add3A_711 : i32
          %swap3A_713 = arith.index_cast %add3A_712 : i32 to index
          %swap3A_714 = arith.index_cast %select_n3A_412 : i32 to index
          %swap3A_715 = arith.constant 32 : index
          %swap3A_716 = tpu.vector_load %arg14[%swap3A_713, %swap3A_714, %swap3A_715] {strides = array<i32>} : memref<10x8x128xf32, #tpu.memory_space<vmem>>, vector<1x1x16xf32>,
          %swap3A_717 = vector.shape_cast %swap3A_716 : vector<1x1x16xf32> to vector<16xf32>
          %swap3A_718 = vector.shape_cast %mul3A_708 : vector<16xf32> to vector<1x1x16xf32>
          tpu.vector_store %arg14[%swap3A_713, %swap3A_714, %swap3A_715], %swap3A_718 {strides = array<i32>} : memref<10x8x128xf32, #tpu.memory_space<vmem>>, vector<1x1x16xf32>,
          %mul3A_719 = arith.constant 2 : i32
          %mul3A_720 = arith.muli %mul3A_719, %scan3A_379 : i32
          %get3A_721 = arith.index_cast %mul3A_720 : i32 to index
          %get3A_722 = arith.constant 176 : index
          %get3A_723 = tpu.vector_load %arg10[%get3A_721, %get3A_722] {strides = array<i32>} : memref<80x256xf32, #tpu.memory_space<vmem>>, vector<1x16xf32>,
          %get3A_724 = vector.shape_cast %get3A_723 : vector<1x16xf32> to vector<16xf32>
          %mul3A_725 = arith.constant 2 : i32
          %mul3A_726 = arith.muli %mul3A_725, %scan3A_379 : i32
          %add3A_727 = arith.constant 1 : i32
          %add3A_728 = arith.addi %mul3A_726, %add3A_727 : i32
          %get3A_729 = arith.index_cast %add3A_728 : i32 to index
          %get3A_730 = arith.constant 176 : index
          %get3A_731 = tpu.vector_load %arg10[%get3A_729, %get3A_730] {strides = array<i32>} : memref<80x256xf32, #tpu.memory_space<vmem>>, vector<1x16xf32>,
          %get3A_732 = vector.shape_cast %get3A_731 : vector<1x16xf32> to vector<16xf32>
          %add3A_733 = arith.addf %get3A_724, %get3A_732 : vector<16xf32>
          %mul3A_734 = arith.constant 5.000000e-01 : f32
          %mul3A_735 = vector.broadcast %mul3A_734 : f32 to vector<16xf32>
          %mul3A_736 = arith.mulf %add3A_733, %mul3A_735 : vector<16xf32>
          %mul3A_737 = arith.constant 2 : i32
          %mul3A_738 = arith.muli %mul3A_737, %select_n3A : i32
          %add3A_739 = arith.constant 1 : i32
          %add3A_740 = arith.addi %mul3A_738, %add3A_739 : i32
          %swap3A_741 = arith.index_cast %add3A_740 : i32 to index
          %swap3A_742 = arith.index_cast %select_n3A_412 : i32 to index
          %swap3A_743 = arith.constant 48 : index
          %swap3A_744 = tpu.vector_load %arg14[%swap3A_741, %swap3A_742, %swap3A_743] {strides = array<i32>} : memref<10x8x128xf32, #tpu.memory_space<vmem>>, vector<1x1x16xf32>,
          %swap3A_745 = vector.shape_cast %swap3A_744 : vector<1x1x16xf32> to vector<16xf32>
          %swap3A_746 = vector.shape_cast %mul3A_736 : vector<16xf32> to vector<1x1x16xf32>
          tpu.vector_store %arg14[%swap3A_741, %swap3A_742, %swap3A_743], %swap3A_746 {strides = array<i32>} : memref<10x8x128xf32, #tpu.memory_space<vmem>>, vector<1x1x16xf32>,
          %mul3A_747 = arith.constant 2 : i32
          %mul3A_748 = arith.muli %mul3A_747, %scan3A_379 : i32
          %get3A_749 = arith.index_cast %mul3A_748 : i32 to index
          %get3A_750 = arith.constant 192 : index
          %get3A_751 = tpu.vector_load %arg10[%get3A_749, %get3A_750] {strides = array<i32>} : memref<80x256xf32, #tpu.memory_space<vmem>>, vector<1x16xf32>,
          %get3A_752 = vector.shape_cast %get3A_751 : vector<1x16xf32> to vector<16xf32>
          %mul3A_753 = arith.constant 2 : i32
          %mul3A_754 = arith.muli %mul3A_753, %scan3A_379 : i32
          %add3A_755 = arith.constant 1 : i32
          %add3A_756 = arith.addi %mul3A_754, %add3A_755 : i32
          %get3A_757 = arith.index_cast %add3A_756 : i32 to index
          %get3A_758 = arith.constant 192 : index
          %get3A_759 = tpu.vector_load %arg10[%get3A_757, %get3A_758] {strides = array<i32>} : memref<80x256xf32, #tpu.memory_space<vmem>>, vector<1x16xf32>,
          %get3A_760 = vector.shape_cast %get3A_759 : vector<1x16xf32> to vector<16xf32>
          %add3A_761 = arith.addf %get3A_752, %get3A_760 : vector<16xf32>
          %mul3A_762 = arith.constant 5.000000e-01 : f32
          %mul3A_763 = vector.broadcast %mul3A_762 : f32 to vector<16xf32>
          %mul3A_764 = arith.mulf %add3A_761, %mul3A_763 : vector<16xf32>
          %mul3A_765 = arith.constant 2 : i32
          %mul3A_766 = arith.muli %mul3A_765, %select_n3A : i32
          %add3A_767 = arith.constant 1 : i32
          %add3A_768 = arith.addi %mul3A_766, %add3A_767 : i32
          %swap3A_769 = arith.index_cast %add3A_768 : i32 to index
          %swap3A_770 = arith.index_cast %select_n3A_412 : i32 to index
          %swap3A_771 = arith.constant 64 : index
          %swap3A_772 = tpu.vector_load %arg14[%swap3A_769, %swap3A_770, %swap3A_771] {strides = array<i32>} : memref<10x8x128xf32, #tpu.memory_space<vmem>>, vector<1x1x16xf32>,
          %swap3A_773 = vector.shape_cast %swap3A_772 : vector<1x1x16xf32> to vector<16xf32>
          %swap3A_774 = vector.shape_cast %mul3A_764 : vector<16xf32> to vector<1x1x16xf32>
          tpu.vector_store %arg14[%swap3A_769, %swap3A_770, %swap3A_771], %swap3A_774 {strides = array<i32>} : memref<10x8x128xf32, #tpu.memory_space<vmem>>, vector<1x1x16xf32>,
          %mul3A_775 = arith.constant 2 : i32
          %mul3A_776 = arith.muli %mul3A_775, %scan3A_379 : i32
          %get3A_777 = arith.index_cast %mul3A_776 : i32 to index
          %get3A_778 = arith.constant 208 : index
          %get3A_779 = tpu.vector_load %arg10[%get3A_777, %get3A_778] {strides = array<i32>} : memref<80x256xf32, #tpu.memory_space<vmem>>, vector<1x16xf32>,
          %get3A_780 = vector.shape_cast %get3A_779 : vector<1x16xf32> to vector<16xf32>
          %mul3A_781 = arith.constant 2 : i32
          %mul3A_782 = arith.muli %mul3A_781, %scan3A_379 : i32
          %add3A_783 = arith.constant 1 : i32
          %add3A_784 = arith.addi %mul3A_782, %add3A_783 : i32
          %get3A_785 = arith.index_cast %add3A_784 : i32 to index
          %get3A_786 = arith.constant 208 : index
          %get3A_787 = tpu.vector_load %arg10[%get3A_785, %get3A_786] {strides = array<i32>} : memref<80x256xf32, #tpu.memory_space<vmem>>, vector<1x16xf32>,
          %get3A_788 = vector.shape_cast %get3A_787 : vector<1x16xf32> to vector<16xf32>
          %add3A_789 = arith.addf %get3A_780, %get3A_788 : vector<16xf32>
          %mul3A_790 = arith.constant 5.000000e-01 : f32
          %mul3A_791 = vector.broadcast %mul3A_790 : f32 to vector<16xf32>
          %mul3A_792 = arith.mulf %add3A_789, %mul3A_791 : vector<16xf32>
          %mul3A_793 = arith.constant 2 : i32
          %mul3A_794 = arith.muli %mul3A_793, %select_n3A : i32
          %add3A_795 = arith.constant 1 : i32
          %add3A_796 = arith.addi %mul3A_794, %add3A_795 : i32
          %swap3A_797 = arith.index_cast %add3A_796 : i32 to index
          %swap3A_798 = arith.index_cast %select_n3A_412 : i32 to index
          %swap3A_799 = arith.constant 80 : index
          %swap3A_800 = tpu.vector_load %arg14[%swap3A_797, %swap3A_798, %swap3A_799] {strides = array<i32>} : memref<10x8x128xf32, #tpu.memory_space<vmem>>, vector<1x1x16xf32>,
          %swap3A_801 = vector.shape_cast %swap3A_800 : vector<1x1x16xf32> to vector<16xf32>
          %swap3A_802 = vector.shape_cast %mul3A_792 : vector<16xf32> to vector<1x1x16xf32>
          tpu.vector_store %arg14[%swap3A_797, %swap3A_798, %swap3A_799], %swap3A_802 {strides = array<i32>} : memref<10x8x128xf32, #tpu.memory_space<vmem>>, vector<1x1x16xf32>,
          %mul3A_803 = arith.constant 2 : i32
          %mul3A_804 = arith.muli %mul3A_803, %scan3A_379 : i32
          %get3A_805 = arith.index_cast %mul3A_804 : i32 to index
          %get3A_806 = arith.constant 224 : index
          %get3A_807 = tpu.vector_load %arg10[%get3A_805, %get3A_806] {strides = array<i32>} : memref<80x256xf32, #tpu.memory_space<vmem>>, vector<1x16xf32>,
          %get3A_808 = vector.shape_cast %get3A_807 : vector<1x16xf32> to vector<16xf32>
          %mul3A_809 = arith.constant 2 : i32
          %mul3A_810 = arith.muli %mul3A_809, %scan3A_379 : i32
          %add3A_811 = arith.constant 1 : i32
          %add3A_812 = arith.addi %mul3A_810, %add3A_811 : i32
          %get3A_813 = arith.index_cast %add3A_812 : i32 to index
          %get3A_814 = arith.constant 224 : index
          %get3A_815 = tpu.vector_load %arg10[%get3A_813, %get3A_814] {strides = array<i32>} : memref<80x256xf32, #tpu.memory_space<vmem>>, vector<1x16xf32>,
          %get3A_816 = vector.shape_cast %get3A_815 : vector<1x16xf32> to vector<16xf32>
          %add3A_817 = arith.addf %get3A_808, %get3A_816 : vector<16xf32>
          %mul3A_818 = arith.constant 5.000000e-01 : f32
          %mul3A_819 = vector.broadcast %mul3A_818 : f32 to vector<16xf32>
          %mul3A_820 = arith.mulf %add3A_817, %mul3A_819 : vector<16xf32>
          %mul3A_821 = arith.constant 2 : i32
          %mul3A_822 = arith.muli %mul3A_821, %select_n3A : i32
          %add3A_823 = arith.constant 1 : i32
          %add3A_824 = arith.addi %mul3A_822, %add3A_823 : i32
          %swap3A_825 = arith.index_cast %add3A_824 : i32 to index
          %swap3A_826 = arith.index_cast %select_n3A_412 : i32 to index
          %swap3A_827 = arith.constant 96 : index
          %swap3A_828 = tpu.vector_load %arg14[%swap3A_825, %swap3A_826, %swap3A_827] {strides = array<i32>} : memref<10x8x128xf32, #tpu.memory_space<vmem>>, vector<1x1x16xf32>,
          %swap3A_829 = vector.shape_cast %swap3A_828 : vector<1x1x16xf32> to vector<16xf32>
          %swap3A_830 = vector.shape_cast %mul3A_820 : vector<16xf32> to vector<1x1x16xf32>
          tpu.vector_store %arg14[%swap3A_825, %swap3A_826, %swap3A_827], %swap3A_830 {strides = array<i32>} : memref<10x8x128xf32, #tpu.memory_space<vmem>>, vector<1x1x16xf32>,
          %mul3A_831 = arith.constant 2 : i32
          %mul3A_832 = arith.muli %mul3A_831, %scan3A_379 : i32
          %get3A_833 = arith.index_cast %mul3A_832 : i32 to index
          %get3A_834 = arith.constant 240 : index
          %get3A_835 = tpu.vector_load %arg10[%get3A_833, %get3A_834] {strides = array<i32>} : memref<80x256xf32, #tpu.memory_space<vmem>>, vector<1x16xf32>,
          %get3A_836 = vector.shape_cast %get3A_835 : vector<1x16xf32> to vector<16xf32>
          %mul3A_837 = arith.constant 2 : i32
          %mul3A_838 = arith.muli %mul3A_837, %scan3A_379 : i32
          %add3A_839 = arith.constant 1 : i32
          %add3A_840 = arith.addi %mul3A_838, %add3A_839 : i32
          %get3A_841 = arith.index_cast %add3A_840 : i32 to index
          %get3A_842 = arith.constant 240 : index
          %get3A_843 = tpu.vector_load %arg10[%get3A_841, %get3A_842] {strides = array<i32>} : memref<80x256xf32, #tpu.memory_space<vmem>>, vector<1x16xf32>,
          %get3A_844 = vector.shape_cast %get3A_843 : vector<1x16xf32> to vector<16xf32>
          %add3A_845 = arith.addf %get3A_836, %get3A_844 : vector<16xf32>
          %mul3A_846 = arith.constant 5.000000e-01 : f32
          %mul3A_847 = vector.broadcast %mul3A_846 : f32 to vector<16xf32>
          %mul3A_848 = arith.mulf %add3A_845, %mul3A_847 : vector<16xf32>
          %mul3A_849 = arith.constant 2 : i32
          %mul3A_850 = arith.muli %mul3A_849, %select_n3A : i32
          %add3A_851 = arith.constant 1 : i32
          %add3A_852 = arith.addi %mul3A_850, %add3A_851 : i32
          %swap3A_853 = arith.index_cast %add3A_852 : i32 to index
          %swap3A_854 = arith.index_cast %select_n3A_412 : i32 to index
          %swap3A_855 = arith.constant 112 : index
          %swap3A_856 = tpu.vector_load %arg14[%swap3A_853, %swap3A_854, %swap3A_855] {strides = array<i32>} : memref<10x8x128xf32, #tpu.memory_space<vmem>>, vector<1x1x16xf32>,
          %swap3A_857 = vector.shape_cast %swap3A_856 : vector<1x1x16xf32> to vector<16xf32>
          %swap3A_858 = vector.shape_cast %mul3A_848 : vector<16xf32> to vector<1x1x16xf32>
          tpu.vector_store %arg14[%swap3A_853, %swap3A_854, %swap3A_855], %swap3A_858 {strides = array<i32>} : memref<10x8x128xf32, #tpu.memory_space<vmem>>, vector<1x1x16xf32>,
        }
        %scan3A_378 = arith.constant 40 : i32
      } else {
      }
      %mul3A_223 = arith.constant 32 : i32
      %mul3A_224 = arith.muli %add3A_163, %mul3A_223 : i32
      %add3A_225 = arith.addi %add3A, %mul3A_224 : i32
      %lt3A_226 = arith.constant 2500 : i32
      %lt3A_227 = arith.cmpi slt, %add3A_225, %lt3A_226 : i32
      %convert_element_type3A_228 = arith.extui %lt3A_227 : i1 to i32
      %cond3A_229 = arith.constant 0 : i32
      %cond3A_230 = arith.cmpi ne, %convert_element_type3A_228, %cond3A_229 : i32
      scf.if %cond3A_230 {
        %mul3A_373 = arith.constant 32 : i32
        %mul3A_374 = arith.muli %add3A_163, %mul3A_373 : i32
        %add3A_375 = arith.addi %add3A, %mul3A_374 : i32
        %mul3A_376 = arith.constant 10 : i32
        %mul3A_377 = arith.muli %add3A_375, %mul3A_376 : i32
        %dma_start3A = arith.constant 0 : i32
        %dma_start3A_378 = arith.constant 0 : i32
        %dma_start3A_379 = tpu.memref_slice %arg4[%mul3A_377, %dma_start3A, %dma_start3A_378] : memref<25000x8x128xf32, #tpu.memory_space<hbm>> -> memref<10x8x128xf32, #tpu.memory_space<hbm>>
        %dma_start3A_380 = arith.constant 0 : i32
        %dma_start3A_381 = arith.constant 0 : i32
        %dma_start3A_382 = tpu.memref_slice %arg4[%mul3A_377, %dma_start3A_380, %dma_start3A_381] : memref<25000x8x128xf32, #tpu.memory_space<hbm>> -> memref<10x8x128xf32, #tpu.memory_space<hbm>>
        tpu.enqueue_dma source(%arg14 : memref<10x8x128xf32, #tpu.memory_space<vmem>>) target(%dma_start3A_382 : memref<10x8x128xf32, #tpu.memory_space<hbm>>) target_semaphore(%arg24 : memref<!tpu.dma_semaphore, #tpu.memory_space<semaphore_mem>>)
      } else {
      }
      %mul3A_231 = arith.constant 4 : i32
      %mul3A_232 = arith.muli %mul3A_231, %scan3A_90 : i32
      %add3A_233 = arith.constant 2 : i32
      %add3A_234 = arith.addi %mul3A_232, %add3A_233 : i32
      %mul3A_235 = arith.constant 32 : i32
      %mul3A_236 = arith.muli %add3A_234, %mul3A_235 : i32
      %add3A_237 = arith.addi %add3A, %mul3A_236 : i32
      %lt3A_238 = arith.constant 2500 : i32
      %lt3A_239 = arith.cmpi slt, %add3A_237, %lt3A_238 : i32
      %convert_element_type3A_240 = arith.extui %lt3A_239 : i1 to i32
      %cond3A_241 = arith.constant 0 : i32
      %cond3A_242 = arith.cmpi ne, %convert_element_type3A_240, %cond3A_241 : i32
      scf.if %cond3A_242 {
        %dma_wait3A = arith.constant 0 : i32
        %dma_wait3A_373 = arith.constant 0 : i32
        %dma_wait3A_374 = tpu.memref_slice %arg2[%dma_wait3A, %dma_wait3A_373] : memref<50000x256xf32, #tpu.memory_space<hbm>> -> memref<50000x256xf32, #tpu.memory_space<hbm>>
        tpu.wait_indirect_dma semaphore(%arg21 : memref<!tpu.dma_semaphore, #tpu.memory_space<semaphore_mem>>) src(%dma_wait3A_374 : memref<50000x256xf32, #tpu.memory_space<hbm>>) dst(%arg11 : memref<80x256xf32, #tpu.memory_space<vmem>>)
      } else {
      }
      %add3A_243 = arith.constant 4 : i32
      %add3A_244 = arith.addi %add3A_234, %add3A_243 : i32
      %mul3A_245 = arith.constant 32 : i32
      %mul3A_246 = arith.muli %add3A_244, %mul3A_245 : i32
      %add3A_247 = arith.addi %add3A, %mul3A_246 : i32
      %lt3A_248 = arith.constant 2500 : i32
      %lt3A_249 = arith.cmpi slt, %add3A_247, %lt3A_248 : i32
      %convert_element_type3A_250 = arith.extui %lt3A_249 : i1 to i32
      %cond3A_251 = arith.constant 0 : i32
      %cond3A_252 = arith.cmpi ne, %convert_element_type3A_250, %cond3A_251 : i32
      scf.if %cond3A_252 {
        %mul3A_373 = arith.constant 32 : i32
        %mul3A_374 = arith.muli %add3A_244, %mul3A_373 : i32
        %add3A_375 = arith.addi %add3A, %mul3A_374 : i32
        %dma_start3A = arith.constant 0 : i32
        %dma_start3A_376 = tpu.memref_slice %arg3[%add3A_375, %dma_start3A] : memref<2500x80xi32, #tpu.memory_space<hbm>> -> memref<1x80xi32, #tpu.memory_space<hbm>>
        %dma_start3A_377 = tpu.memref_squeeze %dma_start3A_376 : memref<1x80xi32, #tpu.memory_space<hbm>> -> memref<80xi32, #tpu.memory_space<hbm>>
        %dma_start3A_378 = arith.constant 0 : i32
        %dma_start3A_379 = tpu.memref_slice %arg3[%add3A_375, %dma_start3A_378] : memref<2500x80xi32, #tpu.memory_space<hbm>> -> memref<1x80xi32, #tpu.memory_space<hbm>>
        %dma_start3A_380 = tpu.memref_squeeze %dma_start3A_379 : memref<1x80xi32, #tpu.memory_space<hbm>> -> memref<80xi32, #tpu.memory_space<hbm>>
        tpu.enqueue_dma source(%dma_start3A_380 : memref<80xi32, #tpu.memory_space<hbm>>) target(%arg7 : memref<80xi32, #tpu.memory_space<vmem>>) target_semaphore(%arg17 : memref<!tpu.dma_semaphore, #tpu.memory_space<semaphore_mem>>)
      } else {
      }
      %add3A_253 = arith.constant 3 : i32
      %add3A_254 = arith.addi %add3A_234, %add3A_253 : i32
      %mul3A_255 = arith.constant 32 : i32
      %mul3A_256 = arith.muli %add3A_254, %mul3A_255 : i32
      %add3A_257 = arith.addi %add3A, %mul3A_256 : i32
      %lt3A_258 = arith.constant 2500 : i32
      %lt3A_259 = arith.cmpi slt, %add3A_257, %lt3A_258 : i32
      %convert_element_type3A_260 = arith.extui %lt3A_259 : i1 to i32
      %cond3A_261 = arith.constant 0 : i32
      %cond3A_262 = arith.cmpi ne, %convert_element_type3A_260, %cond3A_261 : i32
      scf.if %cond3A_262 {
        %mul3A_373 = arith.constant 32 : i32
        %mul3A_374 = arith.muli %add3A_254, %mul3A_373 : i32
        %add3A_375 = arith.addi %add3A, %mul3A_374 : i32
        %dma_wait3A = arith.constant 0 : i32
        %dma_wait3A_376 = tpu.memref_slice %arg3[%add3A_375, %dma_wait3A] : memref<2500x80xi32, #tpu.memory_space<hbm>> -> memref<1x80xi32, #tpu.memory_space<hbm>>
        %dma_wait3A_377 = tpu.memref_squeeze %dma_wait3A_376 : memref<1x80xi32, #tpu.memory_space<hbm>> -> memref<80xi32, #tpu.memory_space<hbm>>
        %dma_wait3A_378 = arith.constant 0 : i32
        %dma_wait3A_379 = tpu.memref_slice %arg3[%add3A_375, %dma_wait3A_378] : memref<2500x80xi32, #tpu.memory_space<hbm>> -> memref<1x80xi32, #tpu.memory_space<hbm>>
        %dma_wait3A_380 = tpu.memref_squeeze %dma_wait3A_379 : memref<1x80xi32, #tpu.memory_space<hbm>> -> memref<80xi32, #tpu.memory_space<hbm>>
        tpu.wait_dma2 semaphore(%arg16 : memref<!tpu.dma_semaphore, #tpu.memory_space<semaphore_mem>>) src(%dma_wait3A_380 : memref<80xi32, #tpu.memory_space<hbm>>) dst(%arg6 : memref<80xi32, #tpu.memory_space<vmem>>)
      } else {
      }
      %add3A_263 = arith.constant 3 : i32
      %add3A_264 = arith.addi %add3A_234, %add3A_263 : i32
      %mul3A_265 = arith.constant 32 : i32
      %mul3A_266 = arith.muli %add3A_264, %mul3A_265 : i32
      %add3A_267 = arith.addi %add3A, %mul3A_266 : i32
      %lt3A_268 = arith.constant 2500 : i32
      %lt3A_269 = arith.cmpi slt, %add3A_267, %lt3A_268 : i32
      %convert_element_type3A_270 = arith.extui %lt3A_269 : i1 to i32
      %cond3A_271 = arith.constant 0 : i32
      %cond3A_272 = arith.cmpi ne, %convert_element_type3A_270, %cond3A_271 : i32
      scf.if %cond3A_272 {
        %dma_start3A = arith.constant 0 : i32
        %dma_start3A_373 = arith.constant 0 : i32
        %dma_start3A_374 = tpu.memref_slice %arg2[%dma_start3A, %dma_start3A_373] : memref<50000x256xf32, #tpu.memory_space<hbm>> -> memref<50000x256xf32, #tpu.memory_space<hbm>>
        tpu.enqueue_indirect_dma source(%dma_start3A_374 : memref<50000x256xf32, #tpu.memory_space<hbm>>) target(%arg10 : memref<80x256xf32, #tpu.memory_space<vmem>>) offsets(%arg6 : memref<80xi32, #tpu.memory_space<vmem>>) semaphore(%arg20 : memref<!tpu.dma_semaphore, #tpu.memory_space<semaphore_mem>>)
      } else {
      }
      %sub3A_273 = arith.constant 2 : i32
      %sub3A_274 = arith.subi %add3A_234, %sub3A_273 : i32
      %ge3A_275 = arith.constant 0 : i32
      %ge3A_276 = arith.cmpi sge, %sub3A_274, %ge3A_275 : i32
      %mul3A_277 = arith.constant 32 : i32
      %mul3A_278 = arith.muli %sub3A_274, %mul3A_277 : i32
      %add3A_279 = arith.addi %add3A, %mul3A_278 : i32
      %lt3A_280 = arith.constant 2500 : i32
      %lt3A_281 = arith.cmpi slt, %add3A_279, %lt3A_280 : i32
      %and3A_282 = arith.andi %ge3A_276, %lt3A_281 : i1
      %convert_element_type3A_283 = arith.extui %and3A_282 : i1 to i32
      %cond3A_284 = arith.constant 0 : i32
      %cond3A_285 = arith.cmpi ne, %convert_element_type3A_283, %cond3A_284 : i32
      scf.if %cond3A_285 {
        %mul3A_373 = arith.constant 32 : i32
        %mul3A_374 = arith.muli %sub3A_274, %mul3A_373 : i32
        %add3A_375 = arith.addi %add3A, %mul3A_374 : i32
        %mul3A_376 = arith.constant 10 : i32
        %mul3A_377 = arith.muli %add3A_375, %mul3A_376 : i32
        %dma_wait3A = arith.constant 0 : i32
        %dma_wait3A_378 = arith.constant 0 : i32
        %dma_wait3A_379 = tpu.memref_slice %arg4[%mul3A_377, %dma_wait3A, %dma_wait3A_378] : memref<25000x8x128xf32, #tpu.memory_space<hbm>> -> memref<10x8x128xf32, #tpu.memory_space<hbm>>
        %dma_wait3A_380 = arith.constant 0 : i32
        %dma_wait3A_381 = arith.constant 0 : i32
        %dma_wait3A_382 = tpu.memref_slice %arg4[%mul3A_377, %dma_wait3A_380, %dma_wait3A_381] : memref<25000x8x128xf32, #tpu.memory_space<hbm>> -> memref<10x8x128xf32, #tpu.memory_space<hbm>>
        tpu.wait_dma2 semaphore(%arg23 : memref<!tpu.dma_semaphore, #tpu.memory_space<semaphore_mem>>) src(%arg13 : memref<10x8x128xf32, #tpu.memory_space<vmem>>) dst(%dma_wait3A_382 : memref<10x8x128xf32, #tpu.memory_space<hbm>>)
      } else {
      }
      %mul3A_286 = arith.constant 32 : i32
      %mul3A_287 = arith.muli %add3A_234, %mul3A_286 : i32
      %add3A_288 = arith.addi %add3A, %mul3A_287 : i32
      %lt3A_289 = arith.constant 2500 : i32
      %lt3A_290 = arith.cmpi slt, %add3A_288, %lt3A_289 : i32
      %convert_element_type3A_291 = arith.extui %lt3A_290 : i1 to i32
      %cond3A_292 = arith.constant 0 : i32
      %cond3A_293 = arith.cmpi ne, %convert_element_type3A_291, %cond3A_292 : i32
      scf.if %cond3A_293 {
        %scan3A_373 = arith.constant 0 : i32
        %scan3A_374 = arith.constant 0 : i32
        %scan3A_375 = arith.constant 40 : i32
        %scan3A_376 = arith.addi %scan3A_374, %scan3A_375 : i32
        %scan3A_377 = arith.constant 1 : i32
        scf.for %scan3A_379 = %scan3A_374 to %scan3A_376 step %scan3A_377  : i32 {
          %jit3A = arith.constant 8 : i32
          %div3A = arith.divsi %scan3A_379, %jit3A : i32
          %sign3A = arith.constant 0 : i32
          %sign3A_380 = arith.cmpi sgt, %scan3A_379, %sign3A : i32
          %sign3A_381 = arith.extui %sign3A_380 : i1 to i32
          %sign3A_382 = arith.constant 0 : i32
          %sign3A_383 = arith.cmpi slt, %scan3A_379, %sign3A_382 : i32
          %sign3A_384 = arith.extui %sign3A_383 : i1 to i32
          %sign3A_385 = arith.subi %sign3A_381, %sign3A_384 : i32
          %sign3A_386 = arith.constant 0 : i32
          %sign3A_387 = arith.cmpi sgt, %jit3A, %sign3A_386 : i32
          %sign3A_388 = arith.extui %sign3A_387 : i1 to i32
          %sign3A_389 = arith.constant 0 : i32
          %sign3A_390 = arith.cmpi slt, %jit3A, %sign3A_389 : i32
          %sign3A_391 = arith.extui %sign3A_390 : i1 to i32
          %sign3A_392 = arith.subi %sign3A_388, %sign3A_391 : i32
          %ne3A = arith.cmpi ne, %sign3A_385, %sign3A_392 : i32
          %rem3A = arith.remsi %scan3A_379, %jit3A : i32
          %ne3A_393 = arith.constant 0 : i32
          %ne3A_394 = arith.cmpi ne, %rem3A, %ne3A_393 : i32
          %and3A_395 = arith.andi %ne3A, %ne3A_394 : i1
          %sub3A_396 = arith.constant 1 : i32
          %sub3A_397 = arith.subi %div3A, %sub3A_396 : i32
          %select_n3A = arith.select %and3A_395, %sub3A_397, %div3A : i32
          %jit3A_398 = arith.constant 8 : i32
          %eq3A = arith.constant 0 : i32
          %eq3A_399 = arith.cmpi eq, %jit3A_398, %eq3A : i32
          %jit3A_400 = arith.constant 1 : i32
          %select_n3A_401 = arith.select %eq3A_399, %jit3A_400, %jit3A_398 : i32
          %rem3A_402 = arith.remsi %scan3A_379, %select_n3A_401 : i32
          %ne3A_403 = arith.constant 0 : i32
          %ne3A_404 = arith.cmpi ne, %rem3A_402, %ne3A_403 : i32
          %lt3A_405 = arith.constant 0 : i32
          %lt3A_406 = arith.cmpi slt, %rem3A_402, %lt3A_405 : i32
          %lt3A_407 = arith.constant 0 : i32
          %lt3A_408 = arith.cmpi slt, %select_n3A_401, %lt3A_407 : i32
          %ne3A_409 = arith.xori %lt3A_406, %lt3A_408 : i1
          %and3A_410 = arith.andi %ne3A_409, %ne3A_404 : i1
          %add3A_411 = arith.addi %rem3A_402, %select_n3A_401 : i32
          %select_n3A_412 = arith.select %and3A_410, %add3A_411, %rem3A_402 : i32
          %mul3A_413 = arith.constant 2 : i32
          %mul3A_414 = arith.muli %mul3A_413, %scan3A_379 : i32
          %get3A = arith.index_cast %mul3A_414 : i32 to index
          %get3A_415 = arith.constant 0 : index
          %get3A_416 = tpu.vector_load %arg11[%get3A, %get3A_415] {strides = array<i32>} : memref<80x256xf32, #tpu.memory_space<vmem>>, vector<1x16xf32>,
          %get3A_417 = vector.shape_cast %get3A_416 : vector<1x16xf32> to vector<16xf32>
          %mul3A_418 = arith.constant 2 : i32
          %mul3A_419 = arith.muli %mul3A_418, %scan3A_379 : i32
          %add3A_420 = arith.constant 1 : i32
          %add3A_421 = arith.addi %mul3A_419, %add3A_420 : i32
          %get3A_422 = arith.index_cast %add3A_421 : i32 to index
          %get3A_423 = arith.constant 0 : index
          %get3A_424 = tpu.vector_load %arg11[%get3A_422, %get3A_423] {strides = array<i32>} : memref<80x256xf32, #tpu.memory_space<vmem>>, vector<1x16xf32>,
          %get3A_425 = vector.shape_cast %get3A_424 : vector<1x16xf32> to vector<16xf32>
          %add3A_426 = arith.addf %get3A_417, %get3A_425 : vector<16xf32>
          %mul3A_427 = arith.constant 5.000000e-01 : f32
          %mul3A_428 = vector.broadcast %mul3A_427 : f32 to vector<16xf32>
          %mul3A_429 = arith.mulf %add3A_426, %mul3A_428 : vector<16xf32>
          %mul3A_430 = arith.constant 2 : i32
          %mul3A_431 = arith.muli %mul3A_430, %select_n3A : i32
          %add3A_432 = arith.constant 0 : i32
          %add3A_433 = arith.addi %mul3A_431, %add3A_432 : i32
          %swap3A = arith.index_cast %add3A_433 : i32 to index
          %swap3A_434 = arith.index_cast %select_n3A_412 : i32 to index
          %swap3A_435 = arith.constant 0 : index
          %swap3A_436 = tpu.vector_load %arg13[%swap3A, %swap3A_434, %swap3A_435] {strides = array<i32>} : memref<10x8x128xf32, #tpu.memory_space<vmem>>, vector<1x1x16xf32>,
          %swap3A_437 = vector.shape_cast %swap3A_436 : vector<1x1x16xf32> to vector<16xf32>
          %swap3A_438 = vector.shape_cast %mul3A_429 : vector<16xf32> to vector<1x1x16xf32>
          tpu.vector_store %arg13[%swap3A, %swap3A_434, %swap3A_435], %swap3A_438 {strides = array<i32>} : memref<10x8x128xf32, #tpu.memory_space<vmem>>, vector<1x1x16xf32>,
          %mul3A_439 = arith.constant 2 : i32
          %mul3A_440 = arith.muli %mul3A_439, %scan3A_379 : i32
          %get3A_441 = arith.index_cast %mul3A_440 : i32 to index
          %get3A_442 = arith.constant 16 : index
          %get3A_443 = tpu.vector_load %arg11[%get3A_441, %get3A_442] {strides = array<i32>} : memref<80x256xf32, #tpu.memory_space<vmem>>, vector<1x16xf32>,
          %get3A_444 = vector.shape_cast %get3A_443 : vector<1x16xf32> to vector<16xf32>
          %mul3A_445 = arith.constant 2 : i32
          %mul3A_446 = arith.muli %mul3A_445, %scan3A_379 : i32
          %add3A_447 = arith.constant 1 : i32
          %add3A_448 = arith.addi %mul3A_446, %add3A_447 : i32
          %get3A_449 = arith.index_cast %add3A_448 : i32 to index
          %get3A_450 = arith.constant 16 : index
          %get3A_451 = tpu.vector_load %arg11[%get3A_449, %get3A_450] {strides = array<i32>} : memref<80x256xf32, #tpu.memory_space<vmem>>, vector<1x16xf32>,
          %get3A_452 = vector.shape_cast %get3A_451 : vector<1x16xf32> to vector<16xf32>
          %add3A_453 = arith.addf %get3A_444, %get3A_452 : vector<16xf32>
          %mul3A_454 = arith.constant 5.000000e-01 : f32
          %mul3A_455 = vector.broadcast %mul3A_454 : f32 to vector<16xf32>
          %mul3A_456 = arith.mulf %add3A_453, %mul3A_455 : vector<16xf32>
          %mul3A_457 = arith.constant 2 : i32
          %mul3A_458 = arith.muli %mul3A_457, %select_n3A : i32
          %add3A_459 = arith.constant 0 : i32
          %add3A_460 = arith.addi %mul3A_458, %add3A_459 : i32
          %swap3A_461 = arith.index_cast %add3A_460 : i32 to index
          %swap3A_462 = arith.index_cast %select_n3A_412 : i32 to index
          %swap3A_463 = arith.constant 16 : index
          %swap3A_464 = tpu.vector_load %arg13[%swap3A_461, %swap3A_462, %swap3A_463] {strides = array<i32>} : memref<10x8x128xf32, #tpu.memory_space<vmem>>, vector<1x1x16xf32>,
          %swap3A_465 = vector.shape_cast %swap3A_464 : vector<1x1x16xf32> to vector<16xf32>
          %swap3A_466 = vector.shape_cast %mul3A_456 : vector<16xf32> to vector<1x1x16xf32>
          tpu.vector_store %arg13[%swap3A_461, %swap3A_462, %swap3A_463], %swap3A_466 {strides = array<i32>} : memref<10x8x128xf32, #tpu.memory_space<vmem>>, vector<1x1x16xf32>,
          %mul3A_467 = arith.constant 2 : i32
          %mul3A_468 = arith.muli %mul3A_467, %scan3A_379 : i32
          %get3A_469 = arith.index_cast %mul3A_468 : i32 to index
          %get3A_470 = arith.constant 32 : index
          %get3A_471 = tpu.vector_load %arg11[%get3A_469, %get3A_470] {strides = array<i32>} : memref<80x256xf32, #tpu.memory_space<vmem>>, vector<1x16xf32>,
          %get3A_472 = vector.shape_cast %get3A_471 : vector<1x16xf32> to vector<16xf32>
          %mul3A_473 = arith.constant 2 : i32
          %mul3A_474 = arith.muli %mul3A_473, %scan3A_379 : i32
          %add3A_475 = arith.constant 1 : i32
          %add3A_476 = arith.addi %mul3A_474, %add3A_475 : i32
          %get3A_477 = arith.index_cast %add3A_476 : i32 to index
          %get3A_478 = arith.constant 32 : index
          %get3A_479 = tpu.vector_load %arg11[%get3A_477, %get3A_478] {strides = array<i32>} : memref<80x256xf32, #tpu.memory_space<vmem>>, vector<1x16xf32>,
          %get3A_480 = vector.shape_cast %get3A_479 : vector<1x16xf32> to vector<16xf32>
          %add3A_481 = arith.addf %get3A_472, %get3A_480 : vector<16xf32>
          %mul3A_482 = arith.constant 5.000000e-01 : f32
          %mul3A_483 = vector.broadcast %mul3A_482 : f32 to vector<16xf32>
          %mul3A_484 = arith.mulf %add3A_481, %mul3A_483 : vector<16xf32>
          %mul3A_485 = arith.constant 2 : i32
          %mul3A_486 = arith.muli %mul3A_485, %select_n3A : i32
          %add3A_487 = arith.constant 0 : i32
          %add3A_488 = arith.addi %mul3A_486, %add3A_487 : i32
          %swap3A_489 = arith.index_cast %add3A_488 : i32 to index
          %swap3A_490 = arith.index_cast %select_n3A_412 : i32 to index
          %swap3A_491 = arith.constant 32 : index
          %swap3A_492 = tpu.vector_load %arg13[%swap3A_489, %swap3A_490, %swap3A_491] {strides = array<i32>} : memref<10x8x128xf32, #tpu.memory_space<vmem>>, vector<1x1x16xf32>,
          %swap3A_493 = vector.shape_cast %swap3A_492 : vector<1x1x16xf32> to vector<16xf32>
          %swap3A_494 = vector.shape_cast %mul3A_484 : vector<16xf32> to vector<1x1x16xf32>
          tpu.vector_store %arg13[%swap3A_489, %swap3A_490, %swap3A_491], %swap3A_494 {strides = array<i32>} : memref<10x8x128xf32, #tpu.memory_space<vmem>>, vector<1x1x16xf32>,
          %mul3A_495 = arith.constant 2 : i32
          %mul3A_496 = arith.muli %mul3A_495, %scan3A_379 : i32
          %get3A_497 = arith.index_cast %mul3A_496 : i32 to index
          %get3A_498 = arith.constant 48 : index
          %get3A_499 = tpu.vector_load %arg11[%get3A_497, %get3A_498] {strides = array<i32>} : memref<80x256xf32, #tpu.memory_space<vmem>>, vector<1x16xf32>,
          %get3A_500 = vector.shape_cast %get3A_499 : vector<1x16xf32> to vector<16xf32>
          %mul3A_501 = arith.constant 2 : i32
          %mul3A_502 = arith.muli %mul3A_501, %scan3A_379 : i32
          %add3A_503 = arith.constant 1 : i32
          %add3A_504 = arith.addi %mul3A_502, %add3A_503 : i32
          %get3A_505 = arith.index_cast %add3A_504 : i32 to index
          %get3A_506 = arith.constant 48 : index
          %get3A_507 = tpu.vector_load %arg11[%get3A_505, %get3A_506] {strides = array<i32>} : memref<80x256xf32, #tpu.memory_space<vmem>>, vector<1x16xf32>,
          %get3A_508 = vector.shape_cast %get3A_507 : vector<1x16xf32> to vector<16xf32>
          %add3A_509 = arith.addf %get3A_500, %get3A_508 : vector<16xf32>
          %mul3A_510 = arith.constant 5.000000e-01 : f32
          %mul3A_511 = vector.broadcast %mul3A_510 : f32 to vector<16xf32>
          %mul3A_512 = arith.mulf %add3A_509, %mul3A_511 : vector<16xf32>
          %mul3A_513 = arith.constant 2 : i32
          %mul3A_514 = arith.muli %mul3A_513, %select_n3A : i32
          %add3A_515 = arith.constant 0 : i32
          %add3A_516 = arith.addi %mul3A_514, %add3A_515 : i32
          %swap3A_517 = arith.index_cast %add3A_516 : i32 to index
          %swap3A_518 = arith.index_cast %select_n3A_412 : i32 to index
          %swap3A_519 = arith.constant 48 : index
          %swap3A_520 = tpu.vector_load %arg13[%swap3A_517, %swap3A_518, %swap3A_519] {strides = array<i32>} : memref<10x8x128xf32, #tpu.memory_space<vmem>>, vector<1x1x16xf32>,
          %swap3A_521 = vector.shape_cast %swap3A_520 : vector<1x1x16xf32> to vector<16xf32>
          %swap3A_522 = vector.shape_cast %mul3A_512 : vector<16xf32> to vector<1x1x16xf32>
          tpu.vector_store %arg13[%swap3A_517, %swap3A_518, %swap3A_519], %swap3A_522 {strides = array<i32>} : memref<10x8x128xf32, #tpu.memory_space<vmem>>, vector<1x1x16xf32>,
          %mul3A_523 = arith.constant 2 : i32
          %mul3A_524 = arith.muli %mul3A_523, %scan3A_379 : i32
          %get3A_525 = arith.index_cast %mul3A_524 : i32 to index
          %get3A_526 = arith.constant 64 : index
          %get3A_527 = tpu.vector_load %arg11[%get3A_525, %get3A_526] {strides = array<i32>} : memref<80x256xf32, #tpu.memory_space<vmem>>, vector<1x16xf32>,
          %get3A_528 = vector.shape_cast %get3A_527 : vector<1x16xf32> to vector<16xf32>
          %mul3A_529 = arith.constant 2 : i32
          %mul3A_530 = arith.muli %mul3A_529, %scan3A_379 : i32
          %add3A_531 = arith.constant 1 : i32
          %add3A_532 = arith.addi %mul3A_530, %add3A_531 : i32
          %get3A_533 = arith.index_cast %add3A_532 : i32 to index
          %get3A_534 = arith.constant 64 : index
          %get3A_535 = tpu.vector_load %arg11[%get3A_533, %get3A_534] {strides = array<i32>} : memref<80x256xf32, #tpu.memory_space<vmem>>, vector<1x16xf32>,
          %get3A_536 = vector.shape_cast %get3A_535 : vector<1x16xf32> to vector<16xf32>
          %add3A_537 = arith.addf %get3A_528, %get3A_536 : vector<16xf32>
          %mul3A_538 = arith.constant 5.000000e-01 : f32
          %mul3A_539 = vector.broadcast %mul3A_538 : f32 to vector<16xf32>
          %mul3A_540 = arith.mulf %add3A_537, %mul3A_539 : vector<16xf32>
          %mul3A_541 = arith.constant 2 : i32
          %mul3A_542 = arith.muli %mul3A_541, %select_n3A : i32
          %add3A_543 = arith.constant 0 : i32
          %add3A_544 = arith.addi %mul3A_542, %add3A_543 : i32
          %swap3A_545 = arith.index_cast %add3A_544 : i32 to index
          %swap3A_546 = arith.index_cast %select_n3A_412 : i32 to index
          %swap3A_547 = arith.constant 64 : index
          %swap3A_548 = tpu.vector_load %arg13[%swap3A_545, %swap3A_546, %swap3A_547] {strides = array<i32>} : memref<10x8x128xf32, #tpu.memory_space<vmem>>, vector<1x1x16xf32>,
          %swap3A_549 = vector.shape_cast %swap3A_548 : vector<1x1x16xf32> to vector<16xf32>
          %swap3A_550 = vector.shape_cast %mul3A_540 : vector<16xf32> to vector<1x1x16xf32>
          tpu.vector_store %arg13[%swap3A_545, %swap3A_546, %swap3A_547], %swap3A_550 {strides = array<i32>} : memref<10x8x128xf32, #tpu.memory_space<vmem>>, vector<1x1x16xf32>,
          %mul3A_551 = arith.constant 2 : i32
          %mul3A_552 = arith.muli %mul3A_551, %scan3A_379 : i32
          %get3A_553 = arith.index_cast %mul3A_552 : i32 to index
          %get3A_554 = arith.constant 80 : index
          %get3A_555 = tpu.vector_load %arg11[%get3A_553, %get3A_554] {strides = array<i32>} : memref<80x256xf32, #tpu.memory_space<vmem>>, vector<1x16xf32>,
          %get3A_556 = vector.shape_cast %get3A_555 : vector<1x16xf32> to vector<16xf32>
          %mul3A_557 = arith.constant 2 : i32
          %mul3A_558 = arith.muli %mul3A_557, %scan3A_379 : i32
          %add3A_559 = arith.constant 1 : i32
          %add3A_560 = arith.addi %mul3A_558, %add3A_559 : i32
          %get3A_561 = arith.index_cast %add3A_560 : i32 to index
          %get3A_562 = arith.constant 80 : index
          %get3A_563 = tpu.vector_load %arg11[%get3A_561, %get3A_562] {strides = array<i32>} : memref<80x256xf32, #tpu.memory_space<vmem>>, vector<1x16xf32>,
          %get3A_564 = vector.shape_cast %get3A_563 : vector<1x16xf32> to vector<16xf32>
          %add3A_565 = arith.addf %get3A_556, %get3A_564 : vector<16xf32>
          %mul3A_566 = arith.constant 5.000000e-01 : f32
          %mul3A_567 = vector.broadcast %mul3A_566 : f32 to vector<16xf32>
          %mul3A_568 = arith.mulf %add3A_565, %mul3A_567 : vector<16xf32>
          %mul3A_569 = arith.constant 2 : i32
          %mul3A_570 = arith.muli %mul3A_569, %select_n3A : i32
          %add3A_571 = arith.constant 0 : i32
          %add3A_572 = arith.addi %mul3A_570, %add3A_571 : i32
          %swap3A_573 = arith.index_cast %add3A_572 : i32 to index
          %swap3A_574 = arith.index_cast %select_n3A_412 : i32 to index
          %swap3A_575 = arith.constant 80 : index
          %swap3A_576 = tpu.vector_load %arg13[%swap3A_573, %swap3A_574, %swap3A_575] {strides = array<i32>} : memref<10x8x128xf32, #tpu.memory_space<vmem>>, vector<1x1x16xf32>,
          %swap3A_577 = vector.shape_cast %swap3A_576 : vector<1x1x16xf32> to vector<16xf32>
          %swap3A_578 = vector.shape_cast %mul3A_568 : vector<16xf32> to vector<1x1x16xf32>
          tpu.vector_store %arg13[%swap3A_573, %swap3A_574, %swap3A_575], %swap3A_578 {strides = array<i32>} : memref<10x8x128xf32, #tpu.memory_space<vmem>>, vector<1x1x16xf32>,
          %mul3A_579 = arith.constant 2 : i32
          %mul3A_580 = arith.muli %mul3A_579, %scan3A_379 : i32
          %get3A_581 = arith.index_cast %mul3A_580 : i32 to index
          %get3A_582 = arith.constant 96 : index
          %get3A_583 = tpu.vector_load %arg11[%get3A_581, %get3A_582] {strides = array<i32>} : memref<80x256xf32, #tpu.memory_space<vmem>>, vector<1x16xf32>,
          %get3A_584 = vector.shape_cast %get3A_583 : vector<1x16xf32> to vector<16xf32>
          %mul3A_585 = arith.constant 2 : i32
          %mul3A_586 = arith.muli %mul3A_585, %scan3A_379 : i32
          %add3A_587 = arith.constant 1 : i32
          %add3A_588 = arith.addi %mul3A_586, %add3A_587 : i32
          %get3A_589 = arith.index_cast %add3A_588 : i32 to index
          %get3A_590 = arith.constant 96 : index
          %get3A_591 = tpu.vector_load %arg11[%get3A_589, %get3A_590] {strides = array<i32>} : memref<80x256xf32, #tpu.memory_space<vmem>>, vector<1x16xf32>,
          %get3A_592 = vector.shape_cast %get3A_591 : vector<1x16xf32> to vector<16xf32>
          %add3A_593 = arith.addf %get3A_584, %get3A_592 : vector<16xf32>
          %mul3A_594 = arith.constant 5.000000e-01 : f32
          %mul3A_595 = vector.broadcast %mul3A_594 : f32 to vector<16xf32>
          %mul3A_596 = arith.mulf %add3A_593, %mul3A_595 : vector<16xf32>
          %mul3A_597 = arith.constant 2 : i32
          %mul3A_598 = arith.muli %mul3A_597, %select_n3A : i32
          %add3A_599 = arith.constant 0 : i32
          %add3A_600 = arith.addi %mul3A_598, %add3A_599 : i32
          %swap3A_601 = arith.index_cast %add3A_600 : i32 to index
          %swap3A_602 = arith.index_cast %select_n3A_412 : i32 to index
          %swap3A_603 = arith.constant 96 : index
          %swap3A_604 = tpu.vector_load %arg13[%swap3A_601, %swap3A_602, %swap3A_603] {strides = array<i32>} : memref<10x8x128xf32, #tpu.memory_space<vmem>>, vector<1x1x16xf32>,
          %swap3A_605 = vector.shape_cast %swap3A_604 : vector<1x1x16xf32> to vector<16xf32>
          %swap3A_606 = vector.shape_cast %mul3A_596 : vector<16xf32> to vector<1x1x16xf32>
          tpu.vector_store %arg13[%swap3A_601, %swap3A_602, %swap3A_603], %swap3A_606 {strides = array<i32>} : memref<10x8x128xf32, #tpu.memory_space<vmem>>, vector<1x1x16xf32>,
          %mul3A_607 = arith.constant 2 : i32
          %mul3A_608 = arith.muli %mul3A_607, %scan3A_379 : i32
          %get3A_609 = arith.index_cast %mul3A_608 : i32 to index
          %get3A_610 = arith.constant 112 : index
          %get3A_611 = tpu.vector_load %arg11[%get3A_609, %get3A_610] {strides = array<i32>} : memref<80x256xf32, #tpu.memory_space<vmem>>, vector<1x16xf32>,
          %get3A_612 = vector.shape_cast %get3A_611 : vector<1x16xf32> to vector<16xf32>
          %mul3A_613 = arith.constant 2 : i32
          %mul3A_614 = arith.muli %mul3A_613, %scan3A_379 : i32
          %add3A_615 = arith.constant 1 : i32
          %add3A_616 = arith.addi %mul3A_614, %add3A_615 : i32
          %get3A_617 = arith.index_cast %add3A_616 : i32 to index
          %get3A_618 = arith.constant 112 : index
          %get3A_619 = tpu.vector_load %arg11[%get3A_617, %get3A_618] {strides = array<i32>} : memref<80x256xf32, #tpu.memory_space<vmem>>, vector<1x16xf32>,
          %get3A_620 = vector.shape_cast %get3A_619 : vector<1x16xf32> to vector<16xf32>
          %add3A_621 = arith.addf %get3A_612, %get3A_620 : vector<16xf32>
          %mul3A_622 = arith.constant 5.000000e-01 : f32
          %mul3A_623 = vector.broadcast %mul3A_622 : f32 to vector<16xf32>
          %mul3A_624 = arith.mulf %add3A_621, %mul3A_623 : vector<16xf32>
          %mul3A_625 = arith.constant 2 : i32
          %mul3A_626 = arith.muli %mul3A_625, %select_n3A : i32
          %add3A_627 = arith.constant 0 : i32
          %add3A_628 = arith.addi %mul3A_626, %add3A_627 : i32
          %swap3A_629 = arith.index_cast %add3A_628 : i32 to index
          %swap3A_630 = arith.index_cast %select_n3A_412 : i32 to index
          %swap3A_631 = arith.constant 112 : index
          %swap3A_632 = tpu.vector_load %arg13[%swap3A_629, %swap3A_630, %swap3A_631] {strides = array<i32>} : memref<10x8x128xf32, #tpu.memory_space<vmem>>, vector<1x1x16xf32>,
          %swap3A_633 = vector.shape_cast %swap3A_632 : vector<1x1x16xf32> to vector<16xf32>
          %swap3A_634 = vector.shape_cast %mul3A_624 : vector<16xf32> to vector<1x1x16xf32>
          tpu.vector_store %arg13[%swap3A_629, %swap3A_630, %swap3A_631], %swap3A_634 {strides = array<i32>} : memref<10x8x128xf32, #tpu.memory_space<vmem>>, vector<1x1x16xf32>,
          %mul3A_635 = arith.constant 2 : i32
          %mul3A_636 = arith.muli %mul3A_635, %scan3A_379 : i32
          %get3A_637 = arith.index_cast %mul3A_636 : i32 to index
          %get3A_638 = arith.constant 128 : index
          %get3A_639 = tpu.vector_load %arg11[%get3A_637, %get3A_638] {strides = array<i32>} : memref<80x256xf32, #tpu.memory_space<vmem>>, vector<1x16xf32>,
          %get3A_640 = vector.shape_cast %get3A_639 : vector<1x16xf32> to vector<16xf32>
          %mul3A_641 = arith.constant 2 : i32
          %mul3A_642 = arith.muli %mul3A_641, %scan3A_379 : i32
          %add3A_643 = arith.constant 1 : i32
          %add3A_644 = arith.addi %mul3A_642, %add3A_643 : i32
          %get3A_645 = arith.index_cast %add3A_644 : i32 to index
          %get3A_646 = arith.constant 128 : index
          %get3A_647 = tpu.vector_load %arg11[%get3A_645, %get3A_646] {strides = array<i32>} : memref<80x256xf32, #tpu.memory_space<vmem>>, vector<1x16xf32>,
          %get3A_648 = vector.shape_cast %get3A_647 : vector<1x16xf32> to vector<16xf32>
          %add3A_649 = arith.addf %get3A_640, %get3A_648 : vector<16xf32>
          %mul3A_650 = arith.constant 5.000000e-01 : f32
          %mul3A_651 = vector.broadcast %mul3A_650 : f32 to vector<16xf32>
          %mul3A_652 = arith.mulf %add3A_649, %mul3A_651 : vector<16xf32>
          %mul3A_653 = arith.constant 2 : i32
          %mul3A_654 = arith.muli %mul3A_653, %select_n3A : i32
          %add3A_655 = arith.constant 1 : i32
          %add3A_656 = arith.addi %mul3A_654, %add3A_655 : i32
          %swap3A_657 = arith.index_cast %add3A_656 : i32 to index
          %swap3A_658 = arith.index_cast %select_n3A_412 : i32 to index
          %swap3A_659 = arith.constant 0 : index
          %swap3A_660 = tpu.vector_load %arg13[%swap3A_657, %swap3A_658, %swap3A_659] {strides = array<i32>} : memref<10x8x128xf32, #tpu.memory_space<vmem>>, vector<1x1x16xf32>,
          %swap3A_661 = vector.shape_cast %swap3A_660 : vector<1x1x16xf32> to vector<16xf32>
          %swap3A_662 = vector.shape_cast %mul3A_652 : vector<16xf32> to vector<1x1x16xf32>
          tpu.vector_store %arg13[%swap3A_657, %swap3A_658, %swap3A_659], %swap3A_662 {strides = array<i32>} : memref<10x8x128xf32, #tpu.memory_space<vmem>>, vector<1x1x16xf32>,
          %mul3A_663 = arith.constant 2 : i32
          %mul3A_664 = arith.muli %mul3A_663, %scan3A_379 : i32
          %get3A_665 = arith.index_cast %mul3A_664 : i32 to index
          %get3A_666 = arith.constant 144 : index
          %get3A_667 = tpu.vector_load %arg11[%get3A_665, %get3A_666] {strides = array<i32>} : memref<80x256xf32, #tpu.memory_space<vmem>>, vector<1x16xf32>,
          %get3A_668 = vector.shape_cast %get3A_667 : vector<1x16xf32> to vector<16xf32>
          %mul3A_669 = arith.constant 2 : i32
          %mul3A_670 = arith.muli %mul3A_669, %scan3A_379 : i32
          %add3A_671 = arith.constant 1 : i32
          %add3A_672 = arith.addi %mul3A_670, %add3A_671 : i32
          %get3A_673 = arith.index_cast %add3A_672 : i32 to index
          %get3A_674 = arith.constant 144 : index
          %get3A_675 = tpu.vector_load %arg11[%get3A_673, %get3A_674] {strides = array<i32>} : memref<80x256xf32, #tpu.memory_space<vmem>>, vector<1x16xf32>,
          %get3A_676 = vector.shape_cast %get3A_675 : vector<1x16xf32> to vector<16xf32>
          %add3A_677 = arith.addf %get3A_668, %get3A_676 : vector<16xf32>
          %mul3A_678 = arith.constant 5.000000e-01 : f32
          %mul3A_679 = vector.broadcast %mul3A_678 : f32 to vector<16xf32>
          %mul3A_680 = arith.mulf %add3A_677, %mul3A_679 : vector<16xf32>
          %mul3A_681 = arith.constant 2 : i32
          %mul3A_682 = arith.muli %mul3A_681, %select_n3A : i32
          %add3A_683 = arith.constant 1 : i32
          %add3A_684 = arith.addi %mul3A_682, %add3A_683 : i32
          %swap3A_685 = arith.index_cast %add3A_684 : i32 to index
          %swap3A_686 = arith.index_cast %select_n3A_412 : i32 to index
          %swap3A_687 = arith.constant 16 : index
          %swap3A_688 = tpu.vector_load %arg13[%swap3A_685, %swap3A_686, %swap3A_687] {strides = array<i32>} : memref<10x8x128xf32, #tpu.memory_space<vmem>>, vector<1x1x16xf32>,
          %swap3A_689 = vector.shape_cast %swap3A_688 : vector<1x1x16xf32> to vector<16xf32>
          %swap3A_690 = vector.shape_cast %mul3A_680 : vector<16xf32> to vector<1x1x16xf32>
          tpu.vector_store %arg13[%swap3A_685, %swap3A_686, %swap3A_687], %swap3A_690 {strides = array<i32>} : memref<10x8x128xf32, #tpu.memory_space<vmem>>, vector<1x1x16xf32>,
          %mul3A_691 = arith.constant 2 : i32
          %mul3A_692 = arith.muli %mul3A_691, %scan3A_379 : i32
          %get3A_693 = arith.index_cast %mul3A_692 : i32 to index
          %get3A_694 = arith.constant 160 : index
          %get3A_695 = tpu.vector_load %arg11[%get3A_693, %get3A_694] {strides = array<i32>} : memref<80x256xf32, #tpu.memory_space<vmem>>, vector<1x16xf32>,
          %get3A_696 = vector.shape_cast %get3A_695 : vector<1x16xf32> to vector<16xf32>
          %mul3A_697 = arith.constant 2 : i32
          %mul3A_698 = arith.muli %mul3A_697, %scan3A_379 : i32
          %add3A_699 = arith.constant 1 : i32
          %add3A_700 = arith.addi %mul3A_698, %add3A_699 : i32
          %get3A_701 = arith.index_cast %add3A_700 : i32 to index
          %get3A_702 = arith.constant 160 : index
          %get3A_703 = tpu.vector_load %arg11[%get3A_701, %get3A_702] {strides = array<i32>} : memref<80x256xf32, #tpu.memory_space<vmem>>, vector<1x16xf32>,
          %get3A_704 = vector.shape_cast %get3A_703 : vector<1x16xf32> to vector<16xf32>
          %add3A_705 = arith.addf %get3A_696, %get3A_704 : vector<16xf32>
          %mul3A_706 = arith.constant 5.000000e-01 : f32
          %mul3A_707 = vector.broadcast %mul3A_706 : f32 to vector<16xf32>
          %mul3A_708 = arith.mulf %add3A_705, %mul3A_707 : vector<16xf32>
          %mul3A_709 = arith.constant 2 : i32
          %mul3A_710 = arith.muli %mul3A_709, %select_n3A : i32
          %add3A_711 = arith.constant 1 : i32
          %add3A_712 = arith.addi %mul3A_710, %add3A_711 : i32
          %swap3A_713 = arith.index_cast %add3A_712 : i32 to index
          %swap3A_714 = arith.index_cast %select_n3A_412 : i32 to index
          %swap3A_715 = arith.constant 32 : index
          %swap3A_716 = tpu.vector_load %arg13[%swap3A_713, %swap3A_714, %swap3A_715] {strides = array<i32>} : memref<10x8x128xf32, #tpu.memory_space<vmem>>, vector<1x1x16xf32>,
          %swap3A_717 = vector.shape_cast %swap3A_716 : vector<1x1x16xf32> to vector<16xf32>
          %swap3A_718 = vector.shape_cast %mul3A_708 : vector<16xf32> to vector<1x1x16xf32>
          tpu.vector_store %arg13[%swap3A_713, %swap3A_714, %swap3A_715], %swap3A_718 {strides = array<i32>} : memref<10x8x128xf32, #tpu.memory_space<vmem>>, vector<1x1x16xf32>,
          %mul3A_719 = arith.constant 2 : i32
          %mul3A_720 = arith.muli %mul3A_719, %scan3A_379 : i32
          %get3A_721 = arith.index_cast %mul3A_720 : i32 to index
          %get3A_722 = arith.constant 176 : index
          %get3A_723 = tpu.vector_load %arg11[%get3A_721, %get3A_722] {strides = array<i32>} : memref<80x256xf32, #tpu.memory_space<vmem>>, vector<1x16xf32>,
          %get3A_724 = vector.shape_cast %get3A_723 : vector<1x16xf32> to vector<16xf32>
          %mul3A_725 = arith.constant 2 : i32
          %mul3A_726 = arith.muli %mul3A_725, %scan3A_379 : i32
          %add3A_727 = arith.constant 1 : i32
          %add3A_728 = arith.addi %mul3A_726, %add3A_727 : i32
          %get3A_729 = arith.index_cast %add3A_728 : i32 to index
          %get3A_730 = arith.constant 176 : index
          %get3A_731 = tpu.vector_load %arg11[%get3A_729, %get3A_730] {strides = array<i32>} : memref<80x256xf32, #tpu.memory_space<vmem>>, vector<1x16xf32>,
          %get3A_732 = vector.shape_cast %get3A_731 : vector<1x16xf32> to vector<16xf32>
          %add3A_733 = arith.addf %get3A_724, %get3A_732 : vector<16xf32>
          %mul3A_734 = arith.constant 5.000000e-01 : f32
          %mul3A_735 = vector.broadcast %mul3A_734 : f32 to vector<16xf32>
          %mul3A_736 = arith.mulf %add3A_733, %mul3A_735 : vector<16xf32>
          %mul3A_737 = arith.constant 2 : i32
          %mul3A_738 = arith.muli %mul3A_737, %select_n3A : i32
          %add3A_739 = arith.constant 1 : i32
          %add3A_740 = arith.addi %mul3A_738, %add3A_739 : i32
          %swap3A_741 = arith.index_cast %add3A_740 : i32 to index
          %swap3A_742 = arith.index_cast %select_n3A_412 : i32 to index
          %swap3A_743 = arith.constant 48 : index
          %swap3A_744 = tpu.vector_load %arg13[%swap3A_741, %swap3A_742, %swap3A_743] {strides = array<i32>} : memref<10x8x128xf32, #tpu.memory_space<vmem>>, vector<1x1x16xf32>,
          %swap3A_745 = vector.shape_cast %swap3A_744 : vector<1x1x16xf32> to vector<16xf32>
          %swap3A_746 = vector.shape_cast %mul3A_736 : vector<16xf32> to vector<1x1x16xf32>
          tpu.vector_store %arg13[%swap3A_741, %swap3A_742, %swap3A_743], %swap3A_746 {strides = array<i32>} : memref<10x8x128xf32, #tpu.memory_space<vmem>>, vector<1x1x16xf32>,
          %mul3A_747 = arith.constant 2 : i32
          %mul3A_748 = arith.muli %mul3A_747, %scan3A_379 : i32
          %get3A_749 = arith.index_cast %mul3A_748 : i32 to index
          %get3A_750 = arith.constant 192 : index
          %get3A_751 = tpu.vector_load %arg11[%get3A_749, %get3A_750] {strides = array<i32>} : memref<80x256xf32, #tpu.memory_space<vmem>>, vector<1x16xf32>,
          %get3A_752 = vector.shape_cast %get3A_751 : vector<1x16xf32> to vector<16xf32>
          %mul3A_753 = arith.constant 2 : i32
          %mul3A_754 = arith.muli %mul3A_753, %scan3A_379 : i32
          %add3A_755 = arith.constant 1 : i32
          %add3A_756 = arith.addi %mul3A_754, %add3A_755 : i32
          %get3A_757 = arith.index_cast %add3A_756 : i32 to index
          %get3A_758 = arith.constant 192 : index
          %get3A_759 = tpu.vector_load %arg11[%get3A_757, %get3A_758] {strides = array<i32>} : memref<80x256xf32, #tpu.memory_space<vmem>>, vector<1x16xf32>,
          %get3A_760 = vector.shape_cast %get3A_759 : vector<1x16xf32> to vector<16xf32>
          %add3A_761 = arith.addf %get3A_752, %get3A_760 : vector<16xf32>
          %mul3A_762 = arith.constant 5.000000e-01 : f32
          %mul3A_763 = vector.broadcast %mul3A_762 : f32 to vector<16xf32>
          %mul3A_764 = arith.mulf %add3A_761, %mul3A_763 : vector<16xf32>
          %mul3A_765 = arith.constant 2 : i32
          %mul3A_766 = arith.muli %mul3A_765, %select_n3A : i32
          %add3A_767 = arith.constant 1 : i32
          %add3A_768 = arith.addi %mul3A_766, %add3A_767 : i32
          %swap3A_769 = arith.index_cast %add3A_768 : i32 to index
          %swap3A_770 = arith.index_cast %select_n3A_412 : i32 to index
          %swap3A_771 = arith.constant 64 : index
          %swap3A_772 = tpu.vector_load %arg13[%swap3A_769, %swap3A_770, %swap3A_771] {strides = array<i32>} : memref<10x8x128xf32, #tpu.memory_space<vmem>>, vector<1x1x16xf32>,
          %swap3A_773 = vector.shape_cast %swap3A_772 : vector<1x1x16xf32> to vector<16xf32>
          %swap3A_774 = vector.shape_cast %mul3A_764 : vector<16xf32> to vector<1x1x16xf32>
          tpu.vector_store %arg13[%swap3A_769, %swap3A_770, %swap3A_771], %swap3A_774 {strides = array<i32>} : memref<10x8x128xf32, #tpu.memory_space<vmem>>, vector<1x1x16xf32>,
          %mul3A_775 = arith.constant 2 : i32
          %mul3A_776 = arith.muli %mul3A_775, %scan3A_379 : i32
          %get3A_777 = arith.index_cast %mul3A_776 : i32 to index
          %get3A_778 = arith.constant 208 : index
          %get3A_779 = tpu.vector_load %arg11[%get3A_777, %get3A_778] {strides = array<i32>} : memref<80x256xf32, #tpu.memory_space<vmem>>, vector<1x16xf32>,
          %get3A_780 = vector.shape_cast %get3A_779 : vector<1x16xf32> to vector<16xf32>
          %mul3A_781 = arith.constant 2 : i32
          %mul3A_782 = arith.muli %mul3A_781, %scan3A_379 : i32
          %add3A_783 = arith.constant 1 : i32
          %add3A_784 = arith.addi %mul3A_782, %add3A_783 : i32
          %get3A_785 = arith.index_cast %add3A_784 : i32 to index
          %get3A_786 = arith.constant 208 : index
          %get3A_787 = tpu.vector_load %arg11[%get3A_785, %get3A_786] {strides = array<i32>} : memref<80x256xf32, #tpu.memory_space<vmem>>, vector<1x16xf32>,
          %get3A_788 = vector.shape_cast %get3A_787 : vector<1x16xf32> to vector<16xf32>
          %add3A_789 = arith.addf %get3A_780, %get3A_788 : vector<16xf32>
          %mul3A_790 = arith.constant 5.000000e-01 : f32
          %mul3A_791 = vector.broadcast %mul3A_790 : f32 to vector<16xf32>
          %mul3A_792 = arith.mulf %add3A_789, %mul3A_791 : vector<16xf32>
          %mul3A_793 = arith.constant 2 : i32
          %mul3A_794 = arith.muli %mul3A_793, %select_n3A : i32
          %add3A_795 = arith.constant 1 : i32
          %add3A_796 = arith.addi %mul3A_794, %add3A_795 : i32
          %swap3A_797 = arith.index_cast %add3A_796 : i32 to index
          %swap3A_798 = arith.index_cast %select_n3A_412 : i32 to index
          %swap3A_799 = arith.constant 80 : index
          %swap3A_800 = tpu.vector_load %arg13[%swap3A_797, %swap3A_798, %swap3A_799] {strides = array<i32>} : memref<10x8x128xf32, #tpu.memory_space<vmem>>, vector<1x1x16xf32>,
          %swap3A_801 = vector.shape_cast %swap3A_800 : vector<1x1x16xf32> to vector<16xf32>
          %swap3A_802 = vector.shape_cast %mul3A_792 : vector<16xf32> to vector<1x1x16xf32>
          tpu.vector_store %arg13[%swap3A_797, %swap3A_798, %swap3A_799], %swap3A_802 {strides = array<i32>} : memref<10x8x128xf32, #tpu.memory_space<vmem>>, vector<1x1x16xf32>,
          %mul3A_803 = arith.constant 2 : i32
          %mul3A_804 = arith.muli %mul3A_803, %scan3A_379 : i32
          %get3A_805 = arith.index_cast %mul3A_804 : i32 to index
          %get3A_806 = arith.constant 224 : index
          %get3A_807 = tpu.vector_load %arg11[%get3A_805, %get3A_806] {strides = array<i32>} : memref<80x256xf32, #tpu.memory_space<vmem>>, vector<1x16xf32>,
          %get3A_808 = vector.shape_cast %get3A_807 : vector<1x16xf32> to vector<16xf32>
          %mul3A_809 = arith.constant 2 : i32
          %mul3A_810 = arith.muli %mul3A_809, %scan3A_379 : i32
          %add3A_811 = arith.constant 1 : i32
          %add3A_812 = arith.addi %mul3A_810, %add3A_811 : i32
          %get3A_813 = arith.index_cast %add3A_812 : i32 to index
          %get3A_814 = arith.constant 224 : index
          %get3A_815 = tpu.vector_load %arg11[%get3A_813, %get3A_814] {strides = array<i32>} : memref<80x256xf32, #tpu.memory_space<vmem>>, vector<1x16xf32>,
          %get3A_816 = vector.shape_cast %get3A_815 : vector<1x16xf32> to vector<16xf32>
          %add3A_817 = arith.addf %get3A_808, %get3A_816 : vector<16xf32>
          %mul3A_818 = arith.constant 5.000000e-01 : f32
          %mul3A_819 = vector.broadcast %mul3A_818 : f32 to vector<16xf32>
          %mul3A_820 = arith.mulf %add3A_817, %mul3A_819 : vector<16xf32>
          %mul3A_821 = arith.constant 2 : i32
          %mul3A_822 = arith.muli %mul3A_821, %select_n3A : i32
          %add3A_823 = arith.constant 1 : i32
          %add3A_824 = arith.addi %mul3A_822, %add3A_823 : i32
          %swap3A_825 = arith.index_cast %add3A_824 : i32 to index
          %swap3A_826 = arith.index_cast %select_n3A_412 : i32 to index
          %swap3A_827 = arith.constant 96 : index
          %swap3A_828 = tpu.vector_load %arg13[%swap3A_825, %swap3A_826, %swap3A_827] {strides = array<i32>} : memref<10x8x128xf32, #tpu.memory_space<vmem>>, vector<1x1x16xf32>,
          %swap3A_829 = vector.shape_cast %swap3A_828 : vector<1x1x16xf32> to vector<16xf32>
          %swap3A_830 = vector.shape_cast %mul3A_820 : vector<16xf32> to vector<1x1x16xf32>
          tpu.vector_store %arg13[%swap3A_825, %swap3A_826, %swap3A_827], %swap3A_830 {strides = array<i32>} : memref<10x8x128xf32, #tpu.memory_space<vmem>>, vector<1x1x16xf32>,
          %mul3A_831 = arith.constant 2 : i32
          %mul3A_832 = arith.muli %mul3A_831, %scan3A_379 : i32
          %get3A_833 = arith.index_cast %mul3A_832 : i32 to index
          %get3A_834 = arith.constant 240 : index
          %get3A_835 = tpu.vector_load %arg11[%get3A_833, %get3A_834] {strides = array<i32>} : memref<80x256xf32, #tpu.memory_space<vmem>>, vector<1x16xf32>,
          %get3A_836 = vector.shape_cast %get3A_835 : vector<1x16xf32> to vector<16xf32>
          %mul3A_837 = arith.constant 2 : i32
          %mul3A_838 = arith.muli %mul3A_837, %scan3A_379 : i32
          %add3A_839 = arith.constant 1 : i32
          %add3A_840 = arith.addi %mul3A_838, %add3A_839 : i32
          %get3A_841 = arith.index_cast %add3A_840 : i32 to index
          %get3A_842 = arith.constant 240 : index
          %get3A_843 = tpu.vector_load %arg11[%get3A_841, %get3A_842] {strides = array<i32>} : memref<80x256xf32, #tpu.memory_space<vmem>>, vector<1x16xf32>,
          %get3A_844 = vector.shape_cast %get3A_843 : vector<1x16xf32> to vector<16xf32>
          %add3A_845 = arith.addf %get3A_836, %get3A_844 : vector<16xf32>
          %mul3A_846 = arith.constant 5.000000e-01 : f32
          %mul3A_847 = vector.broadcast %mul3A_846 : f32 to vector<16xf32>
          %mul3A_848 = arith.mulf %add3A_845, %mul3A_847 : vector<16xf32>
          %mul3A_849 = arith.constant 2 : i32
          %mul3A_850 = arith.muli %mul3A_849, %select_n3A : i32
          %add3A_851 = arith.constant 1 : i32
          %add3A_852 = arith.addi %mul3A_850, %add3A_851 : i32
          %swap3A_853 = arith.index_cast %add3A_852 : i32 to index
          %swap3A_854 = arith.index_cast %select_n3A_412 : i32 to index
          %swap3A_855 = arith.constant 112 : index
          %swap3A_856 = tpu.vector_load %arg13[%swap3A_853, %swap3A_854, %swap3A_855] {strides = array<i32>} : memref<10x8x128xf32, #tpu.memory_space<vmem>>, vector<1x1x16xf32>,
          %swap3A_857 = vector.shape_cast %swap3A_856 : vector<1x1x16xf32> to vector<16xf32>
          %swap3A_858 = vector.shape_cast %mul3A_848 : vector<16xf32> to vector<1x1x16xf32>
          tpu.vector_store %arg13[%swap3A_853, %swap3A_854, %swap3A_855], %swap3A_858 {strides = array<i32>} : memref<10x8x128xf32, #tpu.memory_space<vmem>>, vector<1x1x16xf32>,
        }
        %scan3A_378 = arith.constant 40 : i32
      } else {
      }
      %mul3A_294 = arith.constant 32 : i32
      %mul3A_295 = arith.muli %add3A_234, %mul3A_294 : i32
      %add3A_296 = arith.addi %add3A, %mul3A_295 : i32
      %lt3A_297 = arith.constant 2500 : i32
      %lt3A_298 = arith.cmpi slt, %add3A_296, %lt3A_297 : i32
      %convert_element_type3A_299 = arith.extui %lt3A_298 : i1 to i32
      %cond3A_300 = arith.constant 0 : i32
      %cond3A_301 = arith.cmpi ne, %convert_element_type3A_299, %cond3A_300 : i32
      scf.if %cond3A_301 {
        %mul3A_373 = arith.constant 32 : i32
        %mul3A_374 = arith.muli %add3A_234, %mul3A_373 : i32
        %add3A_375 = arith.addi %add3A, %mul3A_374 : i32
        %mul3A_376 = arith.constant 10 : i32
        %mul3A_377 = arith.muli %add3A_375, %mul3A_376 : i32
        %dma_start3A = arith.constant 0 : i32
        %dma_start3A_378 = arith.constant 0 : i32
        %dma_start3A_379 = tpu.memref_slice %arg4[%mul3A_377, %dma_start3A, %dma_start3A_378] : memref<25000x8x128xf32, #tpu.memory_space<hbm>> -> memref<10x8x128xf32, #tpu.memory_space<hbm>>
        %dma_start3A_380 = arith.constant 0 : i32
        %dma_start3A_381 = arith.constant 0 : i32
        %dma_start3A_382 = tpu.memref_slice %arg4[%mul3A_377, %dma_start3A_380, %dma_start3A_381] : memref<25000x8x128xf32, #tpu.memory_space<hbm>> -> memref<10x8x128xf32, #tpu.memory_space<hbm>>
        tpu.enqueue_dma source(%arg13 : memref<10x8x128xf32, #tpu.memory_space<vmem>>) target(%dma_start3A_382 : memref<10x8x128xf32, #tpu.memory_space<hbm>>) target_semaphore(%arg23 : memref<!tpu.dma_semaphore, #tpu.memory_space<semaphore_mem>>)
      } else {
      }
      %mul3A_302 = arith.constant 4 : i32
      %mul3A_303 = arith.muli %mul3A_302, %scan3A_90 : i32
      %add3A_304 = arith.constant 3 : i32
      %add3A_305 = arith.addi %mul3A_303, %add3A_304 : i32
      %mul3A_306 = arith.constant 32 : i32
      %mul3A_307 = arith.muli %add3A_305, %mul3A_306 : i32
      %add3A_308 = arith.addi %add3A, %mul3A_307 : i32
      %lt3A_309 = arith.constant 2500 : i32
      %lt3A_310 = arith.cmpi slt, %add3A_308, %lt3A_309 : i32
      %convert_element_type3A_311 = arith.extui %lt3A_310 : i1 to i32
      %cond3A_312 = arith.constant 0 : i32
      %cond3A_313 = arith.cmpi ne, %convert_element_type3A_311, %cond3A_312 : i32
      scf.if %cond3A_313 {
        %dma_wait3A = arith.constant 0 : i32
        %dma_wait3A_373 = arith.constant 0 : i32
        %dma_wait3A_374 = tpu.memref_slice %arg2[%dma_wait3A, %dma_wait3A_373] : memref<50000x256xf32, #tpu.memory_space<hbm>> -> memref<50000x256xf32, #tpu.memory_space<hbm>>
        tpu.wait_indirect_dma semaphore(%arg22 : memref<!tpu.dma_semaphore, #tpu.memory_space<semaphore_mem>>) src(%dma_wait3A_374 : memref<50000x256xf32, #tpu.memory_space<hbm>>) dst(%arg12 : memref<80x256xf32, #tpu.memory_space<vmem>>)
      } else {
      }
      %add3A_314 = arith.constant 4 : i32
      %add3A_315 = arith.addi %add3A_305, %add3A_314 : i32
      %mul3A_316 = arith.constant 32 : i32
      %mul3A_317 = arith.muli %add3A_315, %mul3A_316 : i32
      %add3A_318 = arith.addi %add3A, %mul3A_317 : i32
      %lt3A_319 = arith.constant 2500 : i32
      %lt3A_320 = arith.cmpi slt, %add3A_318, %lt3A_319 : i32
      %convert_element_type3A_321 = arith.extui %lt3A_320 : i1 to i32
      %cond3A_322 = arith.constant 0 : i32
      %cond3A_323 = arith.cmpi ne, %convert_element_type3A_321, %cond3A_322 : i32
      scf.if %cond3A_323 {
        %mul3A_373 = arith.constant 32 : i32
        %mul3A_374 = arith.muli %add3A_315, %mul3A_373 : i32
        %add3A_375 = arith.addi %add3A, %mul3A_374 : i32
        %dma_start3A = arith.constant 0 : i32
        %dma_start3A_376 = tpu.memref_slice %arg3[%add3A_375, %dma_start3A] : memref<2500x80xi32, #tpu.memory_space<hbm>> -> memref<1x80xi32, #tpu.memory_space<hbm>>
        %dma_start3A_377 = tpu.memref_squeeze %dma_start3A_376 : memref<1x80xi32, #tpu.memory_space<hbm>> -> memref<80xi32, #tpu.memory_space<hbm>>
        %dma_start3A_378 = arith.constant 0 : i32
        %dma_start3A_379 = tpu.memref_slice %arg3[%add3A_375, %dma_start3A_378] : memref<2500x80xi32, #tpu.memory_space<hbm>> -> memref<1x80xi32, #tpu.memory_space<hbm>>
        %dma_start3A_380 = tpu.memref_squeeze %dma_start3A_379 : memref<1x80xi32, #tpu.memory_space<hbm>> -> memref<80xi32, #tpu.memory_space<hbm>>
        tpu.enqueue_dma source(%dma_start3A_380 : memref<80xi32, #tpu.memory_space<hbm>>) target(%arg8 : memref<80xi32, #tpu.memory_space<vmem>>) target_semaphore(%arg18 : memref<!tpu.dma_semaphore, #tpu.memory_space<semaphore_mem>>)
      } else {
      }
      %add3A_324 = arith.constant 3 : i32
      %add3A_325 = arith.addi %add3A_305, %add3A_324 : i32
      %mul3A_326 = arith.constant 32 : i32
      %mul3A_327 = arith.muli %add3A_325, %mul3A_326 : i32
      %add3A_328 = arith.addi %add3A, %mul3A_327 : i32
      %lt3A_329 = arith.constant 2500 : i32
      %lt3A_330 = arith.cmpi slt, %add3A_328, %lt3A_329 : i32
      %convert_element_type3A_331 = arith.extui %lt3A_330 : i1 to i32
      %cond3A_332 = arith.constant 0 : i32
      %cond3A_333 = arith.cmpi ne, %convert_element_type3A_331, %cond3A_332 : i32
      scf.if %cond3A_333 {
        %mul3A_373 = arith.constant 32 : i32
        %mul3A_374 = arith.muli %add3A_325, %mul3A_373 : i32
        %add3A_375 = arith.addi %add3A, %mul3A_374 : i32
        %dma_wait3A = arith.constant 0 : i32
        %dma_wait3A_376 = tpu.memref_slice %arg3[%add3A_375, %dma_wait3A] : memref<2500x80xi32, #tpu.memory_space<hbm>> -> memref<1x80xi32, #tpu.memory_space<hbm>>
        %dma_wait3A_377 = tpu.memref_squeeze %dma_wait3A_376 : memref<1x80xi32, #tpu.memory_space<hbm>> -> memref<80xi32, #tpu.memory_space<hbm>>
        %dma_wait3A_378 = arith.constant 0 : i32
        %dma_wait3A_379 = tpu.memref_slice %arg3[%add3A_375, %dma_wait3A_378] : memref<2500x80xi32, #tpu.memory_space<hbm>> -> memref<1x80xi32, #tpu.memory_space<hbm>>
        %dma_wait3A_380 = tpu.memref_squeeze %dma_wait3A_379 : memref<1x80xi32, #tpu.memory_space<hbm>> -> memref<80xi32, #tpu.memory_space<hbm>>
        tpu.wait_dma2 semaphore(%arg17 : memref<!tpu.dma_semaphore, #tpu.memory_space<semaphore_mem>>) src(%dma_wait3A_380 : memref<80xi32, #tpu.memory_space<hbm>>) dst(%arg7 : memref<80xi32, #tpu.memory_space<vmem>>)
      } else {
      }
      %add3A_334 = arith.constant 3 : i32
      %add3A_335 = arith.addi %add3A_305, %add3A_334 : i32
      %mul3A_336 = arith.constant 32 : i32
      %mul3A_337 = arith.muli %add3A_335, %mul3A_336 : i32
      %add3A_338 = arith.addi %add3A, %mul3A_337 : i32
      %lt3A_339 = arith.constant 2500 : i32
      %lt3A_340 = arith.cmpi slt, %add3A_338, %lt3A_339 : i32
      %convert_element_type3A_341 = arith.extui %lt3A_340 : i1 to i32
      %cond3A_342 = arith.constant 0 : i32
      %cond3A_343 = arith.cmpi ne, %convert_element_type3A_341, %cond3A_342 : i32
      scf.if %cond3A_343 {
        %dma_start3A = arith.constant 0 : i32
        %dma_start3A_373 = arith.constant 0 : i32
        %dma_start3A_374 = tpu.memref_slice %arg2[%dma_start3A, %dma_start3A_373] : memref<50000x256xf32, #tpu.memory_space<hbm>> -> memref<50000x256xf32, #tpu.memory_space<hbm>>
        tpu.enqueue_indirect_dma source(%dma_start3A_374 : memref<50000x256xf32, #tpu.memory_space<hbm>>) target(%arg11 : memref<80x256xf32, #tpu.memory_space<vmem>>) offsets(%arg7 : memref<80xi32, #tpu.memory_space<vmem>>) semaphore(%arg21 : memref<!tpu.dma_semaphore, #tpu.memory_space<semaphore_mem>>)
      } else {
      }
      %sub3A_344 = arith.constant 2 : i32
      %sub3A_345 = arith.subi %add3A_305, %sub3A_344 : i32
      %ge3A_346 = arith.constant 0 : i32
      %ge3A_347 = arith.cmpi sge, %sub3A_345, %ge3A_346 : i32
      %mul3A_348 = arith.constant 32 : i32
      %mul3A_349 = arith.muli %sub3A_345, %mul3A_348 : i32
      %add3A_350 = arith.addi %add3A, %mul3A_349 : i32
      %lt3A_351 = arith.constant 2500 : i32
      %lt3A_352 = arith.cmpi slt, %add3A_350, %lt3A_351 : i32
      %and3A_353 = arith.andi %ge3A_347, %lt3A_352 : i1
      %convert_element_type3A_354 = arith.extui %and3A_353 : i1 to i32
      %cond3A_355 = arith.constant 0 : i32
      %cond3A_356 = arith.cmpi ne, %convert_element_type3A_354, %cond3A_355 : i32
      scf.if %cond3A_356 {
        %mul3A_373 = arith.constant 32 : i32
        %mul3A_374 = arith.muli %sub3A_345, %mul3A_373 : i32
        %add3A_375 = arith.addi %add3A, %mul3A_374 : i32
        %mul3A_376 = arith.constant 10 : i32
        %mul3A_377 = arith.muli %add3A_375, %mul3A_376 : i32
        %dma_wait3A = arith.constant 0 : i32
        %dma_wait3A_378 = arith.constant 0 : i32
        %dma_wait3A_379 = tpu.memref_slice %arg4[%mul3A_377, %dma_wait3A, %dma_wait3A_378] : memref<25000x8x128xf32, #tpu.memory_space<hbm>> -> memref<10x8x128xf32, #tpu.memory_space<hbm>>
        %dma_wait3A_380 = arith.constant 0 : i32
        %dma_wait3A_381 = arith.constant 0 : i32
        %dma_wait3A_382 = tpu.memref_slice %arg4[%mul3A_377, %dma_wait3A_380, %dma_wait3A_381] : memref<25000x8x128xf32, #tpu.memory_space<hbm>> -> memref<10x8x128xf32, #tpu.memory_space<hbm>>
        tpu.wait_dma2 semaphore(%arg24 : memref<!tpu.dma_semaphore, #tpu.memory_space<semaphore_mem>>) src(%arg14 : memref<10x8x128xf32, #tpu.memory_space<vmem>>) dst(%dma_wait3A_382 : memref<10x8x128xf32, #tpu.memory_space<hbm>>)
      } else {
      }
      %mul3A_357 = arith.constant 32 : i32
      %mul3A_358 = arith.muli %add3A_305, %mul3A_357 : i32
      %add3A_359 = arith.addi %add3A, %mul3A_358 : i32
      %lt3A_360 = arith.constant 2500 : i32
      %lt3A_361 = arith.cmpi slt, %add3A_359, %lt3A_360 : i32
      %convert_element_type3A_362 = arith.extui %lt3A_361 : i1 to i32
      %cond3A_363 = arith.constant 0 : i32
      %cond3A_364 = arith.cmpi ne, %convert_element_type3A_362, %cond3A_363 : i32
      scf.if %cond3A_364 {
        %scan3A_373 = arith.constant 0 : i32
        %scan3A_374 = arith.constant 0 : i32
        %scan3A_375 = arith.constant 40 : i32
        %scan3A_376 = arith.addi %scan3A_374, %scan3A_375 : i32
        %scan3A_377 = arith.constant 1 : i32
        scf.for %scan3A_379 = %scan3A_374 to %scan3A_376 step %scan3A_377  : i32 {
          %jit3A = arith.constant 8 : i32
          %div3A = arith.divsi %scan3A_379, %jit3A : i32
          %sign3A = arith.constant 0 : i32
          %sign3A_380 = arith.cmpi sgt, %scan3A_379, %sign3A : i32
          %sign3A_381 = arith.extui %sign3A_380 : i1 to i32
          %sign3A_382 = arith.constant 0 : i32
          %sign3A_383 = arith.cmpi slt, %scan3A_379, %sign3A_382 : i32
          %sign3A_384 = arith.extui %sign3A_383 : i1 to i32
          %sign3A_385 = arith.subi %sign3A_381, %sign3A_384 : i32
          %sign3A_386 = arith.constant 0 : i32
          %sign3A_387 = arith.cmpi sgt, %jit3A, %sign3A_386 : i32
          %sign3A_388 = arith.extui %sign3A_387 : i1 to i32
          %sign3A_389 = arith.constant 0 : i32
          %sign3A_390 = arith.cmpi slt, %jit3A, %sign3A_389 : i32
          %sign3A_391 = arith.extui %sign3A_390 : i1 to i32
          %sign3A_392 = arith.subi %sign3A_388, %sign3A_391 : i32
          %ne3A = arith.cmpi ne, %sign3A_385, %sign3A_392 : i32
          %rem3A = arith.remsi %scan3A_379, %jit3A : i32
          %ne3A_393 = arith.constant 0 : i32
          %ne3A_394 = arith.cmpi ne, %rem3A, %ne3A_393 : i32
          %and3A_395 = arith.andi %ne3A, %ne3A_394 : i1
          %sub3A_396 = arith.constant 1 : i32
          %sub3A_397 = arith.subi %div3A, %sub3A_396 : i32
          %select_n3A = arith.select %and3A_395, %sub3A_397, %div3A : i32
          %jit3A_398 = arith.constant 8 : i32
          %eq3A = arith.constant 0 : i32
          %eq3A_399 = arith.cmpi eq, %jit3A_398, %eq3A : i32
          %jit3A_400 = arith.constant 1 : i32
          %select_n3A_401 = arith.select %eq3A_399, %jit3A_400, %jit3A_398 : i32
          %rem3A_402 = arith.remsi %scan3A_379, %select_n3A_401 : i32
          %ne3A_403 = arith.constant 0 : i32
          %ne3A_404 = arith.cmpi ne, %rem3A_402, %ne3A_403 : i32
          %lt3A_405 = arith.constant 0 : i32
          %lt3A_406 = arith.cmpi slt, %rem3A_402, %lt3A_405 : i32
          %lt3A_407 = arith.constant 0 : i32
          %lt3A_408 = arith.cmpi slt, %select_n3A_401, %lt3A_407 : i32
          %ne3A_409 = arith.xori %lt3A_406, %lt3A_408 : i1
          %and3A_410 = arith.andi %ne3A_409, %ne3A_404 : i1
          %add3A_411 = arith.addi %rem3A_402, %select_n3A_401 : i32
          %select_n3A_412 = arith.select %and3A_410, %add3A_411, %rem3A_402 : i32
          %mul3A_413 = arith.constant 2 : i32
          %mul3A_414 = arith.muli %mul3A_413, %scan3A_379 : i32
          %get3A = arith.index_cast %mul3A_414 : i32 to index
          %get3A_415 = arith.constant 0 : index
          %get3A_416 = tpu.vector_load %arg12[%get3A, %get3A_415] {strides = array<i32>} : memref<80x256xf32, #tpu.memory_space<vmem>>, vector<1x16xf32>,
          %get3A_417 = vector.shape_cast %get3A_416 : vector<1x16xf32> to vector<16xf32>
          %mul3A_418 = arith.constant 2 : i32
          %mul3A_419 = arith.muli %mul3A_418, %scan3A_379 : i32
          %add3A_420 = arith.constant 1 : i32
          %add3A_421 = arith.addi %mul3A_419, %add3A_420 : i32
          %get3A_422 = arith.index_cast %add3A_421 : i32 to index
          %get3A_423 = arith.constant 0 : index
          %get3A_424 = tpu.vector_load %arg12[%get3A_422, %get3A_423] {strides = array<i32>} : memref<80x256xf32, #tpu.memory_space<vmem>>, vector<1x16xf32>,
          %get3A_425 = vector.shape_cast %get3A_424 : vector<1x16xf32> to vector<16xf32>
          %add3A_426 = arith.addf %get3A_417, %get3A_425 : vector<16xf32>
          %mul3A_427 = arith.constant 5.000000e-01 : f32
          %mul3A_428 = vector.broadcast %mul3A_427 : f32 to vector<16xf32>
          %mul3A_429 = arith.mulf %add3A_426, %mul3A_428 : vector<16xf32>
          %mul3A_430 = arith.constant 2 : i32
          %mul3A_431 = arith.muli %mul3A_430, %select_n3A : i32
          %add3A_432 = arith.constant 0 : i32
          %add3A_433 = arith.addi %mul3A_431, %add3A_432 : i32
          %swap3A = arith.index_cast %add3A_433 : i32 to index
          %swap3A_434 = arith.index_cast %select_n3A_412 : i32 to index
          %swap3A_435 = arith.constant 0 : index
          %swap3A_436 = tpu.vector_load %arg14[%swap3A, %swap3A_434, %swap3A_435] {strides = array<i32>} : memref<10x8x128xf32, #tpu.memory_space<vmem>>, vector<1x1x16xf32>,
          %swap3A_437 = vector.shape_cast %swap3A_436 : vector<1x1x16xf32> to vector<16xf32>
          %swap3A_438 = vector.shape_cast %mul3A_429 : vector<16xf32> to vector<1x1x16xf32>
          tpu.vector_store %arg14[%swap3A, %swap3A_434, %swap3A_435], %swap3A_438 {strides = array<i32>} : memref<10x8x128xf32, #tpu.memory_space<vmem>>, vector<1x1x16xf32>,
          %mul3A_439 = arith.constant 2 : i32
          %mul3A_440 = arith.muli %mul3A_439, %scan3A_379 : i32
          %get3A_441 = arith.index_cast %mul3A_440 : i32 to index
          %get3A_442 = arith.constant 16 : index
          %get3A_443 = tpu.vector_load %arg12[%get3A_441, %get3A_442] {strides = array<i32>} : memref<80x256xf32, #tpu.memory_space<vmem>>, vector<1x16xf32>,
          %get3A_444 = vector.shape_cast %get3A_443 : vector<1x16xf32> to vector<16xf32>
          %mul3A_445 = arith.constant 2 : i32
          %mul3A_446 = arith.muli %mul3A_445, %scan3A_379 : i32
          %add3A_447 = arith.constant 1 : i32
          %add3A_448 = arith.addi %mul3A_446, %add3A_447 : i32
          %get3A_449 = arith.index_cast %add3A_448 : i32 to index
          %get3A_450 = arith.constant 16 : index
          %get3A_451 = tpu.vector_load %arg12[%get3A_449, %get3A_450] {strides = array<i32>} : memref<80x256xf32, #tpu.memory_space<vmem>>, vector<1x16xf32>,
          %get3A_452 = vector.shape_cast %get3A_451 : vector<1x16xf32> to vector<16xf32>
          %add3A_453 = arith.addf %get3A_444, %get3A_452 : vector<16xf32>
          %mul3A_454 = arith.constant 5.000000e-01 : f32
          %mul3A_455 = vector.broadcast %mul3A_454 : f32 to vector<16xf32>
          %mul3A_456 = arith.mulf %add3A_453, %mul3A_455 : vector<16xf32>
          %mul3A_457 = arith.constant 2 : i32
          %mul3A_458 = arith.muli %mul3A_457, %select_n3A : i32
          %add3A_459 = arith.constant 0 : i32
          %add3A_460 = arith.addi %mul3A_458, %add3A_459 : i32
          %swap3A_461 = arith.index_cast %add3A_460 : i32 to index
          %swap3A_462 = arith.index_cast %select_n3A_412 : i32 to index
          %swap3A_463 = arith.constant 16 : index
          %swap3A_464 = tpu.vector_load %arg14[%swap3A_461, %swap3A_462, %swap3A_463] {strides = array<i32>} : memref<10x8x128xf32, #tpu.memory_space<vmem>>, vector<1x1x16xf32>,
          %swap3A_465 = vector.shape_cast %swap3A_464 : vector<1x1x16xf32> to vector<16xf32>
          %swap3A_466 = vector.shape_cast %mul3A_456 : vector<16xf32> to vector<1x1x16xf32>
          tpu.vector_store %arg14[%swap3A_461, %swap3A_462, %swap3A_463], %swap3A_466 {strides = array<i32>} : memref<10x8x128xf32, #tpu.memory_space<vmem>>, vector<1x1x16xf32>,
          %mul3A_467 = arith.constant 2 : i32
          %mul3A_468 = arith.muli %mul3A_467, %scan3A_379 : i32
          %get3A_469 = arith.index_cast %mul3A_468 : i32 to index
          %get3A_470 = arith.constant 32 : index
          %get3A_471 = tpu.vector_load %arg12[%get3A_469, %get3A_470] {strides = array<i32>} : memref<80x256xf32, #tpu.memory_space<vmem>>, vector<1x16xf32>,
          %get3A_472 = vector.shape_cast %get3A_471 : vector<1x16xf32> to vector<16xf32>
          %mul3A_473 = arith.constant 2 : i32
          %mul3A_474 = arith.muli %mul3A_473, %scan3A_379 : i32
          %add3A_475 = arith.constant 1 : i32
          %add3A_476 = arith.addi %mul3A_474, %add3A_475 : i32
          %get3A_477 = arith.index_cast %add3A_476 : i32 to index
          %get3A_478 = arith.constant 32 : index
          %get3A_479 = tpu.vector_load %arg12[%get3A_477, %get3A_478] {strides = array<i32>} : memref<80x256xf32, #tpu.memory_space<vmem>>, vector<1x16xf32>,
          %get3A_480 = vector.shape_cast %get3A_479 : vector<1x16xf32> to vector<16xf32>
          %add3A_481 = arith.addf %get3A_472, %get3A_480 : vector<16xf32>
          %mul3A_482 = arith.constant 5.000000e-01 : f32
          %mul3A_483 = vector.broadcast %mul3A_482 : f32 to vector<16xf32>
          %mul3A_484 = arith.mulf %add3A_481, %mul3A_483 : vector<16xf32>
          %mul3A_485 = arith.constant 2 : i32
          %mul3A_486 = arith.muli %mul3A_485, %select_n3A : i32
          %add3A_487 = arith.constant 0 : i32
          %add3A_488 = arith.addi %mul3A_486, %add3A_487 : i32
          %swap3A_489 = arith.index_cast %add3A_488 : i32 to index
          %swap3A_490 = arith.index_cast %select_n3A_412 : i32 to index
          %swap3A_491 = arith.constant 32 : index
          %swap3A_492 = tpu.vector_load %arg14[%swap3A_489, %swap3A_490, %swap3A_491] {strides = array<i32>} : memref<10x8x128xf32, #tpu.memory_space<vmem>>, vector<1x1x16xf32>,
          %swap3A_493 = vector.shape_cast %swap3A_492 : vector<1x1x16xf32> to vector<16xf32>
          %swap3A_494 = vector.shape_cast %mul3A_484 : vector<16xf32> to vector<1x1x16xf32>
          tpu.vector_store %arg14[%swap3A_489, %swap3A_490, %swap3A_491], %swap3A_494 {strides = array<i32>} : memref<10x8x128xf32, #tpu.memory_space<vmem>>, vector<1x1x16xf32>,
          %mul3A_495 = arith.constant 2 : i32
          %mul3A_496 = arith.muli %mul3A_495, %scan3A_379 : i32
          %get3A_497 = arith.index_cast %mul3A_496 : i32 to index
          %get3A_498 = arith.constant 48 : index
          %get3A_499 = tpu.vector_load %arg12[%get3A_497, %get3A_498] {strides = array<i32>} : memref<80x256xf32, #tpu.memory_space<vmem>>, vector<1x16xf32>,
          %get3A_500 = vector.shape_cast %get3A_499 : vector<1x16xf32> to vector<16xf32>
          %mul3A_501 = arith.constant 2 : i32
          %mul3A_502 = arith.muli %mul3A_501, %scan3A_379 : i32
          %add3A_503 = arith.constant 1 : i32
          %add3A_504 = arith.addi %mul3A_502, %add3A_503 : i32
          %get3A_505 = arith.index_cast %add3A_504 : i32 to index
          %get3A_506 = arith.constant 48 : index
          %get3A_507 = tpu.vector_load %arg12[%get3A_505, %get3A_506] {strides = array<i32>} : memref<80x256xf32, #tpu.memory_space<vmem>>, vector<1x16xf32>,
          %get3A_508 = vector.shape_cast %get3A_507 : vector<1x16xf32> to vector<16xf32>
          %add3A_509 = arith.addf %get3A_500, %get3A_508 : vector<16xf32>
          %mul3A_510 = arith.constant 5.000000e-01 : f32
          %mul3A_511 = vector.broadcast %mul3A_510 : f32 to vector<16xf32>
          %mul3A_512 = arith.mulf %add3A_509, %mul3A_511 : vector<16xf32>
          %mul3A_513 = arith.constant 2 : i32
          %mul3A_514 = arith.muli %mul3A_513, %select_n3A : i32
          %add3A_515 = arith.constant 0 : i32
          %add3A_516 = arith.addi %mul3A_514, %add3A_515 : i32
          %swap3A_517 = arith.index_cast %add3A_516 : i32 to index
          %swap3A_518 = arith.index_cast %select_n3A_412 : i32 to index
          %swap3A_519 = arith.constant 48 : index
          %swap3A_520 = tpu.vector_load %arg14[%swap3A_517, %swap3A_518, %swap3A_519] {strides = array<i32>} : memref<10x8x128xf32, #tpu.memory_space<vmem>>, vector<1x1x16xf32>,
          %swap3A_521 = vector.shape_cast %swap3A_520 : vector<1x1x16xf32> to vector<16xf32>
          %swap3A_522 = vector.shape_cast %mul3A_512 : vector<16xf32> to vector<1x1x16xf32>
          tpu.vector_store %arg14[%swap3A_517, %swap3A_518, %swap3A_519], %swap3A_522 {strides = array<i32>} : memref<10x8x128xf32, #tpu.memory_space<vmem>>, vector<1x1x16xf32>,
          %mul3A_523 = arith.constant 2 : i32
          %mul3A_524 = arith.muli %mul3A_523, %scan3A_379 : i32
          %get3A_525 = arith.index_cast %mul3A_524 : i32 to index
          %get3A_526 = arith.constant 64 : index
          %get3A_527 = tpu.vector_load %arg12[%get3A_525, %get3A_526] {strides = array<i32>} : memref<80x256xf32, #tpu.memory_space<vmem>>, vector<1x16xf32>,
          %get3A_528 = vector.shape_cast %get3A_527 : vector<1x16xf32> to vector<16xf32>
          %mul3A_529 = arith.constant 2 : i32
          %mul3A_530 = arith.muli %mul3A_529, %scan3A_379 : i32
          %add3A_531 = arith.constant 1 : i32
          %add3A_532 = arith.addi %mul3A_530, %add3A_531 : i32
          %get3A_533 = arith.index_cast %add3A_532 : i32 to index
          %get3A_534 = arith.constant 64 : index
          %get3A_535 = tpu.vector_load %arg12[%get3A_533, %get3A_534] {strides = array<i32>} : memref<80x256xf32, #tpu.memory_space<vmem>>, vector<1x16xf32>,
          %get3A_536 = vector.shape_cast %get3A_535 : vector<1x16xf32> to vector<16xf32>
          %add3A_537 = arith.addf %get3A_528, %get3A_536 : vector<16xf32>
          %mul3A_538 = arith.constant 5.000000e-01 : f32
          %mul3A_539 = vector.broadcast %mul3A_538 : f32 to vector<16xf32>
          %mul3A_540 = arith.mulf %add3A_537, %mul3A_539 : vector<16xf32>
          %mul3A_541 = arith.constant 2 : i32
          %mul3A_542 = arith.muli %mul3A_541, %select_n3A : i32
          %add3A_543 = arith.constant 0 : i32
          %add3A_544 = arith.addi %mul3A_542, %add3A_543 : i32
          %swap3A_545 = arith.index_cast %add3A_544 : i32 to index
          %swap3A_546 = arith.index_cast %select_n3A_412 : i32 to index
          %swap3A_547 = arith.constant 64 : index
          %swap3A_548 = tpu.vector_load %arg14[%swap3A_545, %swap3A_546, %swap3A_547] {strides = array<i32>} : memref<10x8x128xf32, #tpu.memory_space<vmem>>, vector<1x1x16xf32>,
          %swap3A_549 = vector.shape_cast %swap3A_548 : vector<1x1x16xf32> to vector<16xf32>
          %swap3A_550 = vector.shape_cast %mul3A_540 : vector<16xf32> to vector<1x1x16xf32>
          tpu.vector_store %arg14[%swap3A_545, %swap3A_546, %swap3A_547], %swap3A_550 {strides = array<i32>} : memref<10x8x128xf32, #tpu.memory_space<vmem>>, vector<1x1x16xf32>,
          %mul3A_551 = arith.constant 2 : i32
          %mul3A_552 = arith.muli %mul3A_551, %scan3A_379 : i32
          %get3A_553 = arith.index_cast %mul3A_552 : i32 to index
          %get3A_554 = arith.constant 80 : index
          %get3A_555 = tpu.vector_load %arg12[%get3A_553, %get3A_554] {strides = array<i32>} : memref<80x256xf32, #tpu.memory_space<vmem>>, vector<1x16xf32>,
          %get3A_556 = vector.shape_cast %get3A_555 : vector<1x16xf32> to vector<16xf32>
          %mul3A_557 = arith.constant 2 : i32
          %mul3A_558 = arith.muli %mul3A_557, %scan3A_379 : i32
          %add3A_559 = arith.constant 1 : i32
          %add3A_560 = arith.addi %mul3A_558, %add3A_559 : i32
          %get3A_561 = arith.index_cast %add3A_560 : i32 to index
          %get3A_562 = arith.constant 80 : index
          %get3A_563 = tpu.vector_load %arg12[%get3A_561, %get3A_562] {strides = array<i32>} : memref<80x256xf32, #tpu.memory_space<vmem>>, vector<1x16xf32>,
          %get3A_564 = vector.shape_cast %get3A_563 : vector<1x16xf32> to vector<16xf32>
          %add3A_565 = arith.addf %get3A_556, %get3A_564 : vector<16xf32>
          %mul3A_566 = arith.constant 5.000000e-01 : f32
          %mul3A_567 = vector.broadcast %mul3A_566 : f32 to vector<16xf32>
          %mul3A_568 = arith.mulf %add3A_565, %mul3A_567 : vector<16xf32>
          %mul3A_569 = arith.constant 2 : i32
          %mul3A_570 = arith.muli %mul3A_569, %select_n3A : i32
          %add3A_571 = arith.constant 0 : i32
          %add3A_572 = arith.addi %mul3A_570, %add3A_571 : i32
          %swap3A_573 = arith.index_cast %add3A_572 : i32 to index
          %swap3A_574 = arith.index_cast %select_n3A_412 : i32 to index
          %swap3A_575 = arith.constant 80 : index
          %swap3A_576 = tpu.vector_load %arg14[%swap3A_573, %swap3A_574, %swap3A_575] {strides = array<i32>} : memref<10x8x128xf32, #tpu.memory_space<vmem>>, vector<1x1x16xf32>,
          %swap3A_577 = vector.shape_cast %swap3A_576 : vector<1x1x16xf32> to vector<16xf32>
          %swap3A_578 = vector.shape_cast %mul3A_568 : vector<16xf32> to vector<1x1x16xf32>
          tpu.vector_store %arg14[%swap3A_573, %swap3A_574, %swap3A_575], %swap3A_578 {strides = array<i32>} : memref<10x8x128xf32, #tpu.memory_space<vmem>>, vector<1x1x16xf32>,
          %mul3A_579 = arith.constant 2 : i32
          %mul3A_580 = arith.muli %mul3A_579, %scan3A_379 : i32
          %get3A_581 = arith.index_cast %mul3A_580 : i32 to index
          %get3A_582 = arith.constant 96 : index
          %get3A_583 = tpu.vector_load %arg12[%get3A_581, %get3A_582] {strides = array<i32>} : memref<80x256xf32, #tpu.memory_space<vmem>>, vector<1x16xf32>,
          %get3A_584 = vector.shape_cast %get3A_583 : vector<1x16xf32> to vector<16xf32>
          %mul3A_585 = arith.constant 2 : i32
          %mul3A_586 = arith.muli %mul3A_585, %scan3A_379 : i32
          %add3A_587 = arith.constant 1 : i32
          %add3A_588 = arith.addi %mul3A_586, %add3A_587 : i32
          %get3A_589 = arith.index_cast %add3A_588 : i32 to index
          %get3A_590 = arith.constant 96 : index
          %get3A_591 = tpu.vector_load %arg12[%get3A_589, %get3A_590] {strides = array<i32>} : memref<80x256xf32, #tpu.memory_space<vmem>>, vector<1x16xf32>,
          %get3A_592 = vector.shape_cast %get3A_591 : vector<1x16xf32> to vector<16xf32>
          %add3A_593 = arith.addf %get3A_584, %get3A_592 : vector<16xf32>
          %mul3A_594 = arith.constant 5.000000e-01 : f32
          %mul3A_595 = vector.broadcast %mul3A_594 : f32 to vector<16xf32>
          %mul3A_596 = arith.mulf %add3A_593, %mul3A_595 : vector<16xf32>
          %mul3A_597 = arith.constant 2 : i32
          %mul3A_598 = arith.muli %mul3A_597, %select_n3A : i32
          %add3A_599 = arith.constant 0 : i32
          %add3A_600 = arith.addi %mul3A_598, %add3A_599 : i32
          %swap3A_601 = arith.index_cast %add3A_600 : i32 to index
          %swap3A_602 = arith.index_cast %select_n3A_412 : i32 to index
          %swap3A_603 = arith.constant 96 : index
          %swap3A_604 = tpu.vector_load %arg14[%swap3A_601, %swap3A_602, %swap3A_603] {strides = array<i32>} : memref<10x8x128xf32, #tpu.memory_space<vmem>>, vector<1x1x16xf32>,
          %swap3A_605 = vector.shape_cast %swap3A_604 : vector<1x1x16xf32> to vector<16xf32>
          %swap3A_606 = vector.shape_cast %mul3A_596 : vector<16xf32> to vector<1x1x16xf32>
          tpu.vector_store %arg14[%swap3A_601, %swap3A_602, %swap3A_603], %swap3A_606 {strides = array<i32>} : memref<10x8x128xf32, #tpu.memory_space<vmem>>, vector<1x1x16xf32>,
          %mul3A_607 = arith.constant 2 : i32
          %mul3A_608 = arith.muli %mul3A_607, %scan3A_379 : i32
          %get3A_609 = arith.index_cast %mul3A_608 : i32 to index
          %get3A_610 = arith.constant 112 : index
          %get3A_611 = tpu.vector_load %arg12[%get3A_609, %get3A_610] {strides = array<i32>} : memref<80x256xf32, #tpu.memory_space<vmem>>, vector<1x16xf32>,
          %get3A_612 = vector.shape_cast %get3A_611 : vector<1x16xf32> to vector<16xf32>
          %mul3A_613 = arith.constant 2 : i32
          %mul3A_614 = arith.muli %mul3A_613, %scan3A_379 : i32
          %add3A_615 = arith.constant 1 : i32
          %add3A_616 = arith.addi %mul3A_614, %add3A_615 : i32
          %get3A_617 = arith.index_cast %add3A_616 : i32 to index
          %get3A_618 = arith.constant 112 : index
          %get3A_619 = tpu.vector_load %arg12[%get3A_617, %get3A_618] {strides = array<i32>} : memref<80x256xf32, #tpu.memory_space<vmem>>, vector<1x16xf32>,
          %get3A_620 = vector.shape_cast %get3A_619 : vector<1x16xf32> to vector<16xf32>
          %add3A_621 = arith.addf %get3A_612, %get3A_620 : vector<16xf32>
          %mul3A_622 = arith.constant 5.000000e-01 : f32
          %mul3A_623 = vector.broadcast %mul3A_622 : f32 to vector<16xf32>
          %mul3A_624 = arith.mulf %add3A_621, %mul3A_623 : vector<16xf32>
          %mul3A_625 = arith.constant 2 : i32
          %mul3A_626 = arith.muli %mul3A_625, %select_n3A : i32
          %add3A_627 = arith.constant 0 : i32
          %add3A_628 = arith.addi %mul3A_626, %add3A_627 : i32
          %swap3A_629 = arith.index_cast %add3A_628 : i32 to index
          %swap3A_630 = arith.index_cast %select_n3A_412 : i32 to index
          %swap3A_631 = arith.constant 112 : index
          %swap3A_632 = tpu.vector_load %arg14[%swap3A_629, %swap3A_630, %swap3A_631] {strides = array<i32>} : memref<10x8x128xf32, #tpu.memory_space<vmem>>, vector<1x1x16xf32>,
          %swap3A_633 = vector.shape_cast %swap3A_632 : vector<1x1x16xf32> to vector<16xf32>
          %swap3A_634 = vector.shape_cast %mul3A_624 : vector<16xf32> to vector<1x1x16xf32>
          tpu.vector_store %arg14[%swap3A_629, %swap3A_630, %swap3A_631], %swap3A_634 {strides = array<i32>} : memref<10x8x128xf32, #tpu.memory_space<vmem>>, vector<1x1x16xf32>,
          %mul3A_635 = arith.constant 2 : i32
          %mul3A_636 = arith.muli %mul3A_635, %scan3A_379 : i32
          %get3A_637 = arith.index_cast %mul3A_636 : i32 to index
          %get3A_638 = arith.constant 128 : index
          %get3A_639 = tpu.vector_load %arg12[%get3A_637, %get3A_638] {strides = array<i32>} : memref<80x256xf32, #tpu.memory_space<vmem>>, vector<1x16xf32>,
          %get3A_640 = vector.shape_cast %get3A_639 : vector<1x16xf32> to vector<16xf32>
          %mul3A_641 = arith.constant 2 : i32
          %mul3A_642 = arith.muli %mul3A_641, %scan3A_379 : i32
          %add3A_643 = arith.constant 1 : i32
          %add3A_644 = arith.addi %mul3A_642, %add3A_643 : i32
          %get3A_645 = arith.index_cast %add3A_644 : i32 to index
          %get3A_646 = arith.constant 128 : index
          %get3A_647 = tpu.vector_load %arg12[%get3A_645, %get3A_646] {strides = array<i32>} : memref<80x256xf32, #tpu.memory_space<vmem>>, vector<1x16xf32>,
          %get3A_648 = vector.shape_cast %get3A_647 : vector<1x16xf32> to vector<16xf32>
          %add3A_649 = arith.addf %get3A_640, %get3A_648 : vector<16xf32>
          %mul3A_650 = arith.constant 5.000000e-01 : f32
          %mul3A_651 = vector.broadcast %mul3A_650 : f32 to vector<16xf32>
          %mul3A_652 = arith.mulf %add3A_649, %mul3A_651 : vector<16xf32>
          %mul3A_653 = arith.constant 2 : i32
          %mul3A_654 = arith.muli %mul3A_653, %select_n3A : i32
          %add3A_655 = arith.constant 1 : i32
          %add3A_656 = arith.addi %mul3A_654, %add3A_655 : i32
          %swap3A_657 = arith.index_cast %add3A_656 : i32 to index
          %swap3A_658 = arith.index_cast %select_n3A_412 : i32 to index
          %swap3A_659 = arith.constant 0 : index
          %swap3A_660 = tpu.vector_load %arg14[%swap3A_657, %swap3A_658, %swap3A_659] {strides = array<i32>} : memref<10x8x128xf32, #tpu.memory_space<vmem>>, vector<1x1x16xf32>,
          %swap3A_661 = vector.shape_cast %swap3A_660 : vector<1x1x16xf32> to vector<16xf32>
          %swap3A_662 = vector.shape_cast %mul3A_652 : vector<16xf32> to vector<1x1x16xf32>
          tpu.vector_store %arg14[%swap3A_657, %swap3A_658, %swap3A_659], %swap3A_662 {strides = array<i32>} : memref<10x8x128xf32, #tpu.memory_space<vmem>>, vector<1x1x16xf32>,
          %mul3A_663 = arith.constant 2 : i32
          %mul3A_664 = arith.muli %mul3A_663, %scan3A_379 : i32
          %get3A_665 = arith.index_cast %mul3A_664 : i32 to index
          %get3A_666 = arith.constant 144 : index
          %get3A_667 = tpu.vector_load %arg12[%get3A_665, %get3A_666] {strides = array<i32>} : memref<80x256xf32, #tpu.memory_space<vmem>>, vector<1x16xf32>,
          %get3A_668 = vector.shape_cast %get3A_667 : vector<1x16xf32> to vector<16xf32>
          %mul3A_669 = arith.constant 2 : i32
          %mul3A_670 = arith.muli %mul3A_669, %scan3A_379 : i32
          %add3A_671 = arith.constant 1 : i32
          %add3A_672 = arith.addi %mul3A_670, %add3A_671 : i32
          %get3A_673 = arith.index_cast %add3A_672 : i32 to index
          %get3A_674 = arith.constant 144 : index
          %get3A_675 = tpu.vector_load %arg12[%get3A_673, %get3A_674] {strides = array<i32>} : memref<80x256xf32, #tpu.memory_space<vmem>>, vector<1x16xf32>,
          %get3A_676 = vector.shape_cast %get3A_675 : vector<1x16xf32> to vector<16xf32>
          %add3A_677 = arith.addf %get3A_668, %get3A_676 : vector<16xf32>
          %mul3A_678 = arith.constant 5.000000e-01 : f32
          %mul3A_679 = vector.broadcast %mul3A_678 : f32 to vector<16xf32>
          %mul3A_680 = arith.mulf %add3A_677, %mul3A_679 : vector<16xf32>
          %mul3A_681 = arith.constant 2 : i32
          %mul3A_682 = arith.muli %mul3A_681, %select_n3A : i32
          %add3A_683 = arith.constant 1 : i32
          %add3A_684 = arith.addi %mul3A_682, %add3A_683 : i32
          %swap3A_685 = arith.index_cast %add3A_684 : i32 to index
          %swap3A_686 = arith.index_cast %select_n3A_412 : i32 to index
          %swap3A_687 = arith.constant 16 : index
          %swap3A_688 = tpu.vector_load %arg14[%swap3A_685, %swap3A_686, %swap3A_687] {strides = array<i32>} : memref<10x8x128xf32, #tpu.memory_space<vmem>>, vector<1x1x16xf32>,
          %swap3A_689 = vector.shape_cast %swap3A_688 : vector<1x1x16xf32> to vector<16xf32>
          %swap3A_690 = vector.shape_cast %mul3A_680 : vector<16xf32> to vector<1x1x16xf32>
          tpu.vector_store %arg14[%swap3A_685, %swap3A_686, %swap3A_687], %swap3A_690 {strides = array<i32>} : memref<10x8x128xf32, #tpu.memory_space<vmem>>, vector<1x1x16xf32>,
          %mul3A_691 = arith.constant 2 : i32
          %mul3A_692 = arith.muli %mul3A_691, %scan3A_379 : i32
          %get3A_693 = arith.index_cast %mul3A_692 : i32 to index
          %get3A_694 = arith.constant 160 : index
          %get3A_695 = tpu.vector_load %arg12[%get3A_693, %get3A_694] {strides = array<i32>} : memref<80x256xf32, #tpu.memory_space<vmem>>, vector<1x16xf32>,
          %get3A_696 = vector.shape_cast %get3A_695 : vector<1x16xf32> to vector<16xf32>
          %mul3A_697 = arith.constant 2 : i32
          %mul3A_698 = arith.muli %mul3A_697, %scan3A_379 : i32
          %add3A_699 = arith.constant 1 : i32
          %add3A_700 = arith.addi %mul3A_698, %add3A_699 : i32
          %get3A_701 = arith.index_cast %add3A_700 : i32 to index
          %get3A_702 = arith.constant 160 : index
          %get3A_703 = tpu.vector_load %arg12[%get3A_701, %get3A_702] {strides = array<i32>} : memref<80x256xf32, #tpu.memory_space<vmem>>, vector<1x16xf32>,
          %get3A_704 = vector.shape_cast %get3A_703 : vector<1x16xf32> to vector<16xf32>
          %add3A_705 = arith.addf %get3A_696, %get3A_704 : vector<16xf32>
          %mul3A_706 = arith.constant 5.000000e-01 : f32
          %mul3A_707 = vector.broadcast %mul3A_706 : f32 to vector<16xf32>
          %mul3A_708 = arith.mulf %add3A_705, %mul3A_707 : vector<16xf32>
          %mul3A_709 = arith.constant 2 : i32
          %mul3A_710 = arith.muli %mul3A_709, %select_n3A : i32
          %add3A_711 = arith.constant 1 : i32
          %add3A_712 = arith.addi %mul3A_710, %add3A_711 : i32
          %swap3A_713 = arith.index_cast %add3A_712 : i32 to index
          %swap3A_714 = arith.index_cast %select_n3A_412 : i32 to index
          %swap3A_715 = arith.constant 32 : index
          %swap3A_716 = tpu.vector_load %arg14[%swap3A_713, %swap3A_714, %swap3A_715] {strides = array<i32>} : memref<10x8x128xf32, #tpu.memory_space<vmem>>, vector<1x1x16xf32>,
          %swap3A_717 = vector.shape_cast %swap3A_716 : vector<1x1x16xf32> to vector<16xf32>
          %swap3A_718 = vector.shape_cast %mul3A_708 : vector<16xf32> to vector<1x1x16xf32>
          tpu.vector_store %arg14[%swap3A_713, %swap3A_714, %swap3A_715], %swap3A_718 {strides = array<i32>} : memref<10x8x128xf32, #tpu.memory_space<vmem>>, vector<1x1x16xf32>,
          %mul3A_719 = arith.constant 2 : i32
          %mul3A_720 = arith.muli %mul3A_719, %scan3A_379 : i32
          %get3A_721 = arith.index_cast %mul3A_720 : i32 to index
          %get3A_722 = arith.constant 176 : index
          %get3A_723 = tpu.vector_load %arg12[%get3A_721, %get3A_722] {strides = array<i32>} : memref<80x256xf32, #tpu.memory_space<vmem>>, vector<1x16xf32>,
          %get3A_724 = vector.shape_cast %get3A_723 : vector<1x16xf32> to vector<16xf32>
          %mul3A_725 = arith.constant 2 : i32
          %mul3A_726 = arith.muli %mul3A_725, %scan3A_379 : i32
          %add3A_727 = arith.constant 1 : i32
          %add3A_728 = arith.addi %mul3A_726, %add3A_727 : i32
          %get3A_729 = arith.index_cast %add3A_728 : i32 to index
          %get3A_730 = arith.constant 176 : index
          %get3A_731 = tpu.vector_load %arg12[%get3A_729, %get3A_730] {strides = array<i32>} : memref<80x256xf32, #tpu.memory_space<vmem>>, vector<1x16xf32>,
          %get3A_732 = vector.shape_cast %get3A_731 : vector<1x16xf32> to vector<16xf32>
          %add3A_733 = arith.addf %get3A_724, %get3A_732 : vector<16xf32>
          %mul3A_734 = arith.constant 5.000000e-01 : f32
          %mul3A_735 = vector.broadcast %mul3A_734 : f32 to vector<16xf32>
          %mul3A_736 = arith.mulf %add3A_733, %mul3A_735 : vector<16xf32>
          %mul3A_737 = arith.constant 2 : i32
          %mul3A_738 = arith.muli %mul3A_737, %select_n3A : i32
          %add3A_739 = arith.constant 1 : i32
          %add3A_740 = arith.addi %mul3A_738, %add3A_739 : i32
          %swap3A_741 = arith.index_cast %add3A_740 : i32 to index
          %swap3A_742 = arith.index_cast %select_n3A_412 : i32 to index
          %swap3A_743 = arith.constant 48 : index
          %swap3A_744 = tpu.vector_load %arg14[%swap3A_741, %swap3A_742, %swap3A_743] {strides = array<i32>} : memref<10x8x128xf32, #tpu.memory_space<vmem>>, vector<1x1x16xf32>,
          %swap3A_745 = vector.shape_cast %swap3A_744 : vector<1x1x16xf32> to vector<16xf32>
          %swap3A_746 = vector.shape_cast %mul3A_736 : vector<16xf32> to vector<1x1x16xf32>
          tpu.vector_store %arg14[%swap3A_741, %swap3A_742, %swap3A_743], %swap3A_746 {strides = array<i32>} : memref<10x8x128xf32, #tpu.memory_space<vmem>>, vector<1x1x16xf32>,
          %mul3A_747 = arith.constant 2 : i32
          %mul3A_748 = arith.muli %mul3A_747, %scan3A_379 : i32
          %get3A_749 = arith.index_cast %mul3A_748 : i32 to index
          %get3A_750 = arith.constant 192 : index
          %get3A_751 = tpu.vector_load %arg12[%get3A_749, %get3A_750] {strides = array<i32>} : memref<80x256xf32, #tpu.memory_space<vmem>>, vector<1x16xf32>,
          %get3A_752 = vector.shape_cast %get3A_751 : vector<1x16xf32> to vector<16xf32>
          %mul3A_753 = arith.constant 2 : i32
          %mul3A_754 = arith.muli %mul3A_753, %scan3A_379 : i32
          %add3A_755 = arith.constant 1 : i32
          %add3A_756 = arith.addi %mul3A_754, %add3A_755 : i32
          %get3A_757 = arith.index_cast %add3A_756 : i32 to index
          %get3A_758 = arith.constant 192 : index
          %get3A_759 = tpu.vector_load %arg12[%get3A_757, %get3A_758] {strides = array<i32>} : memref<80x256xf32, #tpu.memory_space<vmem>>, vector<1x16xf32>,
          %get3A_760 = vector.shape_cast %get3A_759 : vector<1x16xf32> to vector<16xf32>
          %add3A_761 = arith.addf %get3A_752, %get3A_760 : vector<16xf32>
          %mul3A_762 = arith.constant 5.000000e-01 : f32
          %mul3A_763 = vector.broadcast %mul3A_762 : f32 to vector<16xf32>
          %mul3A_764 = arith.mulf %add3A_761, %mul3A_763 : vector<16xf32>
          %mul3A_765 = arith.constant 2 : i32
          %mul3A_766 = arith.muli %mul3A_765, %select_n3A : i32
          %add3A_767 = arith.constant 1 : i32
          %add3A_768 = arith.addi %mul3A_766, %add3A_767 : i32
          %swap3A_769 = arith.index_cast %add3A_768 : i32 to index
          %swap3A_770 = arith.index_cast %select_n3A_412 : i32 to index
          %swap3A_771 = arith.constant 64 : index
          %swap3A_772 = tpu.vector_load %arg14[%swap3A_769, %swap3A_770, %swap3A_771] {strides = array<i32>} : memref<10x8x128xf32, #tpu.memory_space<vmem>>, vector<1x1x16xf32>,
          %swap3A_773 = vector.shape_cast %swap3A_772 : vector<1x1x16xf32> to vector<16xf32>
          %swap3A_774 = vector.shape_cast %mul3A_764 : vector<16xf32> to vector<1x1x16xf32>
          tpu.vector_store %arg14[%swap3A_769, %swap3A_770, %swap3A_771], %swap3A_774 {strides = array<i32>} : memref<10x8x128xf32, #tpu.memory_space<vmem>>, vector<1x1x16xf32>,
          %mul3A_775 = arith.constant 2 : i32
          %mul3A_776 = arith.muli %mul3A_775, %scan3A_379 : i32
          %get3A_777 = arith.index_cast %mul3A_776 : i32 to index
          %get3A_778 = arith.constant 208 : index
          %get3A_779 = tpu.vector_load %arg12[%get3A_777, %get3A_778] {strides = array<i32>} : memref<80x256xf32, #tpu.memory_space<vmem>>, vector<1x16xf32>,
          %get3A_780 = vector.shape_cast %get3A_779 : vector<1x16xf32> to vector<16xf32>
          %mul3A_781 = arith.constant 2 : i32
          %mul3A_782 = arith.muli %mul3A_781, %scan3A_379 : i32
          %add3A_783 = arith.constant 1 : i32
          %add3A_784 = arith.addi %mul3A_782, %add3A_783 : i32
          %get3A_785 = arith.index_cast %add3A_784 : i32 to index
          %get3A_786 = arith.constant 208 : index
          %get3A_787 = tpu.vector_load %arg12[%get3A_785, %get3A_786] {strides = array<i32>} : memref<80x256xf32, #tpu.memory_space<vmem>>, vector<1x16xf32>,
          %get3A_788 = vector.shape_cast %get3A_787 : vector<1x16xf32> to vector<16xf32>
          %add3A_789 = arith.addf %get3A_780, %get3A_788 : vector<16xf32>
          %mul3A_790 = arith.constant 5.000000e-01 : f32
          %mul3A_791 = vector.broadcast %mul3A_790 : f32 to vector<16xf32>
          %mul3A_792 = arith.mulf %add3A_789, %mul3A_791 : vector<16xf32>
          %mul3A_793 = arith.constant 2 : i32
          %mul3A_794 = arith.muli %mul3A_793, %select_n3A : i32
          %add3A_795 = arith.constant 1 : i32
          %add3A_796 = arith.addi %mul3A_794, %add3A_795 : i32
          %swap3A_797 = arith.index_cast %add3A_796 : i32 to index
          %swap3A_798 = arith.index_cast %select_n3A_412 : i32 to index
          %swap3A_799 = arith.constant 80 : index
          %swap3A_800 = tpu.vector_load %arg14[%swap3A_797, %swap3A_798, %swap3A_799] {strides = array<i32>} : memref<10x8x128xf32, #tpu.memory_space<vmem>>, vector<1x1x16xf32>,
          %swap3A_801 = vector.shape_cast %swap3A_800 : vector<1x1x16xf32> to vector<16xf32>
          %swap3A_802 = vector.shape_cast %mul3A_792 : vector<16xf32> to vector<1x1x16xf32>
          tpu.vector_store %arg14[%swap3A_797, %swap3A_798, %swap3A_799], %swap3A_802 {strides = array<i32>} : memref<10x8x128xf32, #tpu.memory_space<vmem>>, vector<1x1x16xf32>,
          %mul3A_803 = arith.constant 2 : i32
          %mul3A_804 = arith.muli %mul3A_803, %scan3A_379 : i32
          %get3A_805 = arith.index_cast %mul3A_804 : i32 to index
          %get3A_806 = arith.constant 224 : index
          %get3A_807 = tpu.vector_load %arg12[%get3A_805, %get3A_806] {strides = array<i32>} : memref<80x256xf32, #tpu.memory_space<vmem>>, vector<1x16xf32>,
          %get3A_808 = vector.shape_cast %get3A_807 : vector<1x16xf32> to vector<16xf32>
          %mul3A_809 = arith.constant 2 : i32
          %mul3A_810 = arith.muli %mul3A_809, %scan3A_379 : i32
          %add3A_811 = arith.constant 1 : i32
          %add3A_812 = arith.addi %mul3A_810, %add3A_811 : i32
          %get3A_813 = arith.index_cast %add3A_812 : i32 to index
          %get3A_814 = arith.constant 224 : index
          %get3A_815 = tpu.vector_load %arg12[%get3A_813, %get3A_814] {strides = array<i32>} : memref<80x256xf32, #tpu.memory_space<vmem>>, vector<1x16xf32>,
          %get3A_816 = vector.shape_cast %get3A_815 : vector<1x16xf32> to vector<16xf32>
          %add3A_817 = arith.addf %get3A_808, %get3A_816 : vector<16xf32>
          %mul3A_818 = arith.constant 5.000000e-01 : f32
          %mul3A_819 = vector.broadcast %mul3A_818 : f32 to vector<16xf32>
          %mul3A_820 = arith.mulf %add3A_817, %mul3A_819 : vector<16xf32>
          %mul3A_821 = arith.constant 2 : i32
          %mul3A_822 = arith.muli %mul3A_821, %select_n3A : i32
          %add3A_823 = arith.constant 1 : i32
          %add3A_824 = arith.addi %mul3A_822, %add3A_823 : i32
          %swap3A_825 = arith.index_cast %add3A_824 : i32 to index
          %swap3A_826 = arith.index_cast %select_n3A_412 : i32 to index
          %swap3A_827 = arith.constant 96 : index
          %swap3A_828 = tpu.vector_load %arg14[%swap3A_825, %swap3A_826, %swap3A_827] {strides = array<i32>} : memref<10x8x128xf32, #tpu.memory_space<vmem>>, vector<1x1x16xf32>,
          %swap3A_829 = vector.shape_cast %swap3A_828 : vector<1x1x16xf32> to vector<16xf32>
          %swap3A_830 = vector.shape_cast %mul3A_820 : vector<16xf32> to vector<1x1x16xf32>
          tpu.vector_store %arg14[%swap3A_825, %swap3A_826, %swap3A_827], %swap3A_830 {strides = array<i32>} : memref<10x8x128xf32, #tpu.memory_space<vmem>>, vector<1x1x16xf32>,
          %mul3A_831 = arith.constant 2 : i32
          %mul3A_832 = arith.muli %mul3A_831, %scan3A_379 : i32
          %get3A_833 = arith.index_cast %mul3A_832 : i32 to index
          %get3A_834 = arith.constant 240 : index
          %get3A_835 = tpu.vector_load %arg12[%get3A_833, %get3A_834] {strides = array<i32>} : memref<80x256xf32, #tpu.memory_space<vmem>>, vector<1x16xf32>,
          %get3A_836 = vector.shape_cast %get3A_835 : vector<1x16xf32> to vector<16xf32>
          %mul3A_837 = arith.constant 2 : i32
          %mul3A_838 = arith.muli %mul3A_837, %scan3A_379 : i32
          %add3A_839 = arith.constant 1 : i32
          %add3A_840 = arith.addi %mul3A_838, %add3A_839 : i32
          %get3A_841 = arith.index_cast %add3A_840 : i32 to index
          %get3A_842 = arith.constant 240 : index
          %get3A_843 = tpu.vector_load %arg12[%get3A_841, %get3A_842] {strides = array<i32>} : memref<80x256xf32, #tpu.memory_space<vmem>>, vector<1x16xf32>,
          %get3A_844 = vector.shape_cast %get3A_843 : vector<1x16xf32> to vector<16xf32>
          %add3A_845 = arith.addf %get3A_836, %get3A_844 : vector<16xf32>
          %mul3A_846 = arith.constant 5.000000e-01 : f32
          %mul3A_847 = vector.broadcast %mul3A_846 : f32 to vector<16xf32>
          %mul3A_848 = arith.mulf %add3A_845, %mul3A_847 : vector<16xf32>
          %mul3A_849 = arith.constant 2 : i32
          %mul3A_850 = arith.muli %mul3A_849, %select_n3A : i32
          %add3A_851 = arith.constant 1 : i32
          %add3A_852 = arith.addi %mul3A_850, %add3A_851 : i32
          %swap3A_853 = arith.index_cast %add3A_852 : i32 to index
          %swap3A_854 = arith.index_cast %select_n3A_412 : i32 to index
          %swap3A_855 = arith.constant 112 : index
          %swap3A_856 = tpu.vector_load %arg14[%swap3A_853, %swap3A_854, %swap3A_855] {strides = array<i32>} : memref<10x8x128xf32, #tpu.memory_space<vmem>>, vector<1x1x16xf32>,
          %swap3A_857 = vector.shape_cast %swap3A_856 : vector<1x1x16xf32> to vector<16xf32>
          %swap3A_858 = vector.shape_cast %mul3A_848 : vector<16xf32> to vector<1x1x16xf32>
          tpu.vector_store %arg14[%swap3A_853, %swap3A_854, %swap3A_855], %swap3A_858 {strides = array<i32>} : memref<10x8x128xf32, #tpu.memory_space<vmem>>, vector<1x1x16xf32>,
        }
        %scan3A_378 = arith.constant 40 : i32
      } else {
      }
      %mul3A_365 = arith.constant 32 : i32
      %mul3A_366 = arith.muli %add3A_305, %mul3A_365 : i32
      %add3A_367 = arith.addi %add3A, %mul3A_366 : i32
      %lt3A_368 = arith.constant 2500 : i32
      %lt3A_369 = arith.cmpi slt, %add3A_367, %lt3A_368 : i32
      %convert_element_type3A_370 = arith.extui %lt3A_369 : i1 to i32
      %cond3A_371 = arith.constant 0 : i32
      %cond3A_372 = arith.cmpi ne, %convert_element_type3A_370, %cond3A_371 : i32
      scf.if %cond3A_372 {
        %mul3A_373 = arith.constant 32 : i32
        %mul3A_374 = arith.muli %add3A_305, %mul3A_373 : i32
        %add3A_375 = arith.addi %add3A, %mul3A_374 : i32
        %mul3A_376 = arith.constant 10 : i32
        %mul3A_377 = arith.muli %add3A_375, %mul3A_376 : i32
        %dma_start3A = arith.constant 0 : i32
        %dma_start3A_378 = arith.constant 0 : i32
        %dma_start3A_379 = tpu.memref_slice %arg4[%mul3A_377, %dma_start3A, %dma_start3A_378] : memref<25000x8x128xf32, #tpu.memory_space<hbm>> -> memref<10x8x128xf32, #tpu.memory_space<hbm>>
        %dma_start3A_380 = arith.constant 0 : i32
        %dma_start3A_381 = arith.constant 0 : i32
        %dma_start3A_382 = tpu.memref_slice %arg4[%mul3A_377, %dma_start3A_380, %dma_start3A_381] : memref<25000x8x128xf32, #tpu.memory_space<hbm>> -> memref<10x8x128xf32, #tpu.memory_space<hbm>>
        tpu.enqueue_dma source(%arg14 : memref<10x8x128xf32, #tpu.memory_space<vmem>>) target(%dma_start3A_382 : memref<10x8x128xf32, #tpu.memory_space<hbm>>) target_semaphore(%arg24 : memref<!tpu.dma_semaphore, #tpu.memory_space<semaphore_mem>>)
      } else {
      }
    }
    %scan3A_72 = arith.constant 20 : i32
    %add3A_73 = arith.constant 2496 : i32
    %add3A_74 = arith.addi %add3A, %add3A_73 : i32
    %lt3A_75 = arith.constant 2500 : i32
    %lt3A_76 = arith.cmpi slt, %add3A_74, %lt3A_75 : i32
    %and3A = arith.constant true
    %and3A_77 = arith.andi %and3A, %lt3A_76 : i1
    %convert_element_type3A_78 = arith.extui %and3A_77 : i1 to i32
    %cond3A_79 = arith.constant 0 : i32
    %cond3A_80 = arith.cmpi ne, %convert_element_type3A_78, %cond3A_79 : i32
    scf.if %cond3A_80 {
      %add3A_90 = arith.constant 2496 : i32
      %add3A_91 = arith.addi %add3A, %add3A_90 : i32
      %mul3A_92 = arith.constant 10 : i32
      %mul3A_93 = arith.muli %add3A_91, %mul3A_92 : i32
      %dma_wait3A = arith.constant 0 : i32
      %dma_wait3A_94 = arith.constant 0 : i32
      %dma_wait3A_95 = tpu.memref_slice %arg4[%mul3A_93, %dma_wait3A, %dma_wait3A_94] : memref<25000x8x128xf32, #tpu.memory_space<hbm>> -> memref<10x8x128xf32, #tpu.memory_space<hbm>>
      %dma_wait3A_96 = arith.constant 0 : i32
      %dma_wait3A_97 = arith.constant 0 : i32
      %dma_wait3A_98 = tpu.memref_slice %arg4[%mul3A_93, %dma_wait3A_96, %dma_wait3A_97] : memref<25000x8x128xf32, #tpu.memory_space<hbm>> -> memref<10x8x128xf32, #tpu.memory_space<hbm>>
      tpu.wait_dma2 semaphore(%arg23 : memref<!tpu.dma_semaphore, #tpu.memory_space<semaphore_mem>>) src(%arg13 : memref<10x8x128xf32, #tpu.memory_space<vmem>>) dst(%dma_wait3A_98 : memref<10x8x128xf32, #tpu.memory_space<hbm>>)
    } else {
    }
    %add3A_81 = arith.constant 2528 : i32
    %add3A_82 = arith.addi %add3A, %add3A_81 : i32
    %lt3A_83 = arith.constant 2500 : i32
    %lt3A_84 = arith.cmpi slt, %add3A_82, %lt3A_83 : i32
    %and3A_85 = arith.constant true
    %and3A_86 = arith.andi %and3A_85, %lt3A_84 : i1
    %convert_element_type3A_87 = arith.extui %and3A_86 : i1 to i32
    %cond3A_88 = arith.constant 0 : i32
    %cond3A_89 = arith.cmpi ne, %convert_element_type3A_87, %cond3A_88 : i32
    scf.if %cond3A_89 {
      %add3A_90 = arith.constant 2528 : i32
      %add3A_91 = arith.addi %add3A, %add3A_90 : i32
      %mul3A_92 = arith.constant 10 : i32
      %mul3A_93 = arith.muli %add3A_91, %mul3A_92 : i32
      %dma_wait3A = arith.constant 0 : i32
      %dma_wait3A_94 = arith.constant 0 : i32
      %dma_wait3A_95 = tpu.memref_slice %arg4[%mul3A_93, %dma_wait3A, %dma_wait3A_94] : memref<25000x8x128xf32, #tpu.memory_space<hbm>> -> memref<10x8x128xf32, #tpu.memory_space<hbm>>
      %dma_wait3A_96 = arith.constant 0 : i32
      %dma_wait3A_97 = arith.constant 0 : i32
      %dma_wait3A_98 = tpu.memref_slice %arg4[%mul3A_93, %dma_wait3A_96, %dma_wait3A_97] : memref<25000x8x128xf32, #tpu.memory_space<hbm>> -> memref<10x8x128xf32, #tpu.memory_space<hbm>>
      tpu.wait_dma2 semaphore(%arg24 : memref<!tpu.dma_semaphore, #tpu.memory_space<semaphore_mem>>) src(%arg14 : memref<10x8x128xf32, #tpu.memory_space<vmem>>) dst(%dma_wait3A_98 : memref<10x8x128xf32, #tpu.memory_space<hbm>>)
    } else {
    }
    return
  }
}

module attributes {stable_mosaic.version = 14 : i64} {
  func.func @_tc_mid_body(%arg0: i32, %arg1: memref<8x128xf32, #tpu.memory_space<vmem>>, %arg2: memref<500x8x128xf32, #tpu.memory_space<vmem>>, %arg3: memref<2000x256xf32, #tpu.memory_space<vmem>>) attributes {dimension_semantics = [#tpu.dimension_semantics<arbitrary>], iteration_bounds = array<i64: 50>, scalar_prefetch = 0 : i64, scratch_operands = 0 : i64, tpu.core_type = #tpu.core_type<tc>, window_params = [{transform_indices = @transform_0, window_bounds = array<i64: 8, 128>}, {transform_indices = @transform_1, window_bounds = array<i64: 500, 8, 128>}, {transform_indices = @transform_2, window_bounds = array<i64: 2000, 256>}]} {
    %get3A = arith.constant 0 : index
    %get3A_0 = arith.constant 0 : index
    %get3A_1 = arith.constant 0 : index
    %get3A_2 = vector.load %arg2[%get3A, %get3A_0, %get3A_1] : memref<500x8x128xf32, #tpu.memory_space<vmem>>, vector<500x8x128xf32>
    %reshape3A = vector.shape_cast %get3A_2 : vector<500x8x128xf32> to vector<250x2x8x128xf32>
    %transpose3A = tpu.transpose %reshape3A, [0, 2, 1, 3] : vector<250x2x8x128xf32> -> vector<250x8x2x128xf32>
    %reshape3A_3 = vector.shape_cast %transpose3A : vector<250x8x2x128xf32> to vector<2000x256xf32>
    %swap3A = arith.constant 0 : index
    %swap3A_4 = arith.constant 0 : index
    %swap3A_5 = vector.load %arg3[%swap3A, %swap3A_4] : memref<2000x256xf32, #tpu.memory_space<vmem>>, vector<2000x256xf32>
    tpu.vector_store %arg3[%swap3A, %swap3A_4], %reshape3A_3 {strides = array<i32>} : memref<2000x256xf32, #tpu.memory_space<vmem>>, vector<2000x256xf32>,
    return
  }
  func.func @transform_0(%arg0: i32) -> (i32, i32) {
    %c0_i32 = arith.constant 0 : i32
    %c0_i32_0 = arith.constant 0 : i32
    %c0_i32_1 = arith.constant 0 : i32
    return %c0_i32, %c0_i32_0 : i32, i32
  }
  func.func @transform_1(%arg0: i32) -> (i32, i32, i32) {
    %c0_i32 = arith.constant 0 : i32
    %c0_i32_0 = arith.constant 0 : i32
    %c0_i32_1 = arith.constant 0 : i32
    return %arg0, %c0_i32, %c0_i32_0 : i32, i32, i32
  }
  func.func @transform_2(%arg0: i32) -> (i32, i32) {
    %add3A = arith.constant 25 : i32
    %add3A_0 = arith.addi %add3A, %arg0 : i32
    %c0_i32 = arith.constant 0 : i32
    %c0_i32_1 = arith.constant 0 : i32
    return %add3A_0, %c0_i32 : i32, i32
  }
}

module attributes {stable_mosaic.version = 14 : i64} {
  func.func @_tc_top_body(%arg0: i32, %arg1: memref<2000x256xf32, #tpu.memory_space<vmem>>, %arg2: memref<2000x256xf32, #tpu.memory_space<vmem>>) attributes {dimension_semantics = [#tpu.dimension_semantics<arbitrary>], iteration_bounds = array<i64: 25>, scalar_prefetch = 0 : i64, scratch_operands = 0 : i64, tpu.core_type = #tpu.core_type<tc>, window_params = [{transform_indices = @transform_0, window_bounds = array<i64: 2000, 256>}, {transform_indices = @transform_1, window_bounds = array<i64: 2000, 256>}]} {
    %get3A = arith.constant 0 : index
    %get3A_0 = arith.constant 0 : index
    %get3A_1 = vector.load %arg1[%get3A, %get3A_0] : memref<2000x256xf32, #tpu.memory_space<vmem>>, vector<2000x256xf32>
    %swap3A = arith.constant 0 : index
    %swap3A_2 = arith.constant 0 : index
    %swap3A_3 = vector.load %arg2[%swap3A, %swap3A_2] : memref<2000x256xf32, #tpu.memory_space<vmem>>, vector<2000x256xf32>
    tpu.vector_store %arg2[%swap3A, %swap3A_2], %get3A_1 {strides = array<i32>} : memref<2000x256xf32, #tpu.memory_space<vmem>>, vector<2000x256xf32>,
    return
  }
  func.func @transform_0(%arg0: i32) -> (i32, i32) {
    %c0_i32 = arith.constant 0 : i32
    %c0_i32_0 = arith.constant 0 : i32
    return %arg0, %c0_i32 : i32, i32
  }
  func.func @transform_1(%arg0: i32) -> (i32, i32) {
    %c0_i32 = arith.constant 0 : i32
    %c0_i32_0 = arith.constant 0 : i32
    return %arg0, %c0_i32 : i32, i32
  }
}

</mosaic_0001>

<sc_bundles>
// kernel: kernel.5.cloned.1.call-start
scs
__scs_entry_jumppad:
0x0: {  	(pc) =	sbr.rel $0x88, $3  }
0x1: {  	(tag) =	ssettag $0x0;
	lr =	simm.s32 $0x1  }
0x2: {  	[smem:$0x3F9F] =	sst lr;
	_ =	strace $0xD0000000  }
0x3: {  	_ = 	snop  }
0x4: {  	_ = 	snop  }
0x5: {  	_ = 	snop  }
0x6: {  	_ = 	snop  }
0x7: {  	_ = 	snop  }
__scs_overlays_trampoline_lowered:
0x8: {  	[smem:$0x3FAE] =	sst s0  }
0x9: {  	[smem:$0x3FAF] =	sst s1  }
0xa: {  	[smem:$0x3FB0] =	sst s2  }
0xb: {  	[smem:$0x3FB1] =	sst s3  }
0xc: {  	[smem:$0x3FB2] =	sst s4  }
0xd: {  	[smem:$0x3FB3] =	sst s5  }
0xe: {  	[smem:$0x3FB4] =	sst s6  }
0xf: {  	[smem:$0x3FB5] =	sst s7  }
0x10: {  	[smem:$0x3FB6] =	sst s8  }
0x11: {  	[smem:$0x3FB7] =	sst s9;
	s0 =	simm.s32 @!p0 $0x0  }
0x12: {  	s1 =	sld [smem:$0x3F9D];
	s0 =	simm.s32 @p0 $0x1  }
0x13: {  	[smem:$0x3FB8] =	sst s0;
	s0 =	simm.s32 @!p1 $0x0  }
0x14: {  	s2 =	sld [smem:$0x3F9C];
	s0 =	simm.s32 @p1 $0x1  }
0x15: {  	[smem:$0x3FB9] =	sst s0;
	s0 =	simm.s32 @!p2 $0x0  }
0x16: {  	s3 =	sld [smem:$0x3FDB];
	s0 =	simm.s32 @p2 $0x1  }
0x17: {  	s4 =	simm.s32 $0x1BF5;
	[smem:$0x3FBB] =	sst s0  }
0x18: {  	s0 =	sld [smem:$0x3F9E];
	_ =	swait.ge [sflag:s4], $0x0  }
0x19: {  	s7 =	sld [smem:$0x3F9F]  }
0x1a: {  	s8 =	sadd.s32 $0xFFFFE003, lr  }
0x1b: {  	s9 =	sadd.s32 $0xFFFFFEF7, lr;
	s5 =	simm.s32 $0xFFFFFFFF;
	p2 =	slt.u32 s8, $0xFFFFF086  }
0x1c: {  	p1 =	slt.u32 s9, $0xF7A;
	s5 =	simm.s32 @!p2 $0x0  }
0x1d: {  	s5 =	simm.s32 @p1 $0x1;
	p0 =	seq.s32 s7, s2  }
0x1e: {  	s7 =	smul.u32 @!p0 $0xF7A, s2;
	p2 =	seq.s32 @!p0 s5, $0x0  }
0x1f: {  	s9 =	smul.u32 $0xF7A, s1;
	s8 =	simm.s32 @!p0 $0x1BF5;
	p2 =	por !p2, p0  }
0x20: {  	[sflag:s8] =	ssyncset.s32 @!p0 $0xFFFFF086;
	s6 =	sadd.s32 @!p0 s3, s7;
	s7 =	simm.s32 @!p0 $0x108  }
0x21: {  	s3 =	sadd.s32 s3, s9;
	s6 =	sadd.s32 @!p0 $0x88, s6;
	s7 =	simm.s32 @p2 $0x1082  }
0x22: {  	[simem:s7], [sflag:s8] =	dma.local @!p0 [hbm:s6], $0xF7A  }
0x23: {  	s9 =	sor.u32 $0xD0000000, s2;
	s6 =	simm.s32 $0x108;
	_ =	swait.ge @!p0 [sflag:s8], $0x0  }
0x24: {  	s3 =	sadd.s32 $0x88, s3;
	s6 =	simm.s32 @!p1 $0x1082;
	[sflag:s4] =	ssyncset.s32 $0xFFFFF086  }
0x25: {  	[simem:s6], [sflag:s4] =	dma.local [hbm:s3], $0xF7A  }
0x26: {  	[smem:$0x3F9F] =	sst s1;
	(tag) =	ssettag s2;
	_ =	strace s9  }
0x27: {  	s1 =	sld [smem:$0x3FAF]  }
0x28: {  	s2 =	sld [smem:$0x3FB0]  }
0x29: {  	s4 =	sld [smem:$0x3FB2]  }
0x2a: {  	p0 =	seq.s32 s5, $0x0;
	s5 =	sld [smem:$0x3FB3]  }
0x2b: {  	s6 =	sld [smem:$0x3FB4]  }
0x2c: {  	s7 =	sld [smem:$0x3FB5]  }
0x2d: {  	s3 =	simm.s32 $0x108;
	s8 =	sld [smem:$0x3FB6]  }
0x2e: {  	s3 =	simm.s32 @!p0 $0x1082;
	s9 =	sld [smem:$0x3FB7]  }
0x2f: {  	lr =	sadd.s32 s0, s3;
	s0 =	sld [smem:$0x3FAE]  }
0x30: {  	s3 =	sld [smem:$0x3FB1]  }
0x31: {  	[smem:$0x3FBA] =	sst s10  }
0x32: {  	s10 =	sld [smem:$0x3FB8];
	_ =	sdelay $0x3  }
0x33: {  	p0 =	seq.s32 s10, $0x1;
	s10 =	sld [smem:$0x3FBA];
	_ =	sdelay $0x3  }
0x34: {  	[smem:$0x3FBA] =	sst s10  }
0x35: {  	s10 =	sld [smem:$0x3FB9];
	_ =	sdelay $0x3  }
0x36: {  	p1 =	seq.s32 s10, $0x1;
	s10 =	sld [smem:$0x3FBA];
	_ =	sdelay $0x3  }
0x37: {  	[smem:$0x3FBA] =	sst s10  }
0x38: {  	s10 =	sld [smem:$0x3FBB]  }
0x39: {  	_ = 	snop;
	(pc) =	sbr.ind lr, $3  }
0x3a: {  	_ = 	snop  }
0x3b: {  	_ = 	snop  }
0x3c: {  	p2 =	seq.s32 s10, $0x1;
	s10 =	sld [smem:$0x3FBA]  }
0x3d: {  	_ =	shalt  }
0x3e: {  	_ =	shalt  }
0x3f: {  	_ =	shalt  }
0x40: {  	_ =	shalt  }
0x41: {  	_ =	shalt  }
0x42: {  	_ =	shalt  }
0x43: {  	_ =	shalt  }
0x44: {  	_ =	shalt  }
0x45: {  	_ =	shalt  }
0x46: {  	_ =	shalt  }
0x47: {  	_ =	shalt  }
0x48: {  	_ =	shalt  }
0x49: {  	_ =	shalt  }
0x4a: {  	_ =	shalt  }
0x4b: {  	_ =	shalt  }
0x4c: {  	_ =	shalt  }
0x4d: {  	_ =	shalt  }
0x4e: {  	_ =	shalt  }
0x4f: {  	_ =	shalt  }
0x50: {  	_ =	shalt  }
0x51: {  	_ =	shalt  }
0x52: {  	_ =	shalt  }
0x53: {  	_ =	shalt  }
0x54: {  	_ =	shalt  }
0x55: {  	_ =	shalt  }
0x56: {  	_ =	shalt  }
0x57: {  	_ =	shalt  }
0x58: {  	_ =	shalt  }
0x59: {  	_ =	shalt  }
0x5a: {  	_ =	shalt  }
0x5b: {  	_ =	shalt  }
0x5c: {  	_ =	shalt  }
0x5d: {  	_ =	shalt  }
0x5e: {  	_ =	shalt  }
0x5f: {  	_ =	shalt  }
0x60: {  	_ =	shalt  }
0x61: {  	_ =	shalt  }
0x62: {  	_ =	shalt  }
0x63: {  	_ =	shalt  }
0x64: {  	_ =	shalt  }
0x65: {  	_ =	shalt  }
0x66: {  	_ =	shalt  }
0x67: {  	_ =	shalt  }
0x68: {  	_ =	shalt  }
0x69: {  	_ =	shalt  }
0x6a: {  	_ =	shalt  }
0x6b: {  	_ =	shalt  }
0x6c: {  	_ =	shalt  }
0x6d: {  	_ =	shalt  }
0x6e: {  	_ =	shalt  }
0x6f: {  	_ =	shalt  }
0x70: {  	_ =	shalt  }
0x71: {  	_ =	shalt  }
0x72: {  	_ =	shalt  }
0x73: {  	_ =	shalt  }
0x74: {  	_ =	shalt  }
0x75: {  	_ =	shalt  }
0x76: {  	_ =	shalt  }
0x77: {  	_ =	shalt  }
0x78: {  	_ =	shalt  }
0x79: {  	_ =	shalt  }
0x7a: {  	_ =	shalt  }
0x7b: {  	_ =	shalt  }
0x7c: {  	_ =	shalt  }
0x7d: {  	_ =	shalt  }
0x7e: {  	_ =	shalt  }
0x7f: {  	_ =	shalt  }
0x80: {  	_ =	shalt  }
0x81: {  	_ =	shalt  }
0x82: {  	_ =	shalt  }
0x83: {  	_ =	shalt  }
0x84: {  	_ =	shalt  }
0x85: {  	_ =	shalt  }
0x86: {  	_ =	shalt  }
0x87: {  	_ =	shalt  }
.Lfunc_end0:
.L_simem_size_0:
called_computation.1_lowered:
.L_overlay_start_0:
0x88: {  	s2 =	sld [smem:$0x3FD9]  }
0x89: {  	s3 =	sld [smem:$0x3FFE];
	_ =	sdelay $0x1  }
0x8a: {  	s1 =	srdreg.scid  }
0x8b: {  	s0 =	sand.u32 $0x1, s1  }
0x8c: {  	s16 =	sshll.u32 s0, $0xA;
	s2 =	sadd.s32 s3, s2  }
0x8d: {  	s2 =	sadd.s32 s2, s16  }
0x8e: {  	[smem:$0x3FC6] =	sst s2  }
0x8f: {  	_ = 	snop  }
0x90: {  	(tm) =	ssettm $0x1  }
0x91: {  	s17 =	sld [smem:$0x3FFB];
	_ =	sdelay $0x3  }
0x92: {  	_ =	strace s17  }
0x93: {  	s2 =	sld [smem:$0x3FFC];
	_ =	sdelay $0x3  }
0x94: {  	_ =	strace s2  }
0x95: {  	s2 =	sld [smem:$0x3FFD];
	_ =	sdelay $0x3  }
0x96: {  	_ =	strace s2  }
0x97: {  	_ =	strace $0x8FFFFFFF  }
0x98: {  	s18 =	sld [smem:$0x3FDB];
	_ =	sdelay $0x1  }
0x99: {  	s19 =	simm.s32 $_scs_section_size  }
0x9a: {  	s4 =	simm.s32 $_size__tile_overlayer_lowered;
	s5 =	simm.s32 $_tile_overlayer_lowered  }
0x9b: {  	s22 =	simm.s32 $0x1BFF;
	s21 =	sshll.u32 s5, $0x1;
	s2 =	sadd.s32 s19, s18  }
0x9c: {  	s6 =	simm.s32 $0x0;
	s20 =	sshll.u32 s4, $0x1;
	s4 =	sadd.s32 s21, s2  }
0x9d: {  	[timem:s6], [sflag:s22] =	dma.local [hbm:s4], s20  }
0x9e: {  	_ =	swait.ge [sflag:s22], s20  }
0x9f: {  	s3 =	ssub.s32 $0x0, s20;
	[sflag:s22] =	ssyncset.done $0x0  }
0xa0: {  	[sflag:s22] =	ssyncadd.s32 s3;
	_ =	sdelay $0x1  }
0xa1: {  	s23 =	simm.s32 $0x1B8B  }
0xa2: {  	_ =	swait.ge [sflag:s23], $0x1  }
0xa3: {  	[sflag:s23] =	ssyncset.done $0x0  }
0xa4: {  	s25 =	simm.s32 $0x1B8E;
	s24 =	sld [smem:$0x3FFE];
	[sflag:s23] =	ssyncadd.s32 $0xFFFFFFFF  }
0xa5: {  	s26 =	simm.s32 $execute0_lowered;
	[smem:$0x3FD2] =	sst s25  }
0xa6: {  	s4 =	sshll.u32 s26, $0x1;
	_ =	strace $0x80000049;
	[dreg:$0x1] =	wrdreg $0xFFFFFFFF  }
0xa7: {  	s28 =	simm.s32 $_size_execute0_lowered;
	s2 =	sadd.s32 s2, s4;
	[dreg:$0x0] =	wrdreg $0x0  }
0xa8: {  	s4 =	sshll.u32 s28, $0x1;
	[dreg:$0x2] =	wrdreg s2  }
0xa9: {  	[dreg:$0x3] =	wrdreg s4  }
0xaa: {  	[dreg:$0x4] =	wrdreg $0xC0  }
0xab: {  	_ =	task [dreg:s6], $0x5FFFF  }
0xac: {  	[dreg:$0x1] =	wrdreg $0xFFFFFFFF  }
0xad: {  	[dreg:$0x0] =	wrdreg $0x60  }
0xae: {  	[dreg:$0x2] =	wrdreg s24  }
0xaf: {  	[dreg:$0x3] =	wrdreg $0x9  }
0xb0: {  	_ =	task.clear_ibuf [dreg:s6], $0x4FFFF;
	_ =	strace $0x90000049  }
0xb1: {  	s29 =	simm.s32 $0x9;
	_ =	strace $0x8000004B  }
0xb2: {  	_ =	swait.ge [sflag:s29], $0x1  }
0xb3: {  	[sflag:s29] =	ssyncadd.s32 $0xFFFFFFFF  }
0xb4: {  	_ =	strace $0x9000004B  }
0xb5: {  	_ =	sfence  }
0xb6: {  	s30 =	sld [smem:$0x0];
	_ =	sdelay $0x2  }
0xb7: {  	s31 =	sshll.u32 s1, $0xD;
	s1 =	sshrl.u32 s1, $0x2  }
0xb8: {  	s3 =	sand.u32 $0x4000, s31;
	s1 =	sadd.s32 s1, s30  }
0xb9: {  	s0 =	sor.u32 s3, s0;
	s1 =	sshll.u32 s1, $0x11  }
0xba: {  	s0 =	sor.u32 s1, s0  }
0xbb: {  	s0 =	sadd.s32 $0x8F2B, s0  }
0xbc: {  	[sflag:s0] =	ssyncadd.remote.s32 $0x1  }
0xbd: {  	_ =	sfence.sel $0xFFFF  }
0xbe: {  	[dreg:$0x0] =	wrdreg $0xFFFFFFFF;
	(pc) =	sbr.abs _section_cstart, $3  }
0xbf: {  	[dreg:$0x1] =	wrdreg $0xFFFFFFFF  }
0xc0: {  	_ =	task.clear_ibuf [dreg:s6], $0x2FFFF;
	_ =	strace $0x9FFFFFFF  }
0xc1: {  	(tm) =	ssettm $0x7FFFFFFF  }
tec
execute0_lowered:
.L_overlay_start_1:
0x0: {  	(tag) =	ssettag $0x1  }
0x1: {  	s0 =	rddreg [dreg:$0x0]  }
0x2: {  	s1 =	srdreg.scid;
	s10 =	stileid.u32;
	s2 =	simm.s32 $0x0  }
0x3: {  	s17 =	simm.s32 $0x50;
	s21 =	simm.s32 $0x2;
	s23 =	simm.s32 $0x3  }
0x4: {  	s28 =	simm.s32 $0x14140;
	s29 =	simm.s32 $0x6;
	s30 =	simm.s32 $0x16940  }
0x5: {  	s31 =	simm.s32 $0x9;
	s1 =	sand.u32 $0x1, s1;
	s3 =	sshll.u32 s10, $0x1  }
0x6: {  	[smem:$0x7FF] =	sst s2;
	s4 =	sadd.s32 $0xA00, s0;
	s5 =	sadd.s32 $0x187400, s0  }
0x7: {  	s16 =	sadd.s32 $0x197600, s0;
	p0 =	sgt.u32 s10, $0x1;
	s3 =	sor.u32 s1, s3  }
0x8: {  	_ =	strace $0x8000004A;
	s1 =	ssub.s32 $0x2, s1;
	s6 =	smul.u32 $0x50, s3  }
0x9: {  	s7 =	sshrl.u32 s1, $0x1;
	s8 =	smul.u32 $0xA, s3;
	s11 =	sor.u32 $0x80, s3  }
0xa: {  	s12 =	sor.u32 $0xA0, s3;
	s13 =	sor.u32 $0xC0, s3;
	s1 =	ssub.s32 s1, s7  }
0xb: {  	s9 =	sshrl.u32 s6, $0x3;
	s8 =	sadd.s32 s5, s8;
	s1 =	smax.u32 s1, $0x1  }
.Ltmp0:
0xc: {  	s24 =	sadd.s32 s5, s9;
	[dreg:$0x2] =	wrdreg s8;
	(pc) =	sbr.rel .LBB2_1-.Ltmp0, $4  }
0xd: {  	s14 =	sor.u32 $0xE0, s3;
	[dreg:$0x6] =	wrdreg s1;
	s25 =	sadd.s32 $0x140, s24  }
0xe: {  	s6 =	sadd.s32 $0x18D600, s0;
	s26 =	sadd.s32 $0x280, s24;
	[dreg:$0x3] =	wrdreg s25  }
0xf: {  	s0 =	simm.s32 $0xA;
	s7 =	sadd.s32 $0x3C0, s24;
	[dreg:$0x4] =	wrdreg s26  }
0x10: {  	s1 =	simm.s32 $0x0;
	[dreg:$0x5] =	wrdreg s7;
	s26 =	simm.s32 $0x5  }
.LBB2_15:
0x11: {  	s7 =	simm.s32 @!p0 $0x9  }
0x12: {  	_ =	swait.ge @!p0 [sflag:s7], $0x2800  }
0x13: {  	s1 =	sadd.s32 $0x1, s1;
	s8 =	rddreg [dreg:$0x6]  }
0x14: {  	p1 =	sne.s32 s1, s8  }
.Ltmp1:
0x15: {  	_ = 	snop;
	(pc) =	sbr.rel @!p1 .LBB2_16-.Ltmp1, $3  }
0x16: {  	_ =	sdelay $0x1  }
0x17: {  	[sflag:s7] =	ssyncset.done @!p0 $0x0  }
0x18: {  	[sflag:s7] =	ssyncadd.s32 @!p0 $0xFFFFD800  }
.LBB2_1:
0x19: {  	s7 =	rddreg [dreg:$0x2]  }
0x1a: {  	[tilespmem:s2], [sflag:$0x1] =	stream.linear.gather [hbm4b:s7+s2], $0x50, $0x38;
	[tilespmem:$0x19140] =	vst v63  }
0x1b: {  	s10 =	rddreg [dreg:$0x3]  }
0x1c: {  	[tilespmem:s17], [sflag:$0x2] =	stream.linear.gather [hbm4b:s10+s2], $0x50, $0x38;
	[tilespmem:$0x19140] =	vst v63  }
0x1d: {  	s15 =	rddreg [dreg:$0x4];
	s8 =	simm.s32 $0xA0;
	s18 =	simm.s32 $0x1  }
0x1e: {  	[tilespmem:s8], [sflag:$0x3] =	stream.linear.gather [hbm4b:s15+s2], $0x50, $0x38;
	[tilespmem:$0x19140] =	vst v63  }
0x1f: {  	_ =	swait.ge [sflag:s18], $0x50  }
0x20: {  	[sflag:s18] =	ssyncset.done $0x0  }
0x21: {  	s19 =	simm.s32 $0x140;
	[sflag:s18] =	ssyncadd.s32 $0xFFFFFFB0  }
0x22: {  	[tilespmem:s19], [sflag:$0x5] =	stream.indirect.gather [hbm4b:s4+s17], $0x100, s2, s17, $0xb8;
	[tilespmem:$0x19140] =	vst v63  }
0x23: {  	_ =	swait.ge [sflag:s21], $0x50  }
0x24: {  	[sflag:s21] =	ssyncset.done $0x0  }
0x25: {  	s20 =	simm.s32 $0x5140;
	[sflag:s21] =	ssyncadd.s32 $0xFFFFFFB0  }
0x26: {  	[tilespmem:s20], [sflag:$0x6] =	stream.indirect.gather [hbm4b:s4+s17], $0x100, s17, s17, $0xb8;
	[tilespmem:$0x19140] =	vst v63  }
0x27: {  	_ =	swait.ge [sflag:s23], $0x50  }
.Ltmp2:
0x28: {  	[sflag:s23] =	ssyncset.done $0x0;
	(pc) =	sbr.rel .LBB2_2-.Ltmp2, $4  }
0x29: {  	s22 =	simm.s32 $0xA140;
	[sflag:s23] =	ssyncadd.s32 $0xFFFFFFB0  }
0x2a: {  	[tilespmem:s22], [sflag:$0x7] =	stream.indirect.gather [hbm4b:s4+s17], $0x100, s8, s17, $0xb8;
	[tilespmem:$0x19140] =	vst v63  }
0x2b: {  	s25 =	simm.s32 $0xF0;
	s20 =	simm.s32 $0x0;
	s24 =	rddreg [dreg:$0x5]  }
0x2c: {  	[tilespmem:s25], [sflag:$0x4] =	stream.linear.gather [hbm4b:s24+s2], $0x50, $0x38;
	[tilespmem:$0x19140] =	vst v63  }
.LBB2_14:
0x2d: {  	s20 =	sadd.s32 $0x1, s20  }
0x2e: {  	p1 =	sne.s32 s20, $0x14  }
.Ltmp3:
0x2f: {  	_ = 	snop;
	(pc) =	sbr.rel @!p1 .LBB2_15-.Ltmp3, $1  }
0x30: {  	_ =	sdelay $0x3  }
.LBB2_2:
0x31: {  	s24 =	sshll.u32 s20, $0x7  }
0x32: {  	s7 =	sadd.s32 s11, s24  }
0x33: {  	_ =	swait.ge [sflag:s26], $0x5000;
	p2 =	sgt.u32 s7, $0x9C3  }
0x34: {  	s25 =	sor.u32 s3, s24;
	[sflag:s26] =	ssyncset.done $0x0;
	s7 =	smul.u32 @!p2 $0xA, s7  }
0x35: {  	[sflag:s26] =	ssyncadd.s32 $0xFFFFB000;
	s22 =	sor.u32 $0x60, s25  }
0x36: {  	s8 =	simm.s32 @!p2 $0x0;
	p1 =	sgt.u32 s22, $0x9C3;
	s7 =	sadd.s32 @!p2 s5, s7  }
0x37: {  	[tilespmem:s8], [sflag:$0x1] =	stream.linear.gather @!p2 [hbm4b:s7+s8], $0x50, $0x38;
	[tilespmem:$0x19140] =	vst v63  }
0x38: {  	s7 =	simm.s32 @!p1 $0x4  }
0x39: {  	_ =	swait.ge @!p1 [sflag:s7], $0x50  }
0x3a: {  	p4 =	seq.s32 s20, $0x0;
	s9 =	simm.s32 @!p1 $0xF140;
	[sflag:s7] =	ssyncset.done @!p1 $0x0  }
0x3b: {  	s8 =	simm.s32 @!p1 $0xF0;
	[sflag:s7] =	ssyncadd.s32 @!p1 $0xFFFFFFB0;
	s7 =	simm.s32 @!p1 $0x50  }
0x3c: {  	[tilespmem:s9], [sflag:$0x8] =	stream.indirect.gather @!p1 [hbm4b:s4+s7], $0x100, s8, s7, $0xb8;
	[tilespmem:$0x19140] =	vst v63  }
0x3d: {  	s7 =	simm.s32 @!p4 $0x9  }
0x3e: {  	_ =	swait.ge @!p4 [sflag:s7], $0x2800  }
0x3f: {  	[sflag:s7] =	ssyncset.done @!p4 $0x0  }
0x40: {  	s18 =	simm.s32 $0x240;
	[sflag:s7] =	ssyncadd.s32 @!p4 $0xFFFFD800  }
0x41: {  	v0 =	vld [tilespmem:s18+$0xFFFFFF00]  }
0x42: {  	v1 =	vld [tilespmem:s18+$0x0];
	_ =	sdelay $0x4  }
0x43: {  	v0 =	vadd.f32 v1, v0  }
0x44: {  	s7 =	simm.s32 $0x0  }
0x45: {  	s15 =	sand.u32 $0x3800, s7;
	s19 =	sand.u32 $0x380, s7;
	v0 =	vmul.f32 $5.000000000e-01, v0  }
0x46: {  	s8 =	sor.u32 s19, s15  }
0x47: {  	[tilespmem:s8+$0x14140] =	vst v0  }
0x48: {  	v0 =	vld [tilespmem:s18+$0xFFFFFF10]  }
0x49: {  	v1 =	vld [tilespmem:s18+$0x10];
	_ =	sdelay $0x4  }
0x4a: {  	v0 =	vadd.f32 v1, v0;
	_ =	sdelay $0x1  }
0x4b: {  	v0 =	vmul.f32 $5.000000000e-01, v0  }
0x4c: {  	s8 =	sadd.s32 $0x14140, s8  }
0x4d: {  	[tilespmem:s8+$0x10] =	vst v0  }
0x4e: {  	v0 =	vld [tilespmem:s18+$0xFFFFFF20]  }
0x4f: {  	v1 =	vld [tilespmem:s18+$0x20];
	_ =	sdelay $0x4  }
0x50: {  	v0 =	vadd.f32 v1, v0;
	_ =	sdelay $0x1  }
0x51: {  	v0 =	vmul.f32 $5.000000000e-01, v0;
	_ =	sdelay $0x1  }
0x52: {  	[tilespmem:s8+$0x20] =	vst v0  }
0x53: {  	v0 =	vld [tilespmem:s18+$0xFFFFFF30]  }
0x54: {  	v1 =	vld [tilespmem:s18+$0x30];
	_ =	sdelay $0x4  }
0x55: {  	v0 =	vadd.f32 v1, v0;
	_ =	sdelay $0x1  }
0x56: {  	v0 =	vmul.f32 $5.000000000e-01, v0;
	_ =	sdelay $0x1  }
0x57: {  	[tilespmem:s8+$0x30] =	vst v0  }
0x58: {  	v0 =	vld [tilespmem:s18+$0xFFFFFF40]  }
0x59: {  	v1 =	vld [tilespmem:s18+$0x40];
	_ =	sdelay $0x4  }
0x5a: {  	v0 =	vadd.f32 v1, v0;
	_ =	sdelay $0x1  }
0x5b: {  	v0 =	vmul.f32 $5.000000000e-01, v0;
	_ =	sdelay $0x1  }
0x5c: {  	[tilespmem:s8+$0x40] =	vst v0  }
0x5d: {  	v0 =	vld [tilespmem:s18+$0xFFFFFF50]  }
0x5e: {  	v1 =	vld [tilespmem:s18+$0x50];
	_ =	sdelay $0x4  }
0x5f: {  	v0 =	vadd.f32 v1, v0;
	_ =	sdelay $0x1  }
0x60: {  	v0 =	vmul.f32 $5.000000000e-01, v0;
	_ =	sdelay $0x1  }
0x61: {  	[tilespmem:s8+$0x50] =	vst v0  }
0x62: {  	v0 =	vld [tilespmem:s18+$0xFFFFFF60]  }
0x63: {  	v1 =	vld [tilespmem:s18+$0x60];
	_ =	sdelay $0x4  }
0x64: {  	v0 =	vadd.f32 v1, v0;
	_ =	sdelay $0x1  }
0x65: {  	v0 =	vmul.f32 $5.000000000e-01, v0;
	_ =	sdelay $0x1  }
0x66: {  	[tilespmem:s8+$0x60] =	vst v0  }
0x67: {  	v0 =	vld [tilespmem:s18+$0xFFFFFF70]  }
0x68: {  	v1 =	vld [tilespmem:s18+$0x70];
	_ =	sdelay $0x4  }
0x69: {  	v0 =	vadd.f32 v1, v0;
	_ =	sdelay $0x1  }
0x6a: {  	v0 =	vmul.f32 $5.000000000e-01, v0;
	_ =	sdelay $0x1  }
0x6b: {  	[tilespmem:s8+$0x70] =	vst v0  }
0x6c: {  	v0 =	vld [tilespmem:s18+$0xFFFFFF80]  }
0x6d: {  	v1 =	vld [tilespmem:s18+$0x80];
	_ =	sdelay $0x4  }
0x6e: {  	v0 =	vadd.f32 v1, v0;
	_ =	sdelay $0x1  }
0x6f: {  	v0 =	vmul.f32 $5.000000000e-01, v0;
	_ =	sdelay $0x1  }
0x70: {  	[tilespmem:s8+$0x400] =	vst v0  }
0x71: {  	v0 =	vld [tilespmem:s18+$0xFFFFFF90]  }
0x72: {  	v1 =	vld [tilespmem:s18+$0x90];
	_ =	sdelay $0x4  }
0x73: {  	v0 =	vadd.f32 v1, v0;
	_ =	sdelay $0x1  }
0x74: {  	v0 =	vmul.f32 $5.000000000e-01, v0;
	_ =	sdelay $0x1  }
0x75: {  	[tilespmem:s8+$0x410] =	vst v0  }
0x76: {  	v0 =	vld [tilespmem:s18+$0xFFFFFFA0]  }
0x77: {  	v1 =	vld [tilespmem:s18+$0xA0];
	_ =	sdelay $0x4  }
0x78: {  	v0 =	vadd.f32 v1, v0;
	_ =	sdelay $0x1  }
0x79: {  	v0 =	vmul.f32 $5.000000000e-01, v0;
	_ =	sdelay $0x1  }
0x7a: {  	[tilespmem:s8+$0x420] =	vst v0  }
0x7b: {  	v0 =	vld [tilespmem:s18+$0xFFFFFFB0]  }
0x7c: {  	v1 =	vld [tilespmem:s18+$0xB0];
	_ =	sdelay $0x4  }
0x7d: {  	v0 =	vadd.f32 v1, v0;
	_ =	sdelay $0x1  }
0x7e: {  	v0 =	vmul.f32 $5.000000000e-01, v0;
	_ =	sdelay $0x1  }
0x7f: {  	[tilespmem:s8+$0x430] =	vst v0  }
0x80: {  	v0 =	vld [tilespmem:s18+$0xFFFFFFC0]  }
0x81: {  	v1 =	vld [tilespmem:s18+$0xC0];
	_ =	sdelay $0x4  }
0x82: {  	v0 =	vadd.f32 v1, v0;
	_ =	sdelay $0x1  }
0x83: {  	v0 =	vmul.f32 $5.000000000e-01, v0;
	_ =	sdelay $0x1  }
0x84: {  	[tilespmem:s8+$0x440] =	vst v0  }
0x85: {  	v0 =	vld [tilespmem:s18+$0xFFFFFFD0]  }
0x86: {  	v1 =	vld [tilespmem:s18+$0xD0];
	_ =	sdelay $0x4  }
0x87: {  	v0 =	vadd.f32 v1, v0;
	_ =	sdelay $0x1  }
0x88: {  	v0 =	vmul.f32 $5.000000000e-01, v0;
	_ =	sdelay $0x1  }
0x89: {  	[tilespmem:s8+$0x450] =	vst v0  }
0x8a: {  	v0 =	vld [tilespmem:s18+$0xFFFFFFE0]  }
0x8b: {  	s10 =	simm.s32 $0x100;
	s9 =	simm.s32 $0x240;
	v1 =	vld [tilespmem:s18+$0xE0]  }
.LBB2_3:
0x8c: {  	_ =	sdelay $0x3  }
0x8d: {  	p3 =	sne.s32 s10, $0x2700;
	s7 =	sadd.s32 $0x80, s7;
	s18 =	sadd.s32 $0x200, s18;
	v0 =	vadd.f32 v1, v0  }
0x8e: {  	s15 =	smov.u32 s10;
	s10 =	sadd.s32 $0x100, s10  }
0x8f: {  	v0 =	vmul.f32 $5.000000000e-01, v0;
	_ =	sdelay $0x1  }
0x90: {  	[tilespmem:s8+$0x460] =	vst v0  }
0x91: {  	v0 =	vld [tilespmem:s9+$0xFFFFFFF0]  }
0x92: {  	v1 =	vld [tilespmem:s9+$0xF0];
	s9 =	smov.u32 s18;
	_ =	sdelay $0x4  }
0x93: {  	v0 =	vadd.f32 v1, v0;
	_ =	sdelay $0x1  }
0x94: {  	v0 =	vmul.f32 $5.000000000e-01, v0;
	_ =	sdelay $0x1  }
0x95: {  	[tilespmem:s8+$0x470] =	vst v0  }
0x96: {  	v0 =	vld [tilespmem:s18+$0xFFFFFF00]  }
0x97: {  	v1 =	vld [tilespmem:s18+$0x0];
	_ =	sdelay $0x4  }
0x98: {  	v0 =	vadd.f32 v1, v0;
	_ =	sdelay $0x1  }
0x99: {  	s8 =	sand.u32 $0x3800, s15;
	s15 =	sand.u32 $0x380, s7;
	v0 =	vmul.f32 $5.000000000e-01, v0  }
0x9a: {  	s8 =	sor.u32 s15, s8  }
0x9b: {  	[tilespmem:s8+$0x14140] =	vst v0  }
0x9c: {  	v0 =	vld [tilespmem:s18+$0xFFFFFF10]  }
0x9d: {  	v1 =	vld [tilespmem:s18+$0x10];
	_ =	sdelay $0x4  }
0x9e: {  	v0 =	vadd.f32 v1, v0;
	_ =	sdelay $0x1  }
0x9f: {  	s8 =	sadd.s32 $0x14140, s8;
	v0 =	vmul.f32 $5.000000000e-01, v0;
	_ =	sdelay $0x1  }
0xa0: {  	[tilespmem:s8+$0x10] =	vst v0  }
0xa1: {  	v0 =	vld [tilespmem:s18+$0xFFFFFF20]  }
0xa2: {  	v1 =	vld [tilespmem:s18+$0x20];
	_ =	sdelay $0x4  }
0xa3: {  	v0 =	vadd.f32 v1, v0;
	_ =	sdelay $0x1  }
0xa4: {  	v0 =	vmul.f32 $5.000000000e-01, v0;
	_ =	sdelay $0x1  }
0xa5: {  	[tilespmem:s8+$0x20] =	vst v0  }
0xa6: {  	v0 =	vld [tilespmem:s18+$0xFFFFFF30]  }
0xa7: {  	v1 =	vld [tilespmem:s18+$0x30];
	_ =	sdelay $0x4  }
0xa8: {  	v0 =	vadd.f32 v1, v0;
	_ =	sdelay $0x1  }
0xa9: {  	v0 =	vmul.f32 $5.000000000e-01, v0;
	_ =	sdelay $0x1  }
0xaa: {  	[tilespmem:s8+$0x30] =	vst v0  }
0xab: {  	v0 =	vld [tilespmem:s18+$0xFFFFFF40]  }
0xac: {  	v1 =	vld [tilespmem:s18+$0x40];
	_ =	sdelay $0x4  }
0xad: {  	v0 =	vadd.f32 v1, v0;
	_ =	sdelay $0x1  }
0xae: {  	v0 =	vmul.f32 $5.000000000e-01, v0;
	_ =	sdelay $0x1  }
0xaf: {  	[tilespmem:s8+$0x40] =	vst v0  }
0xb0: {  	v0 =	vld [tilespmem:s18+$0xFFFFFF50]  }
0xb1: {  	v1 =	vld [tilespmem:s18+$0x50];
	_ =	sdelay $0x4  }
0xb2: {  	v0 =	vadd.f32 v1, v0;
	_ =	sdelay $0x1  }
0xb3: {  	v0 =	vmul.f32 $5.000000000e-01, v0;
	_ =	sdelay $0x1  }
0xb4: {  	[tilespmem:s8+$0x50] =	vst v0  }
0xb5: {  	v0 =	vld [tilespmem:s18+$0xFFFFFF60]  }
0xb6: {  	v1 =	vld [tilespmem:s18+$0x60];
	_ =	sdelay $0x4  }
0xb7: {  	v0 =	vadd.f32 v1, v0;
	_ =	sdelay $0x1  }
0xb8: {  	v0 =	vmul.f32 $5.000000000e-01, v0;
	_ =	sdelay $0x1  }
0xb9: {  	[tilespmem:s8+$0x60] =	vst v0  }
0xba: {  	v0 =	vld [tilespmem:s18+$0xFFFFFF70]  }
0xbb: {  	v1 =	vld [tilespmem:s18+$0x70];
	_ =	sdelay $0x4  }
0xbc: {  	v0 =	vadd.f32 v1, v0;
	_ =	sdelay $0x1  }
0xbd: {  	v0 =	vmul.f32 $5.000000000e-01, v0;
	_ =	sdelay $0x1  }
0xbe: {  	[tilespmem:s8+$0x70] =	vst v0  }
0xbf: {  	v0 =	vld [tilespmem:s18+$0xFFFFFF80]  }
0xc0: {  	v1 =	vld [tilespmem:s18+$0x80];
	_ =	sdelay $0x4  }
0xc1: {  	v0 =	vadd.f32 v1, v0;
	_ =	sdelay $0x1  }
0xc2: {  	v0 =	vmul.f32 $5.000000000e-01, v0;
	_ =	sdelay $0x1  }
0xc3: {  	[tilespmem:s8+$0x400] =	vst v0  }
0xc4: {  	v0 =	vld [tilespmem:s18+$0xFFFFFF90]  }
0xc5: {  	v1 =	vld [tilespmem:s18+$0x90];
	_ =	sdelay $0x4  }
0xc6: {  	v0 =	vadd.f32 v1, v0;
	_ =	sdelay $0x1  }
0xc7: {  	v0 =	vmul.f32 $5.000000000e-01, v0;
	_ =	sdelay $0x1  }
0xc8: {  	[tilespmem:s8+$0x410] =	vst v0  }
0xc9: {  	v0 =	vld [tilespmem:s18+$0xFFFFFFA0]  }
0xca: {  	v1 =	vld [tilespmem:s18+$0xA0];
	_ =	sdelay $0x4  }
0xcb: {  	v0 =	vadd.f32 v1, v0;
	_ =	sdelay $0x1  }
0xcc: {  	v0 =	vmul.f32 $5.000000000e-01, v0;
	_ =	sdelay $0x1  }
0xcd: {  	[tilespmem:s8+$0x420] =	vst v0  }
0xce: {  	v0 =	vld [tilespmem:s18+$0xFFFFFFB0]  }
0xcf: {  	v1 =	vld [tilespmem:s18+$0xB0];
	_ =	sdelay $0x4  }
0xd0: {  	v0 =	vadd.f32 v1, v0;
	_ =	sdelay $0x1  }
0xd1: {  	v0 =	vmul.f32 $5.000000000e-01, v0;
	_ =	sdelay $0x1  }
0xd2: {  	[tilespmem:s8+$0x430] =	vst v0  }
0xd3: {  	v0 =	vld [tilespmem:s18+$0xFFFFFFC0]  }
0xd4: {  	v1 =	vld [tilespmem:s18+$0xC0];
	_ =	sdelay $0x4  }
0xd5: {  	v0 =	vadd.f32 v1, v0;
	_ =	sdelay $0x1  }
0xd6: {  	v0 =	vmul.f32 $5.000000000e-01, v0;
	_ =	sdelay $0x1  }
0xd7: {  	[tilespmem:s8+$0x440] =	vst v0  }
0xd8: {  	v0 =	vld [tilespmem:s18+$0xFFFFFFD0]  }
0xd9: {  	v1 =	vld [tilespmem:s18+$0xD0];
	_ =	sdelay $0x4  }
0xda: {  	v0 =	vadd.f32 v1, v0;
	_ =	sdelay $0x1  }
.Ltmp4:
0xdb: {  	v0 =	vmul.f32 $5.000000000e-01, v0;
	(pc) =	sbr.rel @p3 .LBB2_3-.Ltmp4, $4  }
0xdc: {  	_ = 	snop  }
0xdd: {  	[tilespmem:s8+$0x450] =	vst v0  }
0xde: {  	v0 =	vld [tilespmem:s18+$0xFFFFFFE0]  }
0xdf: {  	v1 =	vld [tilespmem:s18+$0xE0]  }
0xe0: {  	_ =	sdelay $0x3  }
0xe1: {  	v0 =	vadd.f32 v1, v0;
	_ =	sdelay $0x1  }
0xe2: {  	v0 =	vmul.f32 $5.000000000e-01, v0;
	_ =	sdelay $0x1  }
0xe3: {  	[tilespmem:s8+$0x460] =	vst v0  }
0xe4: {  	v0 =	vld [tilespmem:s9+$0xFFFFFFF0]  }
0xe5: {  	v1 =	vld [tilespmem:s9+$0xF0];
	_ =	sdelay $0x4  }
0xe6: {  	v0 =	vadd.f32 v1, v0;
	_ =	sdelay $0x1  }
0xe7: {  	s18 =	smul.u32 $0x500, s25;
	v0 =	vmul.f32 $5.000000000e-01, v0;
	_ =	sdelay $0x1  }
0xe8: {  	s7 =	sadd.s32 s6, s18;
	[tilespmem:s8+$0x470] =	vst v0  }
0xe9: {  	[hbm4b:s7+s2] =	stream.linear.scatter [tilespmem:s28], [sflag:$0x9], $0x2800, $0x38;
	[tilespmem:$0x19140] =	vst v63  }
0xea: {  	s7 =	sadd.s32 s12, s24  }
0xeb: {  	p3 =	sgt.u32 s7, $0x9C3  }
0xec: {  	_ =	swait.ge [sflag:s29], $0x5000;
	s7 =	smul.u32 @!p3 $0xA, s7  }
0xed: {  	[sflag:s29] =	ssyncset.done $0x0;
	s8 =	simm.s32 @!p3 $0x0  }
0xee: {  	s9 =	simm.s32 @!p3 $0x50;
	[sflag:s29] =	ssyncadd.s32 $0xFFFFB000;
	s7 =	sadd.s32 @!p3 s5, s7  }
0xef: {  	[tilespmem:s9], [sflag:$0x2] =	stream.linear.gather @!p3 [hbm4b:s7+s8], $0x50, $0x38;
	[tilespmem:$0x19140] =	vst v63  }
0xf0: {  	s7 =	simm.s32 @!p2 $0x1  }
0xf1: {  	_ =	swait.ge @!p2 [sflag:s7], $0x50  }
0xf2: {  	s8 =	simm.s32 @!p2 $0x0;
	[sflag:s7] =	ssyncset.done @!p2 $0x0  }
0xf3: {  	s9 =	simm.s32 @!p2 $0x140;
	[sflag:s7] =	ssyncadd.s32 @!p2 $0xFFFFFFB0;
	s7 =	simm.s32 @!p2 $0x50  }
0xf4: {  	[tilespmem:s9], [sflag:$0x5] =	stream.indirect.gather @!p2 [hbm4b:s4+s7], $0x100, s8, s7, $0xb8;
	[tilespmem:$0x19140] =	vst v63  }
0xf5: {  	s7 =	simm.s32 @!p4 $0xA  }
0xf6: {  	_ =	swait.ge @!p4 [sflag:s7], $0x2800  }
0xf7: {  	[sflag:s7] =	ssyncset.done @!p4 $0x0  }
0xf8: {  	[sflag:s7] =	ssyncadd.s32 @!p4 $0xFFFFD800;
	s7 =	simm.s32 $0x5240  }
0xf9: {  	v0 =	vld [tilespmem:s7+$0xFFFFFF00]  }
0xfa: {  	v1 =	vld [tilespmem:s7+$0x0];
	_ =	sdelay $0x4  }
0xfb: {  	v0 =	vadd.f32 v1, v0  }
0xfc: {  	s8 =	simm.s32 $0x0  }
0xfd: {  	s19 =	sand.u32 $0x3800, s8;
	s10 =	sand.u32 $0x380, s8;
	v0 =	vmul.f32 $5.000000000e-01, v0  }
0xfe: {  	s9 =	sor.u32 s10, s19  }
0xff: {  	[tilespmem:s9+$0x16940] =	vst v0  }
0x100: {  	v0 =	vld [tilespmem:s7+$0xFFFFFF10]  }
0x101: {  	v1 =	vld [tilespmem:s7+$0x10];
	_ =	sdelay $0x4  }
0x102: {  	v0 =	vadd.f32 v1, v0;
	_ =	sdelay $0x1  }
0x103: {  	v0 =	vmul.f32 $5.000000000e-01, v0  }
0x104: {  	s9 =	sadd.s32 $0x16940, s9  }
0x105: {  	[tilespmem:s9+$0x10] =	vst v0  }
0x106: {  	v0 =	vld [tilespmem:s7+$0xFFFFFF20]  }
0x107: {  	v1 =	vld [tilespmem:s7+$0x20];
	_ =	sdelay $0x4  }
0x108: {  	v0 =	vadd.f32 v1, v0;
	_ =	sdelay $0x1  }
0x109: {  	v0 =	vmul.f32 $5.000000000e-01, v0;
	_ =	sdelay $0x1  }
0x10a: {  	[tilespmem:s9+$0x20] =	vst v0  }
0x10b: {  	v0 =	vld [tilespmem:s7+$0xFFFFFF30]  }
0x10c: {  	v1 =	vld [tilespmem:s7+$0x30];
	_ =	sdelay $0x4  }
0x10d: {  	v0 =	vadd.f32 v1, v0;
	_ =	sdelay $0x1  }
0x10e: {  	v0 =	vmul.f32 $5.000000000e-01, v0;
	_ =	sdelay $0x1  }
0x10f: {  	[tilespmem:s9+$0x30] =	vst v0  }
0x110: {  	v0 =	vld [tilespmem:s7+$0xFFFFFF40]  }
0x111: {  	v1 =	vld [tilespmem:s7+$0x40];
	_ =	sdelay $0x4  }
0x112: {  	v0 =	vadd.f32 v1, v0;
	_ =	sdelay $0x1  }
0x113: {  	v0 =	vmul.f32 $5.000000000e-01, v0;
	_ =	sdelay $0x1  }
0x114: {  	[tilespmem:s9+$0x40] =	vst v0  }
0x115: {  	v0 =	vld [tilespmem:s7+$0xFFFFFF50]  }
0x116: {  	v1 =	vld [tilespmem:s7+$0x50];
	_ =	sdelay $0x4  }
0x117: {  	v0 =	vadd.f32 v1, v0;
	_ =	sdelay $0x1  }
0x118: {  	v0 =	vmul.f32 $5.000000000e-01, v0;
	_ =	sdelay $0x1  }
0x119: {  	[tilespmem:s9+$0x50] =	vst v0  }
0x11a: {  	v0 =	vld [tilespmem:s7+$0xFFFFFF60]  }
0x11b: {  	v1 =	vld [tilespmem:s7+$0x60];
	_ =	sdelay $0x4  }
0x11c: {  	v0 =	vadd.f32 v1, v0;
	_ =	sdelay $0x1  }
0x11d: {  	v0 =	vmul.f32 $5.000000000e-01, v0;
	_ =	sdelay $0x1  }
0x11e: {  	[tilespmem:s9+$0x60] =	vst v0  }
0x11f: {  	v0 =	vld [tilespmem:s7+$0xFFFFFF70]  }
0x120: {  	v1 =	vld [tilespmem:s7+$0x70];
	_ =	sdelay $0x4  }
0x121: {  	v0 =	vadd.f32 v1, v0;
	_ =	sdelay $0x1  }
0x122: {  	v0 =	vmul.f32 $5.000000000e-01, v0;
	_ =	sdelay $0x1  }
0x123: {  	[tilespmem:s9+$0x70] =	vst v0  }
0x124: {  	v0 =	vld [tilespmem:s7+$0xFFFFFF80]  }
0x125: {  	v1 =	vld [tilespmem:s7+$0x80];
	_ =	sdelay $0x4  }
0x126: {  	v0 =	vadd.f32 v1, v0;
	_ =	sdelay $0x1  }
0x127: {  	v0 =	vmul.f32 $5.000000000e-01, v0;
	_ =	sdelay $0x1  }
0x128: {  	[tilespmem:s9+$0x400] =	vst v0  }
0x129: {  	v0 =	vld [tilespmem:s7+$0xFFFFFF90]  }
0x12a: {  	v1 =	vld [tilespmem:s7+$0x90];
	_ =	sdelay $0x4  }
0x12b: {  	v0 =	vadd.f32 v1, v0;
	_ =	sdelay $0x1  }
0x12c: {  	v0 =	vmul.f32 $5.000000000e-01, v0;
	_ =	sdelay $0x1  }
0x12d: {  	[tilespmem:s9+$0x410] =	vst v0  }
0x12e: {  	v0 =	vld [tilespmem:s7+$0xFFFFFFA0]  }
0x12f: {  	v1 =	vld [tilespmem:s7+$0xA0];
	_ =	sdelay $0x4  }
0x130: {  	v0 =	vadd.f32 v1, v0;
	_ =	sdelay $0x1  }
0x131: {  	v0 =	vmul.f32 $5.000000000e-01, v0;
	_ =	sdelay $0x1  }
0x132: {  	[tilespmem:s9+$0x420] =	vst v0  }
0x133: {  	v0 =	vld [tilespmem:s7+$0xFFFFFFB0]  }
0x134: {  	v1 =	vld [tilespmem:s7+$0xB0];
	_ =	sdelay $0x4  }
0x135: {  	v0 =	vadd.f32 v1, v0;
	_ =	sdelay $0x1  }
0x136: {  	v0 =	vmul.f32 $5.000000000e-01, v0;
	_ =	sdelay $0x1  }
0x137: {  	[tilespmem:s9+$0x430] =	vst v0  }
0x138: {  	v0 =	vld [tilespmem:s7+$0xFFFFFFC0]  }
0x139: {  	v1 =	vld [tilespmem:s7+$0xC0];
	_ =	sdelay $0x4  }
0x13a: {  	v0 =	vadd.f32 v1, v0;
	_ =	sdelay $0x1  }
0x13b: {  	v0 =	vmul.f32 $5.000000000e-01, v0;
	_ =	sdelay $0x1  }
0x13c: {  	[tilespmem:s9+$0x440] =	vst v0  }
0x13d: {  	v0 =	vld [tilespmem:s7+$0xFFFFFFD0]  }
0x13e: {  	v1 =	vld [tilespmem:s7+$0xD0];
	_ =	sdelay $0x4  }
0x13f: {  	v0 =	vadd.f32 v1, v0;
	_ =	sdelay $0x1  }
0x140: {  	v0 =	vmul.f32 $5.000000000e-01, v0;
	_ =	sdelay $0x1  }
0x141: {  	[tilespmem:s9+$0x450] =	vst v0  }
0x142: {  	v0 =	vld [tilespmem:s7+$0xFFFFFFE0]  }
0x143: {  	s15 =	simm.s32 $0x100;
	s10 =	simm.s32 $0x5240;
	v1 =	vld [tilespmem:s7+$0xE0]  }
.LBB2_5:
0x144: {  	_ =	sdelay $0x3  }
0x145: {  	p2 =	sne.s32 s15, $0x2700;
	s8 =	sadd.s32 $0x80, s8;
	s7 =	sadd.s32 $0x200, s7;
	v0 =	vadd.f32 v1, v0  }
0x146: {  	s19 =	smov.u32 s15;
	s15 =	sadd.s32 $0x100, s15  }
0x147: {  	v0 =	vmul.f32 $5.000000000e-01, v0;
	_ =	sdelay $0x1  }
0x148: {  	[tilespmem:s9+$0x460] =	vst v0  }
0x149: {  	v0 =	vld [tilespmem:s10+$0xFFFFFFF0]  }
0x14a: {  	v1 =	vld [tilespmem:s10+$0xF0];
	s10 =	smov.u32 s7;
	_ =	sdelay $0x4  }
0x14b: {  	v0 =	vadd.f32 v1, v0;
	_ =	sdelay $0x1  }
0x14c: {  	v0 =	vmul.f32 $5.000000000e-01, v0;
	_ =	sdelay $0x1  }
0x14d: {  	[tilespmem:s9+$0x470] =	vst v0  }
0x14e: {  	v0 =	vld [tilespmem:s7+$0xFFFFFF00]  }
0x14f: {  	v1 =	vld [tilespmem:s7+$0x0];
	_ =	sdelay $0x4  }
0x150: {  	v0 =	vadd.f32 v1, v0;
	_ =	sdelay $0x1  }
0x151: {  	s9 =	sand.u32 $0x3800, s19;
	s19 =	sand.u32 $0x380, s8;
	v0 =	vmul.f32 $5.000000000e-01, v0  }
0x152: {  	s9 =	sor.u32 s19, s9  }
0x153: {  	[tilespmem:s9+$0x16940] =	vst v0  }
0x154: {  	v0 =	vld [tilespmem:s7+$0xFFFFFF10]  }
0x155: {  	v1 =	vld [tilespmem:s7+$0x10];
	_ =	sdelay $0x4  }
0x156: {  	v0 =	vadd.f32 v1, v0;
	_ =	sdelay $0x1  }
0x157: {  	s9 =	sadd.s32 $0x16940, s9;
	v0 =	vmul.f32 $5.000000000e-01, v0;
	_ =	sdelay $0x1  }
0x158: {  	[tilespmem:s9+$0x10] =	vst v0  }
0x159: {  	v0 =	vld [tilespmem:s7+$0xFFFFFF20]  }
0x15a: {  	v1 =	vld [tilespmem:s7+$0x20];
	_ =	sdelay $0x4  }
0x15b: {  	v0 =	vadd.f32 v1, v0;
	_ =	sdelay $0x1  }
0x15c: {  	v0 =	vmul.f32 $5.000000000e-01, v0;
	_ =	sdelay $0x1  }
0x15d: {  	[tilespmem:s9+$0x20] =	vst v0  }
0x15e: {  	v0 =	vld [tilespmem:s7+$0xFFFFFF30]  }
0x15f: {  	v1 =	vld [tilespmem:s7+$0x30];
	_ =	sdelay $0x4  }
0x160: {  	v0 =	vadd.f32 v1, v0;
	_ =	sdelay $0x1  }
0x161: {  	v0 =	vmul.f32 $5.000000000e-01, v0;
	_ =	sdelay $0x1  }
0x162: {  	[tilespmem:s9+$0x30] =	vst v0  }
0x163: {  	v0 =	vld [tilespmem:s7+$0xFFFFFF40]  }
0x164: {  	v1 =	vld [tilespmem:s7+$0x40];
	_ =	sdelay $0x4  }
0x165: {  	v0 =	vadd.f32 v1, v0;
	_ =	sdelay $0x1  }
0x166: {  	v0 =	vmul.f32 $5.000000000e-01, v0;
	_ =	sdelay $0x1  }
0x167: {  	[tilespmem:s9+$0x40] =	vst v0  }
0x168: {  	v0 =	vld [tilespmem:s7+$0xFFFFFF50]  }
0x169: {  	v1 =	vld [tilespmem:s7+$0x50];
	_ =	sdelay $0x4  }
0x16a: {  	v0 =	vadd.f32 v1, v0;
	_ =	sdelay $0x1  }
0x16b: {  	v0 =	vmul.f32 $5.000000000e-01, v0;
	_ =	sdelay $0x1  }
0x16c: {  	[tilespmem:s9+$0x50] =	vst v0  }
0x16d: {  	v0 =	vld [tilespmem:s7+$0xFFFFFF60]  }
0x16e: {  	v1 =	vld [tilespmem:s7+$0x60];
	_ =	sdelay $0x4  }
0x16f: {  	v0 =	vadd.f32 v1, v0;
	_ =	sdelay $0x1  }
0x170: {  	v0 =	vmul.f32 $5.000000000e-01, v0;
	_ =	sdelay $0x1  }
0x171: {  	[tilespmem:s9+$0x60] =	vst v0  }
0x172: {  	v0 =	vld [tilespmem:s7+$0xFFFFFF70]  }
0x173: {  	v1 =	vld [tilespmem:s7+$0x70];
	_ =	sdelay $0x4  }
0x174: {  	v0 =	vadd.f32 v1, v0;
	_ =	sdelay $0x1  }
0x175: {  	v0 =	vmul.f32 $5.000000000e-01, v0;
	_ =	sdelay $0x1  }
0x176: {  	[tilespmem:s9+$0x70] =	vst v0  }
0x177: {  	v0 =	vld [tilespmem:s7+$0xFFFFFF80]  }
0x178: {  	v1 =	vld [tilespmem:s7+$0x80];
	_ =	sdelay $0x4  }
0x179: {  	v0 =	vadd.f32 v1, v0;
	_ =	sdelay $0x1  }
0x17a: {  	v0 =	vmul.f32 $5.000000000e-01, v0;
	_ =	sdelay $0x1  }
0x17b: {  	[tilespmem:s9+$0x400] =	vst v0  }
0x17c: {  	v0 =	vld [tilespmem:s7+$0xFFFFFF90]  }
0x17d: {  	v1 =	vld [tilespmem:s7+$0x90];
	_ =	sdelay $0x4  }
0x17e: {  	v0 =	vadd.f32 v1, v0;
	_ =	sdelay $0x1  }
0x17f: {  	v0 =	vmul.f32 $5.000000000e-01, v0;
	_ =	sdelay $0x1  }
0x180: {  	[tilespmem:s9+$0x410] =	vst v0  }
0x181: {  	v0 =	vld [tilespmem:s7+$0xFFFFFFA0]  }
0x182: {  	v1 =	vld [tilespmem:s7+$0xA0];
	_ =	sdelay $0x4  }
0x183: {  	v0 =	vadd.f32 v1, v0;
	_ =	sdelay $0x1  }
0x184: {  	v0 =	vmul.f32 $5.000000000e-01, v0;
	_ =	sdelay $0x1  }
0x185: {  	[tilespmem:s9+$0x420] =	vst v0  }
0x186: {  	v0 =	vld [tilespmem:s7+$0xFFFFFFB0]  }
0x187: {  	v1 =	vld [tilespmem:s7+$0xB0];
	_ =	sdelay $0x4  }
0x188: {  	v0 =	vadd.f32 v1, v0;
	_ =	sdelay $0x1  }
0x189: {  	v0 =	vmul.f32 $5.000000000e-01, v0;
	_ =	sdelay $0x1  }
0x18a: {  	[tilespmem:s9+$0x430] =	vst v0  }
0x18b: {  	v0 =	vld [tilespmem:s7+$0xFFFFFFC0]  }
0x18c: {  	v1 =	vld [tilespmem:s7+$0xC0];
	_ =	sdelay $0x4  }
0x18d: {  	v0 =	vadd.f32 v1, v0;
	_ =	sdelay $0x1  }
0x18e: {  	v0 =	vmul.f32 $5.000000000e-01, v0;
	_ =	sdelay $0x1  }
0x18f: {  	[tilespmem:s9+$0x440] =	vst v0  }
0x190: {  	v0 =	vld [tilespmem:s7+$0xFFFFFFD0]  }
0x191: {  	v1 =	vld [tilespmem:s7+$0xD0];
	_ =	sdelay $0x4  }
0x192: {  	v0 =	vadd.f32 v1, v0;
	_ =	sdelay $0x1  }
.Ltmp5:
0x193: {  	v0 =	vmul.f32 $5.000000000e-01, v0;
	(pc) =	sbr.rel @p2 .LBB2_5-.Ltmp5, $4  }
0x194: {  	_ = 	snop  }
0x195: {  	[tilespmem:s9+$0x450] =	vst v0  }
0x196: {  	v0 =	vld [tilespmem:s7+$0xFFFFFFE0]  }
0x197: {  	v1 =	vld [tilespmem:s7+$0xE0]  }
0x198: {  	_ =	sdelay $0x3  }
0x199: {  	v0 =	vadd.f32 v1, v0;
	_ =	sdelay $0x1  }
0x19a: {  	v0 =	vmul.f32 $5.000000000e-01, v0;
	_ =	sdelay $0x1  }
0x19b: {  	[tilespmem:s9+$0x460] =	vst v0  }
0x19c: {  	v0 =	vld [tilespmem:s10+$0xFFFFFFF0]  }
0x19d: {  	v63 =	vld [tilespmem:s10+$0xF0];
	_ =	sdelay $0x4  }
0x19e: {  	v0 =	vadd.f32 v63, v0;
	_ =	sdelay $0x1  }
0x19f: {  	v0 =	vmul.f32 $5.000000000e-01, v0  }
0x1a0: {  	s7 =	sadd.s32 s16, s18;
	s18 =	sor.u32 $0x40, s25  }
0x1a1: {  	s8 =	sadd.s32 s13, s24;
	p4 =	sgt.u32 s18, $0x9C3;
	[tilespmem:s9+$0x470] =	vst v0  }
0x1a2: {  	[hbm4b:s7+s2] =	stream.linear.scatter [tilespmem:s30], [sflag:$0xA], $0x2800, $0x38;
	[tilespmem:$0x19140] =	vst v63  }
0x1a3: {  	p2 =	sgt.u32 s8, $0x9C3;
	s7 =	simm.s32 @!p4 $0x7  }
0x1a4: {  	s8 =	smul.u32 @!p2 $0xA, s8;
	_ =	swait.ge @!p4 [sflag:s7], $0x5000  }
0x1a5: {  	s25 =	simm.s32 @!p2 $0xA0;
	[sflag:s7] =	ssyncset.done @!p4 $0x0  }
0x1a6: {  	[sflag:s7] =	ssyncadd.s32 @!p4 $0xFFFFB000;
	s7 =	sadd.s32 @!p2 s5, s8;
	s8 =	simm.s32 @!p2 $0x0  }
0x1a7: {  	[tilespmem:s25], [sflag:$0x3] =	stream.linear.gather @!p2 [hbm4b:s7+s8], $0x50, $0x38;
	[tilespmem:$0x19140] =	vst v63  }
0x1a8: {  	s7 =	simm.s32 @!p3 $0x2  }
0x1a9: {  	_ =	swait.ge @!p3 [sflag:s7], $0x50  }
0x1aa: {  	s8 =	simm.s32 @!p3 $0x5140;
	[sflag:s7] =	ssyncset.done @!p3 $0x0  }
.Ltmp6:
0x1ab: {  	[sflag:s7] =	ssyncadd.s32 @!p3 $0xFFFFFFB0;
	s7 =	simm.s32 @!p3 $0x50;
	(pc) =	sbr.rel @p4 .LBB2_10-.Ltmp6, $4  }
0x1ac: {  	[tilespmem:s8], [sflag:$0x6] =	stream.indirect.gather @!p3 [hbm4b:s4+s7], $0x100, s7, s7, $0xb8;
	[tilespmem:$0x19140] =	vst v63  }
0x1ad: {  	_ =	swait.ge [sflag:s31], $0x2800  }
0x1ae: {  	[sflag:s31] =	ssyncset.done $0x0  }
0x1af: {  	[sflag:s31] =	ssyncadd.s32 $0xFFFFD800  }
0x1b0: {  	s7 =	simm.s32 $0xA240  }
0x1b1: {  	v0 =	vld [tilespmem:s7+$0xFFFFFF00]  }
0x1b2: {  	v1 =	vld [tilespmem:s7+$0x0];
	_ =	sdelay $0x4  }
0x1b3: {  	v0 =	vadd.f32 v1, v0  }
0x1b4: {  	s8 =	simm.s32 $0x0  }
0x1b5: {  	s9 =	sand.u32 $0x3800, s8;
	s10 =	sand.u32 $0x380, s8;
	v0 =	vmul.f32 $5.000000000e-01, v0  }
0x1b6: {  	s9 =	sor.u32 s10, s9  }
0x1b7: {  	[tilespmem:s9+$0x14140] =	vst v0  }
0x1b8: {  	v0 =	vld [tilespmem:s7+$0xFFFFFF10]  }
0x1b9: {  	v1 =	vld [tilespmem:s7+$0x10];
	_ =	sdelay $0x4  }
0x1ba: {  	v0 =	vadd.f32 v1, v0;
	_ =	sdelay $0x1  }
0x1bb: {  	v0 =	vmul.f32 $5.000000000e-01, v0  }
0x1bc: {  	s9 =	sadd.s32 $0x14140, s9  }
0x1bd: {  	[tilespmem:s9+$0x10] =	vst v0  }
0x1be: {  	v0 =	vld [tilespmem:s7+$0xFFFFFF20]  }
0x1bf: {  	v1 =	vld [tilespmem:s7+$0x20];
	_ =	sdelay $0x4  }
0x1c0: {  	v0 =	vadd.f32 v1, v0;
	_ =	sdelay $0x1  }
0x1c1: {  	v0 =	vmul.f32 $5.000000000e-01, v0;
	_ =	sdelay $0x1  }
0x1c2: {  	[tilespmem:s9+$0x20] =	vst v0  }
0x1c3: {  	v0 =	vld [tilespmem:s7+$0xFFFFFF30]  }
0x1c4: {  	v1 =	vld [tilespmem:s7+$0x30];
	_ =	sdelay $0x4  }
0x1c5: {  	v0 =	vadd.f32 v1, v0;
	_ =	sdelay $0x1  }
0x1c6: {  	v0 =	vmul.f32 $5.000000000e-01, v0;
	_ =	sdelay $0x1  }
0x1c7: {  	[tilespmem:s9+$0x30] =	vst v0  }
0x1c8: {  	v0 =	vld [tilespmem:s7+$0xFFFFFF40]  }
0x1c9: {  	v1 =	vld [tilespmem:s7+$0x40];
	_ =	sdelay $0x4  }
0x1ca: {  	v0 =	vadd.f32 v1, v0;
	_ =	sdelay $0x1  }
0x1cb: {  	v0 =	vmul.f32 $5.000000000e-01, v0;
	_ =	sdelay $0x1  }
0x1cc: {  	[tilespmem:s9+$0x40] =	vst v0  }
0x1cd: {  	v0 =	vld [tilespmem:s7+$0xFFFFFF50]  }
0x1ce: {  	v1 =	vld [tilespmem:s7+$0x50];
	_ =	sdelay $0x4  }
0x1cf: {  	v0 =	vadd.f32 v1, v0;
	_ =	sdelay $0x1  }
0x1d0: {  	v0 =	vmul.f32 $5.000000000e-01, v0;
	_ =	sdelay $0x1  }
0x1d1: {  	[tilespmem:s9+$0x50] =	vst v0  }
0x1d2: {  	v0 =	vld [tilespmem:s7+$0xFFFFFF60]  }
0x1d3: {  	v1 =	vld [tilespmem:s7+$0x60];
	_ =	sdelay $0x4  }
0x1d4: {  	v0 =	vadd.f32 v1, v0;
	_ =	sdelay $0x1  }
0x1d5: {  	v0 =	vmul.f32 $5.000000000e-01, v0;
	_ =	sdelay $0x1  }
0x1d6: {  	[tilespmem:s9+$0x60] =	vst v0  }
0x1d7: {  	v0 =	vld [tilespmem:s7+$0xFFFFFF70]  }
0x1d8: {  	v1 =	vld [tilespmem:s7+$0x70];
	_ =	sdelay $0x4  }
0x1d9: {  	v0 =	vadd.f32 v1, v0;
	_ =	sdelay $0x1  }
0x1da: {  	v0 =	vmul.f32 $5.000000000e-01, v0;
	_ =	sdelay $0x1  }
0x1db: {  	[tilespmem:s9+$0x70] =	vst v0  }
0x1dc: {  	v0 =	vld [tilespmem:s7+$0xFFFFFF80]  }
0x1dd: {  	v1 =	vld [tilespmem:s7+$0x80];
	_ =	sdelay $0x4  }
0x1de: {  	v0 =	vadd.f32 v1, v0;
	_ =	sdelay $0x1  }
0x1df: {  	v0 =	vmul.f32 $5.000000000e-01, v0;
	_ =	sdelay $0x1  }
0x1e0: {  	[tilespmem:s9+$0x400] =	vst v0  }
0x1e1: {  	v0 =	vld [tilespmem:s7+$0xFFFFFF90]  }
0x1e2: {  	v1 =	vld [tilespmem:s7+$0x90];
	_ =	sdelay $0x4  }
0x1e3: {  	v0 =	vadd.f32 v1, v0;
	_ =	sdelay $0x1  }
0x1e4: {  	v0 =	vmul.f32 $5.000000000e-01, v0;
	_ =	sdelay $0x1  }
0x1e5: {  	[tilespmem:s9+$0x410] =	vst v0  }
0x1e6: {  	v0 =	vld [tilespmem:s7+$0xFFFFFFA0]  }
0x1e7: {  	v1 =	vld [tilespmem:s7+$0xA0];
	_ =	sdelay $0x4  }
0x1e8: {  	v0 =	vadd.f32 v1, v0;
	_ =	sdelay $0x1  }
0x1e9: {  	v0 =	vmul.f32 $5.000000000e-01, v0;
	_ =	sdelay $0x1  }
0x1ea: {  	[tilespmem:s9+$0x420] =	vst v0  }
0x1eb: {  	v0 =	vld [tilespmem:s7+$0xFFFFFFB0]  }
0x1ec: {  	v1 =	vld [tilespmem:s7+$0xB0];
	_ =	sdelay $0x4  }
0x1ed: {  	v0 =	vadd.f32 v1, v0;
	_ =	sdelay $0x1  }
0x1ee: {  	v0 =	vmul.f32 $5.000000000e-01, v0;
	_ =	sdelay $0x1  }
0x1ef: {  	[tilespmem:s9+$0x430] =	vst v0  }
0x1f0: {  	v0 =	vld [tilespmem:s7+$0xFFFFFFC0]  }
0x1f1: {  	v1 =	vld [tilespmem:s7+$0xC0];
	_ =	sdelay $0x4  }
0x1f2: {  	v0 =	vadd.f32 v1, v0;
	_ =	sdelay $0x1  }
0x1f3: {  	v0 =	vmul.f32 $5.000000000e-01, v0;
	_ =	sdelay $0x1  }
0x1f4: {  	[tilespmem:s9+$0x440] =	vst v0  }
0x1f5: {  	v0 =	vld [tilespmem:s7+$0xFFFFFFD0]  }
0x1f6: {  	v1 =	vld [tilespmem:s7+$0xD0];
	_ =	sdelay $0x4  }
0x1f7: {  	v0 =	vadd.f32 v1, v0;
	_ =	sdelay $0x1  }
0x1f8: {  	v0 =	vmul.f32 $5.000000000e-01, v0;
	_ =	sdelay $0x1  }
0x1f9: {  	[tilespmem:s9+$0x450] =	vst v0  }
0x1fa: {  	v0 =	vld [tilespmem:s7+$0xFFFFFFE0]  }
0x1fb: {  	s15 =	simm.s32 $0x100;
	s10 =	simm.s32 $0xA240;
	v1 =	vld [tilespmem:s7+$0xE0]  }
.LBB2_8:
0x1fc: {  	_ =	sdelay $0x3  }
0x1fd: {  	p3 =	sne.s32 s15, $0x2700;
	s8 =	sadd.s32 $0x80, s8;
	s7 =	sadd.s32 $0x200, s7;
	v0 =	vadd.f32 v1, v0  }
0x1fe: {  	s19 =	smov.u32 s15;
	s15 =	sadd.s32 $0x100, s15  }
0x1ff: {  	v0 =	vmul.f32 $5.000000000e-01, v0;
	_ =	sdelay $0x1  }
0x200: {  	[tilespmem:s9+$0x460] =	vst v0  }
0x201: {  	v0 =	vld [tilespmem:s10+$0xFFFFFFF0]  }
0x202: {  	v1 =	vld [tilespmem:s10+$0xF0];
	s10 =	smov.u32 s7;
	_ =	sdelay $0x4  }
0x203: {  	v0 =	vadd.f32 v1, v0;
	_ =	sdelay $0x1  }
0x204: {  	v0 =	vmul.f32 $5.000000000e-01, v0;
	_ =	sdelay $0x1  }
0x205: {  	[tilespmem:s9+$0x470] =	vst v0  }
0x206: {  	v0 =	vld [tilespmem:s7+$0xFFFFFF00]  }
0x207: {  	v1 =	vld [tilespmem:s7+$0x0];
	_ =	sdelay $0x4  }
0x208: {  	v0 =	vadd.f32 v1, v0;
	_ =	sdelay $0x1  }
0x209: {  	s9 =	sand.u32 $0x3800, s19;
	s19 =	sand.u32 $0x380, s8;
	v0 =	vmul.f32 $5.000000000e-01, v0  }
0x20a: {  	s9 =	sor.u32 s19, s9  }
0x20b: {  	[tilespmem:s9+$0x14140] =	vst v0  }
0x20c: {  	v0 =	vld [tilespmem:s7+$0xFFFFFF10]  }
0x20d: {  	v1 =	vld [tilespmem:s7+$0x10];
	_ =	sdelay $0x4  }
0x20e: {  	v0 =	vadd.f32 v1, v0;
	_ =	sdelay $0x1  }
0x20f: {  	s9 =	sadd.s32 $0x14140, s9;
	v0 =	vmul.f32 $5.000000000e-01, v0;
	_ =	sdelay $0x1  }
0x210: {  	[tilespmem:s9+$0x10] =	vst v0  }
0x211: {  	v0 =	vld [tilespmem:s7+$0xFFFFFF20]  }
0x212: {  	v1 =	vld [tilespmem:s7+$0x20];
	_ =	sdelay $0x4  }
0x213: {  	v0 =	vadd.f32 v1, v0;
	_ =	sdelay $0x1  }
0x214: {  	v0 =	vmul.f32 $5.000000000e-01, v0;
	_ =	sdelay $0x1  }
0x215: {  	[tilespmem:s9+$0x20] =	vst v0  }
0x216: {  	v0 =	vld [tilespmem:s7+$0xFFFFFF30]  }
0x217: {  	v1 =	vld [tilespmem:s7+$0x30];
	_ =	sdelay $0x4  }
0x218: {  	v0 =	vadd.f32 v1, v0;
	_ =	sdelay $0x1  }
0x219: {  	v0 =	vmul.f32 $5.000000000e-01, v0;
	_ =	sdelay $0x1  }
0x21a: {  	[tilespmem:s9+$0x30] =	vst v0  }
0x21b: {  	v0 =	vld [tilespmem:s7+$0xFFFFFF40]  }
0x21c: {  	v1 =	vld [tilespmem:s7+$0x40];
	_ =	sdelay $0x4  }
0x21d: {  	v0 =	vadd.f32 v1, v0;
	_ =	sdelay $0x1  }
0x21e: {  	v0 =	vmul.f32 $5.000000000e-01, v0;
	_ =	sdelay $0x1  }
0x21f: {  	[tilespmem:s9+$0x40] =	vst v0  }
0x220: {  	v0 =	vld [tilespmem:s7+$0xFFFFFF50]  }
0x221: {  	v1 =	vld [tilespmem:s7+$0x50];
	_ =	sdelay $0x4  }
0x222: {  	v0 =	vadd.f32 v1, v0;
	_ =	sdelay $0x1  }
0x223: {  	v0 =	vmul.f32 $5.000000000e-01, v0;
	_ =	sdelay $0x1  }
0x224: {  	[tilespmem:s9+$0x50] =	vst v0  }
0x225: {  	v0 =	vld [tilespmem:s7+$0xFFFFFF60]  }
0x226: {  	v1 =	vld [tilespmem:s7+$0x60];
	_ =	sdelay $0x4  }
0x227: {  	v0 =	vadd.f32 v1, v0;
	_ =	sdelay $0x1  }
0x228: {  	v0 =	vmul.f32 $5.000000000e-01, v0;
	_ =	sdelay $0x1  }
0x229: {  	[tilespmem:s9+$0x60] =	vst v0  }
0x22a: {  	v0 =	vld [tilespmem:s7+$0xFFFFFF70]  }
0x22b: {  	v1 =	vld [tilespmem:s7+$0x70];
	_ =	sdelay $0x4  }
0x22c: {  	v0 =	vadd.f32 v1, v0;
	_ =	sdelay $0x1  }
0x22d: {  	v0 =	vmul.f32 $5.000000000e-01, v0;
	_ =	sdelay $0x1  }
0x22e: {  	[tilespmem:s9+$0x70] =	vst v0  }
0x22f: {  	v0 =	vld [tilespmem:s7+$0xFFFFFF80]  }
0x230: {  	v1 =	vld [tilespmem:s7+$0x80];
	_ =	sdelay $0x4  }
0x231: {  	v0 =	vadd.f32 v1, v0;
	_ =	sdelay $0x1  }
0x232: {  	v0 =	vmul.f32 $5.000000000e-01, v0;
	_ =	sdelay $0x1  }
0x233: {  	[tilespmem:s9+$0x400] =	vst v0  }
0x234: {  	v0 =	vld [tilespmem:s7+$0xFFFFFF90]  }
0x235: {  	v1 =	vld [tilespmem:s7+$0x90];
	_ =	sdelay $0x4  }
0x236: {  	v0 =	vadd.f32 v1, v0;
	_ =	sdelay $0x1  }
0x237: {  	v0 =	vmul.f32 $5.000000000e-01, v0;
	_ =	sdelay $0x1  }
0x238: {  	[tilespmem:s9+$0x410] =	vst v0  }
0x239: {  	v0 =	vld [tilespmem:s7+$0xFFFFFFA0]  }
0x23a: {  	v1 =	vld [tilespmem:s7+$0xA0];
	_ =	sdelay $0x4  }
0x23b: {  	v0 =	vadd.f32 v1, v0;
	_ =	sdelay $0x1  }
0x23c: {  	v0 =	vmul.f32 $5.000000000e-01, v0;
	_ =	sdelay $0x1  }
0x23d: {  	[tilespmem:s9+$0x420] =	vst v0  }
0x23e: {  	v0 =	vld [tilespmem:s7+$0xFFFFFFB0]  }
0x23f: {  	v1 =	vld [tilespmem:s7+$0xB0];
	_ =	sdelay $0x4  }
0x240: {  	v0 =	vadd.f32 v1, v0;
	_ =	sdelay $0x1  }
0x241: {  	v0 =	vmul.f32 $5.000000000e-01, v0;
	_ =	sdelay $0x1  }
0x242: {  	[tilespmem:s9+$0x430] =	vst v0  }
0x243: {  	v0 =	vld [tilespmem:s7+$0xFFFFFFC0]  }
0x244: {  	v1 =	vld [tilespmem:s7+$0xC0];
	_ =	sdelay $0x4  }
0x245: {  	v0 =	vadd.f32 v1, v0;
	_ =	sdelay $0x1  }
0x246: {  	v0 =	vmul.f32 $5.000000000e-01, v0;
	_ =	sdelay $0x1  }
0x247: {  	[tilespmem:s9+$0x440] =	vst v0  }
0x248: {  	v0 =	vld [tilespmem:s7+$0xFFFFFFD0]  }
0x249: {  	v1 =	vld [tilespmem:s7+$0xD0];
	_ =	sdelay $0x4  }
0x24a: {  	v0 =	vadd.f32 v1, v0;
	_ =	sdelay $0x1  }
.Ltmp7:
0x24b: {  	v0 =	vmul.f32 $5.000000000e-01, v0;
	(pc) =	sbr.rel @p3 .LBB2_8-.Ltmp7, $4  }
0x24c: {  	_ = 	snop  }
0x24d: {  	[tilespmem:s9+$0x450] =	vst v0  }
0x24e: {  	v0 =	vld [tilespmem:s7+$0xFFFFFFE0]  }
0x24f: {  	v1 =	vld [tilespmem:s7+$0xE0]  }
0x250: {  	_ =	sdelay $0x3  }
0x251: {  	v0 =	vadd.f32 v1, v0;
	_ =	sdelay $0x1  }
0x252: {  	v0 =	vmul.f32 $5.000000000e-01, v0;
	_ =	sdelay $0x1  }
0x253: {  	[tilespmem:s9+$0x460] =	vst v0  }
0x254: {  	v0 =	vld [tilespmem:s10+$0xFFFFFFF0]  }
0x255: {  	v63 =	vld [tilespmem:s10+$0xF0];
	_ =	sdelay $0x4  }
0x256: {  	v0 =	vadd.f32 v63, v0;
	_ =	sdelay $0x1  }
0x257: {  	s7 =	smul.u32 $0x500, s18;
	v0 =	vmul.f32 $5.000000000e-01, v0;
	_ =	sdelay $0x1  }
0x258: {  	s7 =	sadd.s32 s6, s7;
	[tilespmem:s9+$0x470] =	vst v0  }
0x259: {  	[hbm4b:s7+s2] =	stream.linear.scatter [tilespmem:s28], [sflag:$0x9], $0x2800, $0x38;
	[tilespmem:$0x19140] =	vst v63  }
.LBB2_10:
0x25a: {  	s8 =	sadd.s32 s14, s24  }
0x25b: {  	s7 =	simm.s32 @!p1 $0x8;
	p3 =	sgt.u32 s8, $0x9C3  }
0x25c: {  	_ =	swait.ge @!p1 [sflag:s7], $0x5000;
	s8 =	smul.u32 @!p3 $0xA, s8  }
0x25d: {  	[sflag:s7] =	ssyncset.done @!p1 $0x0;
	s9 =	simm.s32 @!p3 $0xF0  }
0x25e: {  	[sflag:s7] =	ssyncadd.s32 @!p1 $0xFFFFB000;
	s7 =	sadd.s32 @!p3 s5, s8;
	s8 =	simm.s32 @!p3 $0x0  }
0x25f: {  	[tilespmem:s9], [sflag:$0x4] =	stream.linear.gather @!p3 [hbm4b:s7+s8], $0x50, $0x38;
	[tilespmem:$0x19140] =	vst v63  }
0x260: {  	s7 =	simm.s32 @!p2 $0x3  }
0x261: {  	_ =	swait.ge @!p2 [sflag:s7], $0x50  }
0x262: {  	s8 =	simm.s32 @!p2 $0xA140;
	[sflag:s7] =	ssyncset.done @!p2 $0x0  }
.Ltmp8:
0x263: {  	[sflag:s7] =	ssyncadd.s32 @!p2 $0xFFFFFFB0;
	s7 =	simm.s32 @!p2 $0x50;
	(pc) =	sbr.rel @p1 .LBB2_14-.Ltmp8, $4  }
0x264: {  	[tilespmem:s8], [sflag:$0x7] =	stream.indirect.gather @!p2 [hbm4b:s4+s7], $0x100, s25, s7, $0xb8;
	[tilespmem:$0x19140] =	vst v63  }
0x265: {  	_ =	swait.ge [sflag:s0], $0x2800  }
0x266: {  	[sflag:s0] =	ssyncset.done $0x0  }
0x267: {  	[sflag:s0] =	ssyncadd.s32 $0xFFFFD800  }
0x268: {  	s7 =	simm.s32 $0xF240  }
0x269: {  	v0 =	vld [tilespmem:s7+$0xFFFFFF00]  }
0x26a: {  	v1 =	vld [tilespmem:s7+$0x0];
	_ =	sdelay $0x4  }
0x26b: {  	v0 =	vadd.f32 v1, v0  }
0x26c: {  	s8 =	simm.s32 $0x0  }
0x26d: {  	s9 =	sand.u32 $0x3800, s8;
	s10 =	sand.u32 $0x380, s8;
	v0 =	vmul.f32 $5.000000000e-01, v0  }
0x26e: {  	s9 =	sor.u32 s10, s9  }
0x26f: {  	[tilespmem:s9+$0x16940] =	vst v0  }
0x270: {  	v0 =	vld [tilespmem:s7+$0xFFFFFF10]  }
0x271: {  	v1 =	vld [tilespmem:s7+$0x10];
	_ =	sdelay $0x4  }
0x272: {  	v0 =	vadd.f32 v1, v0;
	_ =	sdelay $0x1  }
0x273: {  	v0 =	vmul.f32 $5.000000000e-01, v0  }
0x274: {  	s9 =	sadd.s32 $0x16940, s9  }
0x275: {  	[tilespmem:s9+$0x10] =	vst v0  }
0x276: {  	v0 =	vld [tilespmem:s7+$0xFFFFFF20]  }
0x277: {  	v1 =	vld [tilespmem:s7+$0x20];
	_ =	sdelay $0x4  }
0x278: {  	v0 =	vadd.f32 v1, v0;
	_ =	sdelay $0x1  }
0x279: {  	v0 =	vmul.f32 $5.000000000e-01, v0;
	_ =	sdelay $0x1  }
0x27a: {  	[tilespmem:s9+$0x20] =	vst v0  }
0x27b: {  	v0 =	vld [tilespmem:s7+$0xFFFFFF30]  }
0x27c: {  	v1 =	vld [tilespmem:s7+$0x30];
	_ =	sdelay $0x4  }
0x27d: {  	v0 =	vadd.f32 v1, v0;
	_ =	sdelay $0x1  }
0x27e: {  	v0 =	vmul.f32 $5.000000000e-01, v0;
	_ =	sdelay $0x1  }
0x27f: {  	[tilespmem:s9+$0x30] =	vst v0  }
0x280: {  	v0 =	vld [tilespmem:s7+$0xFFFFFF40]  }
0x281: {  	v1 =	vld [tilespmem:s7+$0x40];
	_ =	sdelay $0x4  }
0x282: {  	v0 =	vadd.f32 v1, v0;
	_ =	sdelay $0x1  }
0x283: {  	v0 =	vmul.f32 $5.000000000e-01, v0;
	_ =	sdelay $0x1  }
0x284: {  	[tilespmem:s9+$0x40] =	vst v0  }
0x285: {  	v0 =	vld [tilespmem:s7+$0xFFFFFF50]  }
0x286: {  	v1 =	vld [tilespmem:s7+$0x50];
	_ =	sdelay $0x4  }
0x287: {  	v0 =	vadd.f32 v1, v0;
	_ =	sdelay $0x1  }
0x288: {  	v0 =	vmul.f32 $5.000000000e-01, v0;
	_ =	sdelay $0x1  }
0x289: {  	[tilespmem:s9+$0x50] =	vst v0  }
0x28a: {  	v0 =	vld [tilespmem:s7+$0xFFFFFF60]  }
0x28b: {  	v1 =	vld [tilespmem:s7+$0x60];
	_ =	sdelay $0x4  }
0x28c: {  	v0 =	vadd.f32 v1, v0;
	_ =	sdelay $0x1  }
0x28d: {  	v0 =	vmul.f32 $5.000000000e-01, v0;
	_ =	sdelay $0x1  }
0x28e: {  	[tilespmem:s9+$0x60] =	vst v0  }
0x28f: {  	v0 =	vld [tilespmem:s7+$0xFFFFFF70]  }
0x290: {  	v1 =	vld [tilespmem:s7+$0x70];
	_ =	sdelay $0x4  }
0x291: {  	v0 =	vadd.f32 v1, v0;
	_ =	sdelay $0x1  }
0x292: {  	v0 =	vmul.f32 $5.000000000e-01, v0;
	_ =	sdelay $0x1  }
0x293: {  	[tilespmem:s9+$0x70] =	vst v0  }
0x294: {  	v0 =	vld [tilespmem:s7+$0xFFFFFF80]  }
0x295: {  	v1 =	vld [tilespmem:s7+$0x80];
	_ =	sdelay $0x4  }
0x296: {  	v0 =	vadd.f32 v1, v0;
	_ =	sdelay $0x1  }
0x297: {  	v0 =	vmul.f32 $5.000000000e-01, v0;
	_ =	sdelay $0x1  }
0x298: {  	[tilespmem:s9+$0x400] =	vst v0  }
0x299: {  	v0 =	vld [tilespmem:s7+$0xFFFFFF90]  }
0x29a: {  	v1 =	vld [tilespmem:s7+$0x90];
	_ =	sdelay $0x4  }
0x29b: {  	v0 =	vadd.f32 v1, v0;
	_ =	sdelay $0x1  }
0x29c: {  	v0 =	vmul.f32 $5.000000000e-01, v0;
	_ =	sdelay $0x1  }
0x29d: {  	[tilespmem:s9+$0x410] =	vst v0  }
0x29e: {  	v0 =	vld [tilespmem:s7+$0xFFFFFFA0]  }
0x29f: {  	v1 =	vld [tilespmem:s7+$0xA0];
	_ =	sdelay $0x4  }
0x2a0: {  	v0 =	vadd.f32 v1, v0;
	_ =	sdelay $0x1  }
0x2a1: {  	v0 =	vmul.f32 $5.000000000e-01, v0;
	_ =	sdelay $0x1  }
0x2a2: {  	[tilespmem:s9+$0x420] =	vst v0  }
0x2a3: {  	v0 =	vld [tilespmem:s7+$0xFFFFFFB0]  }
0x2a4: {  	v1 =	vld [tilespmem:s7+$0xB0];
	_ =	sdelay $0x4  }
0x2a5: {  	v0 =	vadd.f32 v1, v0;
	_ =	sdelay $0x1  }
0x2a6: {  	v0 =	vmul.f32 $5.000000000e-01, v0;
	_ =	sdelay $0x1  }
0x2a7: {  	[tilespmem:s9+$0x430] =	vst v0  }
0x2a8: {  	v0 =	vld [tilespmem:s7+$0xFFFFFFC0]  }
0x2a9: {  	v1 =	vld [tilespmem:s7+$0xC0];
	_ =	sdelay $0x4  }
0x2aa: {  	v0 =	vadd.f32 v1, v0;
	_ =	sdelay $0x1  }
0x2ab: {  	v0 =	vmul.f32 $5.000000000e-01, v0;
	_ =	sdelay $0x1  }
0x2ac: {  	[tilespmem:s9+$0x440] =	vst v0  }
0x2ad: {  	v0 =	vld [tilespmem:s7+$0xFFFFFFD0]  }
0x2ae: {  	v1 =	vld [tilespmem:s7+$0xD0];
	_ =	sdelay $0x4  }
0x2af: {  	v0 =	vadd.f32 v1, v0;
	_ =	sdelay $0x1  }
0x2b0: {  	v0 =	vmul.f32 $5.000000000e-01, v0;
	_ =	sdelay $0x1  }
0x2b1: {  	[tilespmem:s9+$0x450] =	vst v0  }
0x2b2: {  	v0 =	vld [tilespmem:s7+$0xFFFFFFE0]  }
0x2b3: {  	s15 =	simm.s32 $0x100;
	s10 =	simm.s32 $0xF240;
	v1 =	vld [tilespmem:s7+$0xE0]  }
.LBB2_12:
0x2b4: {  	_ =	sdelay $0x3  }
0x2b5: {  	p1 =	sne.s32 s15, $0x2700;
	s8 =	sadd.s32 $0x80, s8;
	s7 =	sadd.s32 $0x200, s7;
	v0 =	vadd.f32 v1, v0  }
0x2b6: {  	s18 =	smov.u32 s15;
	s15 =	sadd.s32 $0x100, s15  }
0x2b7: {  	v0 =	vmul.f32 $5.000000000e-01, v0;
	_ =	sdelay $0x1  }
0x2b8: {  	[tilespmem:s9+$0x460] =	vst v0  }
0x2b9: {  	v0 =	vld [tilespmem:s10+$0xFFFFFFF0]  }
0x2ba: {  	v1 =	vld [tilespmem:s10+$0xF0];
	s10 =	smov.u32 s7;
	_ =	sdelay $0x4  }
0x2bb: {  	v0 =	vadd.f32 v1, v0;
	_ =	sdelay $0x1  }
0x2bc: {  	v0 =	vmul.f32 $5.000000000e-01, v0;
	_ =	sdelay $0x1  }
0x2bd: {  	[tilespmem:s9+$0x470] =	vst v0  }
0x2be: {  	v0 =	vld [tilespmem:s7+$0xFFFFFF00]  }
0x2bf: {  	v1 =	vld [tilespmem:s7+$0x0];
	_ =	sdelay $0x4  }
0x2c0: {  	v0 =	vadd.f32 v1, v0;
	_ =	sdelay $0x1  }
0x2c1: {  	s9 =	sand.u32 $0x3800, s18;
	s18 =	sand.u32 $0x380, s8;
	v0 =	vmul.f32 $5.000000000e-01, v0  }
0x2c2: {  	s9 =	sor.u32 s18, s9  }
0x2c3: {  	[tilespmem:s9+$0x16940] =	vst v0  }
0x2c4: {  	v0 =	vld [tilespmem:s7+$0xFFFFFF10]  }
0x2c5: {  	v1 =	vld [tilespmem:s7+$0x10];
	_ =	sdelay $0x4  }
0x2c6: {  	v0 =	vadd.f32 v1, v0;
	_ =	sdelay $0x1  }
0x2c7: {  	s9 =	sadd.s32 $0x16940, s9;
	v0 =	vmul.f32 $5.000000000e-01, v0;
	_ =	sdelay $0x1  }
0x2c8: {  	[tilespmem:s9+$0x10] =	vst v0  }
0x2c9: {  	v0 =	vld [tilespmem:s7+$0xFFFFFF20]  }
0x2ca: {  	v1 =	vld [tilespmem:s7+$0x20];
	_ =	sdelay $0x4  }
0x2cb: {  	v0 =	vadd.f32 v1, v0;
	_ =	sdelay $0x1  }
0x2cc: {  	v0 =	vmul.f32 $5.000000000e-01, v0;
	_ =	sdelay $0x1  }
0x2cd: {  	[tilespmem:s9+$0x20] =	vst v0  }
0x2ce: {  	v0 =	vld [tilespmem:s7+$0xFFFFFF30]  }
0x2cf: {  	v1 =	vld [tilespmem:s7+$0x30];
	_ =	sdelay $0x4  }
0x2d0: {  	v0 =	vadd.f32 v1, v0;
	_ =	sdelay $0x1  }
0x2d1: {  	v0 =	vmul.f32 $5.000000000e-01, v0;
	_ =	sdelay $0x1  }
0x2d2: {  	[tilespmem:s9+$0x30] =	vst v0  }
0x2d3: {  	v0 =	vld [tilespmem:s7+$0xFFFFFF40]  }
0x2d4: {  	v1 =	vld [tilespmem:s7+$0x40];
	_ =	sdelay $0x4  }
0x2d5: {  	v0 =	vadd.f32 v1, v0;
	_ =	sdelay $0x1  }
0x2d6: {  	v0 =	vmul.f32 $5.000000000e-01, v0;
	_ =	sdelay $0x1  }
0x2d7: {  	[tilespmem:s9+$0x40] =	vst v0  }
0x2d8: {  	v0 =	vld [tilespmem:s7+$0xFFFFFF50]  }
0x2d9: {  	v1 =	vld [tilespmem:s7+$0x50];
	_ =	sdelay $0x4  }
0x2da: {  	v0 =	vadd.f32 v1, v0;
	_ =	sdelay $0x1  }
0x2db: {  	v0 =	vmul.f32 $5.000000000e-01, v0;
	_ =	sdelay $0x1  }
0x2dc: {  	[tilespmem:s9+$0x50] =	vst v0  }
0x2dd: {  	v0 =	vld [tilespmem:s7+$0xFFFFFF60]  }
0x2de: {  	v1 =	vld [tilespmem:s7+$0x60];
	_ =	sdelay $0x4  }
0x2df: {  	v0 =	vadd.f32 v1, v0;
	_ =	sdelay $0x1  }
0x2e0: {  	v0 =	vmul.f32 $5.000000000e-01, v0;
	_ =	sdelay $0x1  }
0x2e1: {  	[tilespmem:s9+$0x60] =	vst v0  }
0x2e2: {  	v0 =	vld [tilespmem:s7+$0xFFFFFF70]  }
0x2e3: {  	v1 =	vld [tilespmem:s7+$0x70];
	_ =	sdelay $0x4  }
0x2e4: {  	v0 =	vadd.f32 v1, v0;
	_ =	sdelay $0x1  }
0x2e5: {  	v0 =	vmul.f32 $5.000000000e-01, v0;
	_ =	sdelay $0x1  }
0x2e6: {  	[tilespmem:s9+$0x70] =	vst v0  }
0x2e7: {  	v0 =	vld [tilespmem:s7+$0xFFFFFF80]  }
0x2e8: {  	v1 =	vld [tilespmem:s7+$0x80];
	_ =	sdelay $0x4  }
0x2e9: {  	v0 =	vadd.f32 v1, v0;
	_ =	sdelay $0x1  }
0x2ea: {  	v0 =	vmul.f32 $5.000000000e-01, v0;
	_ =	sdelay $0x1  }
0x2eb: {  	[tilespmem:s9+$0x400] =	vst v0  }
0x2ec: {  	v0 =	vld [tilespmem:s7+$0xFFFFFF90]  }
0x2ed: {  	v1 =	vld [tilespmem:s7+$0x90];
	_ =	sdelay $0x4  }
0x2ee: {  	v0 =	vadd.f32 v1, v0;
	_ =	sdelay $0x1  }
0x2ef: {  	v0 =	vmul.f32 $5.000000000e-01, v0;
	_ =	sdelay $0x1  }
0x2f0: {  	[tilespmem:s9+$0x410] =	vst v0  }
0x2f1: {  	v0 =	vld [tilespmem:s7+$0xFFFFFFA0]  }
0x2f2: {  	v1 =	vld [tilespmem:s7+$0xA0];
	_ =	sdelay $0x4  }
0x2f3: {  	v0 =	vadd.f32 v1, v0;
	_ =	sdelay $0x1  }
0x2f4: {  	v0 =	vmul.f32 $5.000000000e-01, v0;
	_ =	sdelay $0x1  }
0x2f5: {  	[tilespmem:s9+$0x420] =	vst v0  }
0x2f6: {  	v0 =	vld [tilespmem:s7+$0xFFFFFFB0]  }
0x2f7: {  	v1 =	vld [tilespmem:s7+$0xB0];
	_ =	sdelay $0x4  }
0x2f8: {  	v0 =	vadd.f32 v1, v0;
	_ =	sdelay $0x1  }
0x2f9: {  	v0 =	vmul.f32 $5.000000000e-01, v0;
	_ =	sdelay $0x1  }
0x2fa: {  	[tilespmem:s9+$0x430] =	vst v0  }
0x2fb: {  	v0 =	vld [tilespmem:s7+$0xFFFFFFC0]  }
0x2fc: {  	v1 =	vld [tilespmem:s7+$0xC0];
	_ =	sdelay $0x4  }
0x2fd: {  	v0 =	vadd.f32 v1, v0;
	_ =	sdelay $0x1  }
0x2fe: {  	v0 =	vmul.f32 $5.000000000e-01, v0;
	_ =	sdelay $0x1  }
0x2ff: {  	[tilespmem:s9+$0x440] =	vst v0  }
0x300: {  	v0 =	vld [tilespmem:s7+$0xFFFFFFD0]  }
0x301: {  	v1 =	vld [tilespmem:s7+$0xD0];
	_ =	sdelay $0x4  }
0x302: {  	v0 =	vadd.f32 v1, v0;
	_ =	sdelay $0x1  }
.Ltmp9:
0x303: {  	v0 =	vmul.f32 $5.000000000e-01, v0;
	(pc) =	sbr.rel @p1 .LBB2_12-.Ltmp9, $4  }
0x304: {  	_ = 	snop  }
0x305: {  	[tilespmem:s9+$0x450] =	vst v0  }
0x306: {  	v0 =	vld [tilespmem:s7+$0xFFFFFFE0]  }
0x307: {  	v1 =	vld [tilespmem:s7+$0xE0]  }
0x308: {  	_ =	sdelay $0x3  }
0x309: {  	v0 =	vadd.f32 v1, v0;
	_ =	sdelay $0x1  }
0x30a: {  	v0 =	vmul.f32 $5.000000000e-01, v0;
	_ =	sdelay $0x1  }
0x30b: {  	[tilespmem:s9+$0x460] =	vst v0  }
0x30c: {  	v0 =	vld [tilespmem:s10+$0xFFFFFFF0]  }
0x30d: {  	v63 =	vld [tilespmem:s10+$0xF0];
	_ =	sdelay $0x4  }
0x30e: {  	v0 =	vadd.f32 v63, v0  }
.Ltmp10:
0x30f: {  	_ = 	snop;
	(pc) =	sbr.rel .LBB2_14-.Ltmp10, $3  }
0x310: {  	s7 =	smul.u32 $0x500, s22;
	v0 =	vmul.f32 $5.000000000e-01, v0;
	_ =	sdelay $0x1  }
0x311: {  	s7 =	sadd.s32 s6, s7;
	[tilespmem:s9+$0x470] =	vst v0  }
0x312: {  	[hbm4b:s7+s2] =	stream.linear.scatter [tilespmem:s30], [sflag:$0xA], $0x2800, $0x38;
	[tilespmem:$0x19140] =	vst v63  }
.LBB2_16:
0x313: {  	_ =	sfence.sel $0x180000  }
0x314: {  	[bflag:$0x0] =	sbarrier.arrive $0xFFFF  }
0x315: {  	_ =	strace $0x9000004A  }
0x316: {  	s0 =	stileid.u32;
	[bflag:$0x2] =	sbarrier.arrive $0xFFFF  }
0x317: {  	p0 =	sne.s32 s0, $0x0;
	s0 =	rddreg [dreg:$0x1]  }
0x318: {  	s0 =	sadd.s32 @!p0 $0x100000, s0  }
0x319: {  	[sflag:s0] =	ssyncadd.tile.s32 @!p0 $0x1;
	_ =	shalt  }
.Lfunc_end2:
_tile_overlayer_lowered:
.L_overlay_start_2:
0x31a: {  	(tag) =	ssettag $0x2  }
0x31b: {  	s0 =	rddreg [dreg:$0x0];
	s2 =	stileid.u32  }
0x31c: {  	s1 =	rddreg [dreg:$0x1];
	p0 =	sne.s32 s2, $0x0  }
0x31d: {  	s3 =	rddreg [dreg:$0x2];
	[bflag:$0x3] =	sbarrier.arrive $0xFFFF;
	s2 =	simm.s32 @!p0 $0x1C0B  }
0x31e: {  	[timem:s3], [sflag:s2] =	dma.local @!p0 [hbm:s0], s1  }
0x31f: {  	s0 =	simm.s32 @!p0 $0xB  }
0x320: {  	_ =	swait.ge @!p0 [sflag:s0], s1  }
0x321: {  	s1 =	ssub.s32 @!p0 $0x0, s1;
	[sflag:s0] =	ssyncset.done @!p0 $0x0  }
0x322: {  	[sflag:s0] =	ssyncadd.s32 @!p0 s1  }
0x323: {  	[bflag:$0x3] =	sbarrier.arrive $0xFFFF  }
0x324: {  	_ =	shalt  }

// kernel: sparse-core-data-format-call.cloned.1.call-start
scs
called_computation_lowered:
.L_overlay_start_0:
0x0: {  	s2 =	sld [smem:$0x3FD9]  }
0x1: {  	s3 =	sld [smem:$0x3FFE];
	_ =	sdelay $0x1  }
0x2: {  	s1 =	srdreg.scid  }
0x3: {  	s0 =	sand.u32 $0x1, s1  }
0x4: {  	s18 =	sshll.u32 s0, $0xA;
	s2 =	sadd.s32 s3, s2  }
0x5: {  	s2 =	sadd.s32 s2, s18  }
0x6: {  	[smem:$0x3FC6] =	sst s2  }
0x7: {  	_ = 	snop  }
0x8: {  	s2 =	sld [smem:$0x3FC9];
	(tm) =	ssettm $0x1  }
0x9: {  	s19 =	sld [smem:$0x3FFB];
	_ =	sdelay $0x3  }
0xa: {  	_ =	strace s19  }
0xb: {  	s3 =	sld [smem:$0x3FFC];
	_ =	sdelay $0x3  }
0xc: {  	_ =	strace s3  }
0xd: {  	s3 =	sld [smem:$0x3FFD];
	_ =	sdelay $0x3  }
0xe: {  	_ =	strace s3  }
0xf: {  	_ =	strace $0x8FFFFFFF  }
0x10: {  	s20 =	sld [smem:$0x3FDB];
	_ =	sdelay $0x1  }
0x11: {  	s4 =	simm.s32 $_scs_section_size  }
0x12: {  	s5 =	simm.s32 $_size__tile_overlayer_lowered;
	s6 =	simm.s32 $_tile_overlayer_lowered  }
0x13: {  	s23 =	simm.s32 $0x1BFF;
	s22 =	sshll.u32 s6, $0x1;
	s3 =	sadd.s32 s4, s20  }
0x14: {  	s7 =	simm.s32 $0x0;
	s21 =	sshll.u32 s5, $0x1;
	s5 =	sadd.s32 s22, s3  }
0x15: {  	[timem:s7], [sflag:s23] =	dma.local [hbm:s5], s21  }
0x16: {  	_ =	swait.ge [sflag:s23], s21  }
0x17: {  	s4 =	ssub.s32 $0x0, s21;
	[sflag:s23] =	ssyncset.done $0x0  }
0x18: {  	[sflag:s23] =	ssyncadd.s32 s4;
	_ =	sdelay $0x1  }
0x19: {  	s24 =	simm.s32 $0x1B8B  }
0x1a: {  	_ =	swait.ge [sflag:s24], $0x1  }
0x1b: {  	[sflag:s24] =	ssyncset.done $0x0  }
0x1c: {  	s26 =	simm.s32 $0x1B8E;
	s25 =	sld [smem:$0x3FFE];
	[sflag:s24] =	ssyncadd.s32 $0xFFFFFFFF  }
0x1d: {  	s27 =	simm.s32 $execute0_lowered;
	[smem:$0x3FD2] =	sst s26  }
0x1e: {  	s5 =	sshll.u32 s27, $0x1;
	_ =	strace $0x80000046;
	[dreg:$0x1] =	wrdreg $0xFFFFFFFF  }
0x1f: {  	s28 =	simm.s32 $_size_execute0_lowered;
	s3 =	sadd.s32 s3, s5;
	[dreg:$0x0] =	wrdreg $0x0  }
0x20: {  	s5 =	sshll.u32 s28, $0x1;
	[dreg:$0x2] =	wrdreg s3  }
0x21: {  	[dreg:$0x3] =	wrdreg s5  }
0x22: {  	[dreg:$0x4] =	wrdreg $0xC0  }
0x23: {  	_ =	task [dreg:s7], $0x5FFFF  }
0x24: {  	[dreg:$0x1] =	wrdreg $0xFFFFFFFF  }
0x25: {  	[dreg:$0x0] =	wrdreg $0x60  }
0x26: {  	[dreg:$0x2] =	wrdreg s2  }
0x27: {  	[dreg:$0x3] =	wrdreg s25  }
0x28: {  	[dreg:$0x4] =	wrdreg $0x9  }
0x29: {  	_ =	task.clear_ibuf [dreg:s7], $0x5FFFF;
	_ =	strace $0x90000046  }
0x2a: {  	s29 =	simm.s32 $0x9;
	_ =	strace $0x80000048  }
0x2b: {  	_ =	swait.ge [sflag:s29], $0x1  }
0x2c: {  	[sflag:s29] =	ssyncadd.s32 $0xFFFFFFFF  }
0x2d: {  	_ =	strace $0x90000048  }
0x2e: {  	_ =	sfence  }
0x2f: {  	s30 =	sld [smem:$0x0];
	_ =	sdelay $0x2  }
0x30: {  	s31 =	sshll.u32 s1, $0xD;
	s1 =	sshrl.u32 s1, $0x2  }
0x31: {  	s3 =	sand.u32 $0x4000, s31;
	s1 =	sadd.s32 s1, s30  }
0x32: {  	s0 =	sor.u32 s3, s0;
	s1 =	sshll.u32 s1, $0x11  }
0x33: {  	s0 =	sor.u32 s1, s0  }
0x34: {  	s0 =	sadd.s32 $0x8F2B, s0  }
0x35: {  	[sflag:s0] =	ssyncadd.remote.s32 $0x1  }
0x36: {  	_ =	sfence.sel $0xFFFF  }
0x37: {  	[dreg:$0x0] =	wrdreg $0xFFFFFFFF;
	(pc) =	sbr.abs _section_cstart, $3  }
0x38: {  	[dreg:$0x1] =	wrdreg $0xFFFFFFFF  }
0x39: {  	_ =	task.clear_ibuf [dreg:s7], $0x2FFFF;
	_ =	strace $0x9FFFFFFF  }
0x3a: {  	(tm) =	ssettm $0x7FFFFFFF  }
0x3b: {  	_ =	shalt  }
tec
execute0_lowered:
.L_overlay_start_1:
0x0: {  	(tag) =	ssettag $0x1  }
0x1: {  	s0 =	srdreg.scid;
	s2 =	rddreg [dreg:$0x0]  }
0x2: {  	s5 =	rddreg [dreg:$0x1];
	s1 =	stileid.u32  }
0x3: {  	s4 =	simm.s32 $0x1;
	s6 =	simm.s32 $0x2;
	s0 =	sshll.u32 s0, $0x4  }
0x4: {  	s8 =	simm.s32 $0x0;
	s9 =	simm.s32 $0x0;
	s3 =	sand.u32 $0x10, s0  }
.Ltmp0:
0x5: {  	s13 =	simm.s32 $0x0;
	s3 =	sor.u32 s1, s3;
	(pc) =	sbr.rel .LBB1_1-.Ltmp0, $4  }
0x6: {  	s0 =	rddreg [dreg:$0x2];
	_ =	strace $0x80000047;
	s3 =	sshll.u32 s3, $0x3  }
0x7: {  	s10 =	simm.s32 $0x0;
	[sflag:s4] =	ssyncpa.u1 $0x0;
	s7 =	ssub.s32 $0x1868, s3  }
0x8: {  	s12 =	simm.s32 $0x0;
	[sflag:s6] =	ssyncpa.u1 $0x0;
	s6 =	sshrl.u32 s7, $0x8  }
0x9: {  	s5 =	sadd.s32 $0xA00, s5;
	s11 =	smov.u32 s3;
	s7 =	sadd.s32 $0x2, s6  }
.LBB1_9:
0xa: {  	s15 =	sshll.u32 s12, $0xE  }
0xb: {  	s16 =	sshll.u32 s10, $0x8;
	s15 =	sand.u32 $0x4000, s15  }
0xc: {  	s16 =	sadd.s32 s5, s16;
	s15 =	sor.u32 $0x8000, s15  }
0xd: {  	[hbm4b:s16+s8] =	stream.linear.scatter [tilespmem:s15], [sflag:$0x2], s14, $0x38;
	[tilespmem:$0x10000] =	vst v63  }
.LBB1_10:
0xe: {  	p0 =	slt.u32 s12, $0x2  }
0xf: {  	p1 =	sgt.s32 @!p0 s13, $0x1862  }
0x10: {  	s14 =	smov.u32 s13;
	s15 =	sshra.s32 @!p0 s13, $0x1F;
	p1 =	por !p1, p0  }
0x11: {  	s13 =	sand.u32 @!p0 s15, s13;
	s14 =	simm.s32 @p1 $0x1862  }
0x12: {  	s13 =	ssub.s32 @!p0 s14, s13  }
0x13: {  	s13 =	sadd.s32 @!p0 $0xFFFFE79E, s13  }
0x14: {  	s14 =	sshll.u32 @!p0 s13, $0xD  }
0x15: {  	p1 =	sgt.s32 @!p0 s13, $0x7;
	s13 =	ssub.s32 @!p0 $0x10000, s14  }
0x16: {  	s15 =	sadd.s32 $0x100, s11;
	p1 =	por !p1, p0;
	s13 =	sshrl.u32 @!p0 s13, $0x2  }
0x17: {  	s13 =	simm.s32 @!p1 $0x0;
	p1 =	sgt.s32 s15, $0x1869  }
0x18: {  	s15 =	smov.u32 @p1 s3;
	p1 =	sne.s32 s12, s7  }
.Ltmp1:
0x19: {  	_ = 	snop;
	(pc) =	sbr.rel @!p1 .LBB1_11-.Ltmp1, $4  }
0x1a: {  	s14 =	simm.s32 @!p0 $0x2  }
0x1b: {  	s9 =	sadd.s32 $0x4000, s9;
	_ =	swait.ge @!p0 [sflag:s14], s13;
	s16 =	ssub.s32 @!p0 $0x0, s13  }
0x1c: {  	s13 =	smov.u32 s10;
	s12 =	sadd.s32 $0x1, s12;
	[sflag:s14] =	ssyncset.done @!p0 $0x0  }
0x1d: {  	s10 =	smov.u32 s11;
	s11 =	smov.u32 s15;
	[sflag:s14] =	ssyncadd.s32 @!p0 s16  }
.LBB1_1:
0x1e: {  	p0 =	sgt.u32 s12, s6  }
0x1f: {  	p1 =	sgt.s32 @!p0 s11, $0x1862  }
0x20: {  	s14 =	smov.u32 s11;
	s15 =	sshra.s32 @!p0 s11, $0x1F;
	p1 =	por !p1, p0  }
0x21: {  	s15 =	sand.u32 @!p0 s15, s11;
	s14 =	simm.s32 @p1 $0x1862  }
0x22: {  	s14 =	ssub.s32 @!p0 s14, s15  }
0x23: {  	s14 =	sadd.s32 @!p0 $0xFFFFE79E, s14  }
0x24: {  	s17 =	simm.s32 @!p0 $0x0;
	s15 =	sxor.u32 @!p0 $0xFFFFFFFF, s12;
	s16 =	sshll.u32 @!p0 s14, $0xD  }
0x25: {  	s15 =	sshll.u32 @!p0 s15, $0xE;
	p1 =	sgt.s32 @!p0 s14, $0x7;
	s14 =	ssub.s32 @!p0 $0x10000, s16  }
0x26: {  	p1 =	por !p1, p0;
	s16 =	sshll.u32 @!p0 s11, $0x8;
	s14 =	sshrl.u32 @!p0 s14, $0x2  }
0x27: {  	s15 =	sand.u32 @!p0 $0x4000, s15;
	s16 =	sadd.s32 @!p0 s2, s16;
	s14 =	simm.s32 @!p1 $0x0  }
0x28: {  	[tilespmem:s15], [sflag:$0x1] =	stream.linear.gather @!p0 [hbm4b:s16+s17], s14, $0x38;
	[tilespmem:$0x10000] =	vst v63  }
0x29: {  	p0 =	seq.s32 s12, $0x0  }
0x2a: {  	p1 =	sge.u32 @!p0 s12, s7  }
0x2b: {  	p0 =	por p0, p1  }
.Ltmp2:
0x2c: {  	_ = 	snop;
	(pc) =	sbr.rel @p0 .LBB1_10-.Ltmp2, $1  }
0x2d: {  	_ =	sdelay $0x3  }
0x2e: {  	p0 =	sgt.s32 s10, $0x1862;
	s14 =	smov.u32 s10;
	s15 =	sshra.s32 s10, $0x1F  }
0x2f: {  	s14 =	simm.s32 @!p0 $0x1862;
	s15 =	sand.u32 s15, s10  }
0x30: {  	s14 =	ssub.s32 s14, s15  }
0x31: {  	s16 =	sadd.s32 $0x8, s10;
	s14 =	sadd.s32 $0xFFFFE79E, s14  }
0x32: {  	p1 =	slt.s32 s16, $0x186A;
	s30 =	sshll.u32 s14, $0xD  }
0x33: {  	s16 =	simm.s32 @!p1 $0x186A;
	s15 =	ssub.s32 $0x10000, s30  }
0x34: {  	p0 =	sgt.s32 s14, $0x7;
	s14 =	sshrl.u32 s15, $0x2;
	s15 =	ssub.s32 s16, s10  }
0x35: {  	s14 =	simm.s32 @p0 $0x0;
	p0 =	slt.s32 s15, $0x1  }
.Ltmp3:
0x36: {  	_ = 	snop;
	(pc) =	sbr.rel @p0 .LBB1_9-.Ltmp3, $4  }
0x37: {  	_ = 	snop  }
0x38: {  	_ =	swait.ge [sflag:s4], s14  }
0x39: {  	s31 =	ssub.s32 $0x0, s14;
	[sflag:s4] =	ssyncset.done $0x0  }
0x3a: {  	[sflag:s4] =	ssyncadd.s32 s31  }
0x3b: {  	s16 =	sshll.u32 s9, $0x2  }
0x3c: {  	s16 =	sand.u32 $0x10000, s16  }
0x3d: {  	s16 =	sshrl.u32 s16, $0x2  }
0x3e: {  	s18 =	simm.s32 $0x0;
	s19 =	simm.s32 $0x0;
	s17 =	sor.u32 $0x8000, s16  }
.LBB1_4:
0x3f: {  	s20 =	sshra.s32 s18, $0x2  }
0x40: {  	v0 =	vmov s20;
	_ =	sdelay $0x3  }
0x41: {  	p1 =	por $0x1, $0x1;
	s20 =	simm.s32 $0x0  }
.LBB1_5:
0x42: {  	_ = 	snop  }
0x43: {  	s21 =	sshll.u32 s20, $0xA  }
0x44: {  	s21 =	sand.u32 $0x3FFFFC00, s21  }
0x45: {  	s21 =	sadd.s32 s21, s16  }
0x46: {  	v5 =	vld.idx.msk [tilespmem:v0+s21+$0x70 ss:$0x1], $0xffff  }
0x47: {  	v6 =	vld.idx.msk [tilespmem:v0+s21+$0x10 ss:$0x1], $0xffff  }
0x48: {  	v7 =	vld.idx.msk [tilespmem:v0+s21+$0x20 ss:$0x1], $0xffff  }
0x49: {  	s31 =	sshll.u32 s20, $0x7;
	v1 =	vld.idx.msk [tilespmem:v0+s21+$0x30 ss:$0x1], $0xffff  }
0x4a: {  	s20 =	sand.u32 $0x3FFFFF80, s31;
	v2 =	vld.idx.msk [tilespmem:v0+s21+$0x40 ss:$0x1], $0xffff  }
0x4b: {  	s20 =	sadd.s32 s20, s17;
	v3 =	vld.idx.msk [tilespmem:v0+s21+$0x50 ss:$0x1], $0xffff  }
0x4c: {  	v4 =	vld.idx.msk [tilespmem:v0+s21+$0x60 ss:$0x1], $0xffff;
	[tilespmem:v0+s20+$0x70 ss:$0x1] =	vst.idx.msk $0xffff, v5  }
0x4d: {  	v5 =	vld.idx.msk [tilespmem:v0+s21+$0x0 ss:$0x1], $0xffff;
	[tilespmem:v0+s20+$0x10 ss:$0x1] =	vst.idx.msk $0xffff, v6;
	s21 =	sadd.s32 $0x80, s21  }
0x4e: {  	p0 =	por p1, p1;
	s22 =	simm.s32 $0x6;
	[tilespmem:v0+s20+$0x20 ss:$0x1] =	vst.idx.msk $0xffff, v7;
	v6 =	vld.idx.msk [tilespmem:v0+s21+$0x70 ss:$0x1], $0xffff  }
.LBB1_6:
0x4f: {  	p1 =	sne.s32 s22, $0x1;
	v7 =	vld.idx.msk [tilespmem:v0+s21+$0x10 ss:$0x1], $0xffff;
	[tilespmem:v0+s20+$0x30 ss:$0x1] =	vst.idx.msk $0xffff, v1  }
0x50: {  	v8 =	vld.idx.msk [tilespmem:v0+s21+$0x20 ss:$0x1], $0xffff;
	[tilespmem:v0+s20+$0x40 ss:$0x1] =	vst.idx.msk $0xffff, v2  }
0x51: {  	v1 =	vld.idx.msk [tilespmem:v0+s21+$0x30 ss:$0x1], $0xffff;
	[tilespmem:v0+s20+$0x50 ss:$0x1] =	vst.idx.msk $0xffff, v3  }
.Ltmp4:
0x52: {  	v2 =	vld.idx.msk [tilespmem:v0+s21+$0x40 ss:$0x1], $0xffff;
	[tilespmem:v0+s20+$0x60 ss:$0x1] =	vst.idx.msk $0xffff, v4;
	(pc) =	sbr.rel @p1 .LBB1_6-.Ltmp4, $4  }
0x53: {  	v3 =	vld.idx.msk [tilespmem:v0+s21+$0x50 ss:$0x1], $0xffff;
	[tilespmem:v0+s20+$0x0 ss:$0x1] =	vst.idx.msk $0xffff, v5;
	s20 =	sadd.s32 $0x100, s20  }
0x54: {  	v4 =	vld.idx.msk [tilespmem:v0+s21+$0x60 ss:$0x1], $0xffff;
	[tilespmem:v0+s20+$0x70 ss:$0x1] =	vst.idx.msk $0xffff, v6  }
0x55: {  	v5 =	vld.idx.msk [tilespmem:v0+s21+$0x0 ss:$0x1], $0xffff;
	[tilespmem:v0+s20+$0x10 ss:$0x1] =	vst.idx.msk $0xffff, v7;
	s21 =	sadd.s32 $0x80, s21  }
0x56: {  	s22 =	sadd.s32 $0xFFFFFFFF, s22;
	v6 =	vld.idx.msk [tilespmem:v0+s21+$0x70 ss:$0x1], $0xffff;
	[tilespmem:v0+s20+$0x20 ss:$0x1] =	vst.idx.msk $0xffff, v8  }
0x57: {  	_ =	sdelay $0x3  }
0x58: {  	[tilespmem:v0+s20+$0x30 ss:$0x1] =	vst.idx.msk $0xffff, v1  }
0x59: {  	v1 =	vld.idx.msk [tilespmem:v0+s21+$0x10 ss:$0x1], $0xffff;
	[tilespmem:v0+s20+$0x40 ss:$0x1] =	vst.idx.msk $0xffff, v2  }
0x5a: {  	v2 =	vld.idx.msk [tilespmem:v0+s21+$0x20 ss:$0x1], $0xffff;
	[tilespmem:v0+s20+$0x50 ss:$0x1] =	vst.idx.msk $0xffff, v3  }
0x5b: {  	v61 =	vld.idx.msk [tilespmem:v0+s21+$0x40 ss:$0x1], $0xffff;
	[tilespmem:v0+s20+$0x60 ss:$0x1] =	vst.idx.msk $0xffff, v4  }
0x5c: {  	s31 =	sadd.s32 $0x100, s20;
	v62 =	vld.idx.msk [tilespmem:v0+s21+$0x50 ss:$0x1], $0xffff;
	[tilespmem:v0+s20+$0x0 ss:$0x1] =	vst.idx.msk $0xffff, v5  }
0x5d: {  	v63 =	vld.idx.msk [tilespmem:v0+s21+$0x60 ss:$0x1], $0xffff;
	[tilespmem:v0+s31+$0x70 ss:$0x1] =	vst.idx.msk $0xffff, v6  }
0x5e: {  	v3 =	vld.idx.msk [tilespmem:v0+s21+$0x30 ss:$0x1], $0xffff;
	[tilespmem:v0+s31+$0x10 ss:$0x1] =	vst.idx.msk $0xffff, v1  }
0x5f: {  	v1 =	vld.idx.msk [tilespmem:v0+s21+$0x0 ss:$0x1], $0xffff;
	[tilespmem:v0+s31+$0x20 ss:$0x1] =	vst.idx.msk $0xffff, v2  }
.Ltmp5:
0x60: {  	[tilespmem:v0+s31+$0x40 ss:$0x1] =	vst.idx.msk $0xffff, v61;
	(pc) =	sbr.rel @p0 .LBB1_5-.Ltmp5, $4  }
0x61: {  	[tilespmem:v0+s31+$0x50 ss:$0x1] =	vst.idx.msk $0xffff, v62  }
0x62: {  	[tilespmem:v0+s31+$0x60 ss:$0x1] =	vst.idx.msk $0xffff, v63  }
0x63: {  	[tilespmem:v0+s31+$0x30 ss:$0x1] =	vst.idx.msk $0xffff, v3  }
0x64: {  	p1 =	por $0x0, $0x0;
	s20 =	simm.s32 $0x1;
	[tilespmem:v0+s31+$0x0 ss:$0x1] =	vst.idx.msk $0xffff, v1  }
0x65: {  	s19 =	sadd.s32 $0x1, s19  }
0x66: {  	p0 =	sne.s32 s19, s15  }
.Ltmp6:
0x67: {  	_ = 	snop;
	(pc) =	sbr.rel @p0 .LBB1_4-.Ltmp6, $4  }
.Ltmp7:
0x68: {  	_ = 	snop;
	(pc) =	sbr.rel @!p0 .LBB1_9-.Ltmp7, $4  }
0x69: {  	_ = 	snop  }
0x6a: {  	_ = 	snop  }
0x6b: {  	s18 =	sadd.s32 $0x2000, s18  }
0x6c: {  	_ = 	snop  }
.LBB1_11:
0x6d: {  	_ =	sfence.sel $0x180000  }
0x6e: {  	s2 =	simm.s32 $0x1;
	[bflag:$0x0] =	sbarrier.arrive $0xFFFF  }
0x6f: {  	s31 =	simm.s32 $0x2;
	[sflag:s2] =	ssyncpa.u1 $0x1  }
0x70: {  	[sflag:s31] =	ssyncpa.u1 $0x1  }
0x71: {  	p0 =	sne.s32 s1, $0x0;
	_ =	strace $0x90000047  }
0x72: {  	s0 =	sadd.s32 @!p0 $0x100000, s0;
	[bflag:$0x2] =	sbarrier.arrive $0xFFFF  }
0x73: {  	[sflag:s0] =	ssyncadd.tile.s32 @!p0 $0x1;
	_ =	shalt  }
.Lfunc_end1:
_tile_overlayer_lowered:
.L_overlay_start_2:
0x74: {  	(tag) =	ssettag $0x2  }
0x75: {  	s0 =	rddreg [dreg:$0x0];
	s2 =	stileid.u32  }
0x76: {  	s1 =	rddreg [dreg:$0x1];
	p0 =	sne.s32 s2, $0x0  }
0x77: {  	s3 =	rddreg [dreg:$0x2];
	[bflag:$0x3] =	sbarrier.arrive $0xFFFF;
	s2 =	simm.s32 @!p0 $0x1C01  }
0x78: {  	[timem:s3], [sflag:s2] =	dma.local @!p0 [hbm:s0], s1  }
0x79: {  	s0 =	simm.s32 @!p0 $0x1  }
0x7a: {  	_ =	swait.ge @!p0 [sflag:s0], s1  }
0x7b: {  	s1 =	ssub.s32 @!p0 $0x0, s1;
	[sflag:s0] =	ssyncset.done @!p0 $0x0  }
0x7c: {  	[sflag:s0] =	ssyncadd.s32 @!p0 s1  }
0x7d: {  	[bflag:$0x3] =	sbarrier.arrive $0xFFFF  }
0x7e: {  	_ =	shalt  }

</sc_bundles>
